<compile_context>
chip_gen: v7x
topology: tpu7x:2x2x1
jax: 0.10.2.dev20260603
libtpu: 0.0.44.dev20260713+nightly
codegen_flags: <defaults>
</compile_context>

<pallas_src>
import functools

import jax
import jax.numpy as jnp
from jax import lax
from jax.experimental import pallas as pl
from jax.experimental.pallas import tpu as pltpu
from jax.experimental.pallas import tpu_sc as plsc

B = 2
L = 256
D_IN = 768
P = 256
Q = 1024
BL = B * L
ROWS = 2 * BL


def _tc_tables(enc_ref, w_ref, bproj_ref, wattn_ref, c_ref, z_ref):
    enc = enc_ref[...]
    w = w_ref[...]
    x = lax.dot_general(enc, w, (((1,), (1,)), ((), ())),
                        preferred_element_type=jnp.float32)
    x = x + bproj_ref[...]
    wa = wattn_ref[...]
    lrow = lax.dot_general(wa, x, (((1,), (1,)), ((), ())),
                           preferred_element_type=jnp.float32)
    m0 = jnp.max(lrow[:, 0:L])
    m1 = jnp.max(lrow[:, L:BL])
    ci1 = lax.broadcasted_iota(jnp.int32, (1, BL), 1)
    m = jnp.where(ci1 < L, m0, m1)
    evr = jnp.exp(lrow - m)
    ri = lax.broadcasted_iota(jnp.int32, (BL, BL), 0)
    ci = lax.broadcasted_iota(jnp.int32, (BL, BL), 1)
    same = (ri // L) == (ci // L)
    tri_inc = jnp.where((ci <= ri) & same, 1.0, 0.0)
    tri_exc = jnp.where((ci < ri) & same, 1.0, 0.0)
    c_ref[0:BL, :] = lax.dot_general(
        tri_inc * evr, x, (((1,), (0,)), ((), ())),
        preferred_element_type=jnp.float32)
    c_ref[BL:ROWS, :] = lax.dot_general(
        tri_exc * evr, x, (((1,), (0,)), ((), ())),
        preferred_element_type=jnp.float32)
    zrow = lax.dot_general(evr, tri_inc, (((1,), (1,)), ((), ())),
                           preferred_element_type=jnp.float32)
    z_ref[0:1, :] = zrow
    z_ref[1:2, :] = zrow - evr


_NC, _NS = 2, 16
_NW = _NC * _NS
_QH = Q // _NW
_QPW = 2 * _QH
_CH = _QPW // 16


def _sc_gather(ctab, ztab, qb, s1, e1, s2, e2):
    mesh = plsc.VectorSubcoreMesh(core_axis_name="c", subcore_axis_name="s")

    @functools.partial(
        pl.kernel,
        out_type=[jax.ShapeDtypeStruct((Q, P), jnp.float32),
                  jax.ShapeDtypeStruct((Q, P), jnp.float32)],
        mesh=mesh,
        compiler_params=pltpu.CompilerParams(needs_layout_passes=False),
        scratch_types=[
            pltpu.VMEM((_QPW,), jnp.int32),
            pltpu.VMEM((_QPW,), jnp.int32),
            pltpu.VMEM((_QPW,), jnp.int32),
            pltpu.VMEM((_QPW,), jnp.int32),
            pltpu.VMEM((_QPW,), jnp.int32),
            pltpu.VMEM((2, BL), jnp.float32),
            pltpu.VMEM((_QPW,), jnp.float32),
            pltpu.VMEM((_QPW, P), jnp.float32),
            pltpu.VMEM((_QPW, P), jnp.float32),
            pltpu.VMEM((_QPW, P), jnp.float32),
            pltpu.SemaphoreType.DMA,
            pltpu.SemaphoreType.DMA,
            pltpu.SemaphoreType.DMA,
            pltpu.SemaphoreType.DMA,
        ],
    )
    def k(ctab_hbm, ztab_hbm, qb_hbm, s1_hbm, e1_hbm, s2_hbm, e2_hbm,
          out1_hbm, out2_hbm,
          qb_v, s_v, e_v, ie_v, is_v, z_v, rec_v, bufe, bufs, obuf,
          sem_a, sem_b, sem_i, sem_o):
        wid = lax.axis_index("s") * _NC + lax.axis_index("c")
        base = wid * _QH

        cz = pltpu.async_copy(ztab_hbm, z_v, sem_i)
        c0 = pltpu.async_copy(qb_hbm.at[pl.ds(base, _QH)],
                              qb_v.at[pl.ds(0, _QH)], sem_i)
        c1 = pltpu.async_copy(qb_hbm.at[pl.ds(base, _QH)],
                              qb_v.at[pl.ds(_QH, _QH)], sem_i)
        c2 = pltpu.async_copy(s1_hbm.at[pl.ds(base, _QH)],
                              s_v.at[pl.ds(0, _QH)], sem_i)
        c3 = pltpu.async_copy(s2_hbm.at[pl.ds(base, _QH)],
                              s_v.at[pl.ds(_QH, _QH)], sem_i)
        c4 = pltpu.async_copy(e1_hbm.at[pl.ds(base, _QH)],
                              e_v.at[pl.ds(0, _QH)], sem_i)
        c5 = pltpu.async_copy(e2_hbm.at[pl.ds(base, _QH)],
                              e_v.at[pl.ds(_QH, _QH)], sem_i)
        for cp in (c0, c1, c2, c3, c4, c5):
            cp.wait()

        for c in range(_CH):
            sl = pl.ds(c * 16, 16)
            row = qb_v[sl] * L
            ie_v[sl] = row + e_v[sl]
            is_v[sl] = row + s_v[sl] + BL

        h0 = pl.ds(0, _QH)
        h1 = pl.ds(_QH, _QH)
        ge0 = pltpu.async_copy(ctab_hbm.at[ie_v.at[h0]], bufe.at[h0], sem_a)
        gs0 = pltpu.async_copy(ctab_hbm.at[is_v.at[h0]], bufs.at[h0], sem_a)
        ge1 = pltpu.async_copy(ctab_hbm.at[ie_v.at[h1]], bufe.at[h1], sem_b)
        gs1 = pltpu.async_copy(ctab_hbm.at[is_v.at[h1]], bufs.at[h1], sem_b)

        cz.wait()
        t0 = jnp.zeros((16,), jnp.int32)
        t1 = t0 + 1
        for c in range(_CH):
            sl = pl.ds(c * 16, 16)
            ze = plsc.load_gather(z_v, [t0, ie_v[sl]])
            zs = plsc.load_gather(z_v, [t1, is_v[sl] - BL])
            valid = s_v[sl] <= e_v[sl]
            rec_v[sl] = jnp.where(valid, 1.0 / (ze - zs), 0.0)

        def qbody(q):
            r = plsc.load_gather(rec_v, [jnp.zeros((16,), jnp.int32) + q])
            for f in range(P // 16):
                fsl = pl.ds(f * 16, 16)
                obuf[q, fsl] = (bufe[q, fsl] - bufs[q, fsl]) * r

        ge0.wait()
        gs0.wait()
        plsc.parallel_loop(0, _QH, unroll=4)(qbody)
        o1 = pltpu.async_copy(obuf.at[h0], out1_hbm.at[pl.ds(base, _QH)],
                              sem_o)
        ge1.wait()
        gs1.wait()
        plsc.parallel_loop(_QH, _QPW, unroll=4)(qbody)
        o2 = pltpu.async_copy(obuf.at[h1], out2_hbm.at[pl.ds(base, _QH)],
                              sem_o)
        o1.wait()
        o2.wait()

    return k(ctab, ztab, qb, s1, e1, s2, e2)


def kernel(flag, encoded_input, start_ids_1, end_ids_1, query_batch_idx,
           start_ids_2, end_ids_2, W_proj, b_proj, w_attn, b_attn):
    enc2 = encoded_input.reshape(BL, D_IN).astype(jnp.float32)
    ctab, ztab = pl.pallas_call(
        _tc_tables,
        out_shape=[
            jax.ShapeDtypeStruct((ROWS, P), jnp.float32),
            jax.ShapeDtypeStruct((2, BL), jnp.float32),
        ],
    )(enc2, W_proj.astype(jnp.float32),
      b_proj.reshape(1, P).astype(jnp.float32),
      w_attn.reshape(1, P).astype(jnp.float32))
    res1, res2 = _sc_gather(
        ctab, ztab,
        query_batch_idx.astype(jnp.int32),
        start_ids_1.astype(jnp.int32), end_ids_1.astype(jnp.int32),
        start_ids_2.astype(jnp.int32), end_ids_2.astype(jnp.int32))
    return res1, res2

# --- scband reference (transcript-rebuilt; emitter-appended) ---
"""Pipeline reference for scband-attn-span-repr-69750268887128 (READ-ONLY COPY).

The authoritative reference and input builder live on the scoring server;
editing this copy changes nothing except your own understanding.
"""

import jax, jax.numpy as jnp
import numpy as np


def setup_inputs(seed: int = 0) -> dict:
    key = jax.random.key(seed)
    ks = jax.random.split(key, 10)
    bsz, seq, in_dim, proj_dim, Q = 2, 256, 768, 256, 1024
    encoded_input = jax.random.normal(ks[0], (bsz, seq, in_dim), dtype=jnp.float32)
    start_ids_1 = jax.random.randint(ks[1], (Q,), 0, seq)
    end_ids_1 = jax.random.randint(ks[2], (Q,), 0, seq)
    query_batch_idx = jax.random.randint(ks[3], (Q,), 0, bsz)
    start_ids_2 = jax.random.randint(ks[4], (Q,), 0, seq)
    end_ids_2 = jax.random.randint(ks[5], (Q,), 0, seq)
    W_proj = jax.random.normal(ks[6], (proj_dim, in_dim), dtype=jnp.float32) * (1.0 / np.sqrt(in_dim))
    b_proj = jnp.zeros((proj_dim,), dtype=jnp.float32)
    w_attn = jax.random.normal(ks[7], (1, proj_dim), dtype=jnp.float32) * (1.0 / np.sqrt(proj_dim))
    b_attn = jnp.zeros((1,), dtype=jnp.float32)
    return {"flag": 1, "encoded_input": encoded_input, "start_ids_1": start_ids_1, "end_ids_1": end_ids_1, "query_batch_idx": query_batch_idx, "start_ids_2": start_ids_2, "end_ids_2": end_ids_2, "W_proj": W_proj, "b_proj": b_proj, "w_attn": w_attn, "b_attn": b_attn}


def _span_repr(enc, W_proj, b_proj, w_attn, b_attn):
    # use_proj=True: project first
    x = jnp.einsum('bli,pi->blp', enc, W_proj) + b_proj  # [B, L, hd]
    L = x.shape[1]
    # attention logits per token: Linear(hd -> 1)
    logits = jnp.einsum('blp,op->blo', x, w_attn)[..., 0] + b_attn[0]  # [B, L]
    pos = jnp.arange(L)
    # span_mask[s, e, l] = 1 if s <= l <= e (matches get_span_mask over all (start,end) pairs)
    span_mask = ((pos[None, None, :] >= pos[:, None, None]) & (pos[None, None, :] <= pos[None, :, None])).astype(jnp.float32)  # [L, L, L]
    attn_mask = (1.0 - span_mask) * (-10000000000.0)
    attn_logits = logits[:, None, None, :] + attn_mask[None, :, :, :]  # [B, L, L, L]
    attention_wts = jax.nn.softmax(attn_logits, axis=-1)
    # attention_term[b, s, e, :] = sum_l wts[b, s, e, l] * x[b, l, :]
    span = jnp.einsum('bsel,bld->bsed', attention_wts, x)  # [B, L, L, hd]
    # entries with start > end stay zero in the original span_repr buffer
    valid = (pos[:, None] <= pos[None, :]).astype(jnp.float32)  # [L, L]
    return span * valid[None, :, :, None]


def reference(flag, encoded_input, start_ids_1, end_ids_1, query_batch_idx, start_ids_2, end_ids_2, W_proj, b_proj, w_attn, b_attn):
    span_repr = _span_repr(encoded_input, W_proj, b_proj, w_attn, b_attn)
    res1 = span_repr[query_batch_idx, start_ids_1, end_ids_1, :]
    res2 = span_repr[query_batch_idx, start_ids_2, end_ids_2, :]
    return (res1, res2)

if __name__ == "__main__":
    import jax
    _d = setup_inputs()
    print(jax.jit(kernel)(*tuple(_d.values())))

</pallas_src>

<mosaic_0001>
#map = affine_map<(d0, d1) -> (0, 0)>
#map1 = affine_map<(d0, d1) -> (0)>
module attributes {stable_mosaic.version = 14 : i64} {
  func.func @k(%arg0: i32, %arg1: i32, %arg2: memref<1024x256xf32, #tpu.memory_space<hbm>>, %arg3: memref<2x512xf32, #tpu.memory_space<hbm>>, %arg4: memref<1024xi32, #tpu.memory_space<hbm>>, %arg5: memref<1024xi32, #tpu.memory_space<hbm>>, %arg6: memref<1024xi32, #tpu.memory_space<hbm>>, %arg7: memref<1024xi32, #tpu.memory_space<hbm>>, %arg8: memref<1024xi32, #tpu.memory_space<hbm>>, %arg9: memref<1024x256xf32, #tpu.memory_space<hbm>>, %arg10: memref<1024x256xf32, #tpu.memory_space<hbm>>, %arg11: memref<64xi32, #tpu.memory_space<vmem>>, %arg12: memref<64xi32, #tpu.memory_space<vmem>>, %arg13: memref<64xi32, #tpu.memory_space<vmem>>, %arg14: memref<64xi32, #tpu.memory_space<vmem>>, %arg15: memref<64xi32, #tpu.memory_space<vmem>>, %arg16: memref<2x512xf32, #tpu.memory_space<vmem>>, %arg17: memref<64xf32, #tpu.memory_space<vmem>>, %arg18: memref<64x256xf32, #tpu.memory_space<vmem>>, %arg19: memref<64x256xf32, #tpu.memory_space<vmem>>, %arg20: memref<64x256xf32, #tpu.memory_space<vmem>>, %arg21: memref<!tpu.dma_semaphore, #tpu.memory_space<semaphore_mem>>, %arg22: memref<!tpu.dma_semaphore, #tpu.memory_space<semaphore_mem>>, %arg23: memref<!tpu.dma_semaphore, #tpu.memory_space<semaphore_mem>>, %arg24: memref<!tpu.dma_semaphore, #tpu.memory_space<semaphore_mem>>) attributes {dimension_semantics = [#tpu.dimension_semantics<core_parallel>, #tpu.dimension_semantics<subcore_parallel>], iteration_bounds = array<i64: 2, 16>, scalar_prefetch = 0 : i64, scratch_operands = 14 : i64, tpu.core_type = #tpu.core_type<sc_vector_subcore>, window_params = [{transform_indices = #map}, {transform_indices = #map}, {transform_indices = #map1}, {transform_indices = #map1}, {transform_indices = #map1}, {transform_indices = #map1}, {transform_indices = #map1}, {transform_indices = #map}, {transform_indices = #map}]} {
    %mul3A = arith.constant 2 : i32
    %mul3A_0 = arith.muli %arg1, %mul3A : i32
    %add3A = arith.addi %mul3A_0, %arg0 : i32
    %mul3A_1 = arith.constant 32 : i32
    %mul3A_2 = arith.muli %add3A, %mul3A_1 : i32
    tpu.enqueue_dma source(%arg3 : memref<2x512xf32, #tpu.memory_space<hbm>>) target(%arg16 : memref<2x512xf32, #tpu.memory_space<vmem>>) target_semaphore(%arg23 : memref<!tpu.dma_semaphore, #tpu.memory_space<semaphore_mem>>)
    %dma_start3A = arith.constant 0 : i32
    %dma_start3A_3 = tpu.memref_slice %arg11[%dma_start3A] : memref<64xi32, #tpu.memory_space<vmem>> -> memref<32xi32, #tpu.memory_space<vmem>>
    %dma_start3A_4 = tpu.memref_slice %arg4[%mul3A_2] : memref<1024xi32, #tpu.memory_space<hbm>> -> memref<32xi32, #tpu.memory_space<hbm>>
    %dma_start3A_5 = arith.constant 0 : i32
    %dma_start3A_6 = tpu.memref_slice %arg11[%dma_start3A_5] : memref<64xi32, #tpu.memory_space<vmem>> -> memref<32xi32, #tpu.memory_space<vmem>>
    %dma_start3A_7 = tpu.memref_slice %arg4[%mul3A_2] : memref<1024xi32, #tpu.memory_space<hbm>> -> memref<32xi32, #tpu.memory_space<hbm>>
    tpu.enqueue_dma source(%dma_start3A_7 : memref<32xi32, #tpu.memory_space<hbm>>) target(%dma_start3A_6 : memref<32xi32, #tpu.memory_space<vmem>>) target_semaphore(%arg23 : memref<!tpu.dma_semaphore, #tpu.memory_space<semaphore_mem>>)
    %dma_start3A_8 = arith.constant 32 : i32
    %dma_start3A_9 = tpu.memref_slice %arg11[%dma_start3A_8] : memref<64xi32, #tpu.memory_space<vmem>> -> memref<32xi32, #tpu.memory_space<vmem>>
    %dma_start3A_10 = tpu.memref_slice %arg4[%mul3A_2] : memref<1024xi32, #tpu.memory_space<hbm>> -> memref<32xi32, #tpu.memory_space<hbm>>
    %dma_start3A_11 = arith.constant 32 : i32
    %dma_start3A_12 = tpu.memref_slice %arg11[%dma_start3A_11] : memref<64xi32, #tpu.memory_space<vmem>> -> memref<32xi32, #tpu.memory_space<vmem>>
    %dma_start3A_13 = tpu.memref_slice %arg4[%mul3A_2] : memref<1024xi32, #tpu.memory_space<hbm>> -> memref<32xi32, #tpu.memory_space<hbm>>
    tpu.enqueue_dma source(%dma_start3A_13 : memref<32xi32, #tpu.memory_space<hbm>>) target(%dma_start3A_12 : memref<32xi32, #tpu.memory_space<vmem>>) target_semaphore(%arg23 : memref<!tpu.dma_semaphore, #tpu.memory_space<semaphore_mem>>)
    %dma_start3A_14 = arith.constant 0 : i32
    %dma_start3A_15 = tpu.memref_slice %arg12[%dma_start3A_14] : memref<64xi32, #tpu.memory_space<vmem>> -> memref<32xi32, #tpu.memory_space<vmem>>
    %dma_start3A_16 = tpu.memref_slice %arg5[%mul3A_2] : memref<1024xi32, #tpu.memory_space<hbm>> -> memref<32xi32, #tpu.memory_space<hbm>>
    %dma_start3A_17 = arith.constant 0 : i32
    %dma_start3A_18 = tpu.memref_slice %arg12[%dma_start3A_17] : memref<64xi32, #tpu.memory_space<vmem>> -> memref<32xi32, #tpu.memory_space<vmem>>
    %dma_start3A_19 = tpu.memref_slice %arg5[%mul3A_2] : memref<1024xi32, #tpu.memory_space<hbm>> -> memref<32xi32, #tpu.memory_space<hbm>>
    tpu.enqueue_dma source(%dma_start3A_19 : memref<32xi32, #tpu.memory_space<hbm>>) target(%dma_start3A_18 : memref<32xi32, #tpu.memory_space<vmem>>) target_semaphore(%arg23 : memref<!tpu.dma_semaphore, #tpu.memory_space<semaphore_mem>>)
    %dma_start3A_20 = arith.constant 32 : i32
    %dma_start3A_21 = tpu.memref_slice %arg12[%dma_start3A_20] : memref<64xi32, #tpu.memory_space<vmem>> -> memref<32xi32, #tpu.memory_space<vmem>>
    %dma_start3A_22 = tpu.memref_slice %arg7[%mul3A_2] : memref<1024xi32, #tpu.memory_space<hbm>> -> memref<32xi32, #tpu.memory_space<hbm>>
    %dma_start3A_23 = arith.constant 32 : i32
    %dma_start3A_24 = tpu.memref_slice %arg12[%dma_start3A_23] : memref<64xi32, #tpu.memory_space<vmem>> -> memref<32xi32, #tpu.memory_space<vmem>>
    %dma_start3A_25 = tpu.memref_slice %arg7[%mul3A_2] : memref<1024xi32, #tpu.memory_space<hbm>> -> memref<32xi32, #tpu.memory_space<hbm>>
    tpu.enqueue_dma source(%dma_start3A_25 : memref<32xi32, #tpu.memory_space<hbm>>) target(%dma_start3A_24 : memref<32xi32, #tpu.memory_space<vmem>>) target_semaphore(%arg23 : memref<!tpu.dma_semaphore, #tpu.memory_space<semaphore_mem>>)
    %dma_start3A_26 = arith.constant 0 : i32
    %dma_start3A_27 = tpu.memref_slice %arg13[%dma_start3A_26] : memref<64xi32, #tpu.memory_space<vmem>> -> memref<32xi32, #tpu.memory_space<vmem>>
    %dma_start3A_28 = tpu.memref_slice %arg6[%mul3A_2] : memref<1024xi32, #tpu.memory_space<hbm>> -> memref<32xi32, #tpu.memory_space<hbm>>
    %dma_start3A_29 = arith.constant 0 : i32
    %dma_start3A_30 = tpu.memref_slice %arg13[%dma_start3A_29] : memref<64xi32, #tpu.memory_space<vmem>> -> memref<32xi32, #tpu.memory_space<vmem>>
    %dma_start3A_31 = tpu.memref_slice %arg6[%mul3A_2] : memref<1024xi32, #tpu.memory_space<hbm>> -> memref<32xi32, #tpu.memory_space<hbm>>
    tpu.enqueue_dma source(%dma_start3A_31 : memref<32xi32, #tpu.memory_space<hbm>>) target(%dma_start3A_30 : memref<32xi32, #tpu.memory_space<vmem>>) target_semaphore(%arg23 : memref<!tpu.dma_semaphore, #tpu.memory_space<semaphore_mem>>)
    %dma_start3A_32 = arith.constant 32 : i32
    %dma_start3A_33 = tpu.memref_slice %arg13[%dma_start3A_32] : memref<64xi32, #tpu.memory_space<vmem>> -> memref<32xi32, #tpu.memory_space<vmem>>
    %dma_start3A_34 = tpu.memref_slice %arg8[%mul3A_2] : memref<1024xi32, #tpu.memory_space<hbm>> -> memref<32xi32, #tpu.memory_space<hbm>>
    %dma_start3A_35 = arith.constant 32 : i32
    %dma_start3A_36 = tpu.memref_slice %arg13[%dma_start3A_35] : memref<64xi32, #tpu.memory_space<vmem>> -> memref<32xi32, #tpu.memory_space<vmem>>
    %dma_start3A_37 = tpu.memref_slice %arg8[%mul3A_2] : memref<1024xi32, #tpu.memory_space<hbm>> -> memref<32xi32, #tpu.memory_space<hbm>>
    tpu.enqueue_dma source(%dma_start3A_37 : memref<32xi32, #tpu.memory_space<hbm>>) target(%dma_start3A_36 : memref<32xi32, #tpu.memory_space<vmem>>) target_semaphore(%arg23 : memref<!tpu.dma_semaphore, #tpu.memory_space<semaphore_mem>>)
    %dma_wait3A = arith.constant 0 : i32
    %dma_wait3A_38 = tpu.memref_slice %arg11[%dma_wait3A] : memref<64xi32, #tpu.memory_space<vmem>> -> memref<32xi32, #tpu.memory_space<vmem>>
    %dma_wait3A_39 = tpu.memref_slice %arg4[%mul3A_2] : memref<1024xi32, #tpu.memory_space<hbm>> -> memref<32xi32, #tpu.memory_space<hbm>>
    %dma_wait3A_40 = arith.constant 0 : i32
    %dma_wait3A_41 = tpu.memref_slice %arg11[%dma_wait3A_40] : memref<64xi32, #tpu.memory_space<vmem>> -> memref<32xi32, #tpu.memory_space<vmem>>
    %dma_wait3A_42 = tpu.memref_slice %arg4[%mul3A_2] : memref<1024xi32, #tpu.memory_space<hbm>> -> memref<32xi32, #tpu.memory_space<hbm>>
    tpu.wait_dma2 semaphore(%arg23 : memref<!tpu.dma_semaphore, #tpu.memory_space<semaphore_mem>>) src(%dma_wait3A_42 : memref<32xi32, #tpu.memory_space<hbm>>) dst(%dma_wait3A_41 : memref<32xi32, #tpu.memory_space<vmem>>)
    %dma_wait3A_43 = arith.constant 32 : i32
    %dma_wait3A_44 = tpu.memref_slice %arg11[%dma_wait3A_43] : memref<64xi32, #tpu.memory_space<vmem>> -> memref<32xi32, #tpu.memory_space<vmem>>
    %dma_wait3A_45 = tpu.memref_slice %arg4[%mul3A_2] : memref<1024xi32, #tpu.memory_space<hbm>> -> memref<32xi32, #tpu.memory_space<hbm>>
    %dma_wait3A_46 = arith.constant 32 : i32
    %dma_wait3A_47 = tpu.memref_slice %arg11[%dma_wait3A_46] : memref<64xi32, #tpu.memory_space<vmem>> -> memref<32xi32, #tpu.memory_space<vmem>>
    %dma_wait3A_48 = tpu.memref_slice %arg4[%mul3A_2] : memref<1024xi32, #tpu.memory_space<hbm>> -> memref<32xi32, #tpu.memory_space<hbm>>
    tpu.wait_dma2 semaphore(%arg23 : memref<!tpu.dma_semaphore, #tpu.memory_space<semaphore_mem>>) src(%dma_wait3A_48 : memref<32xi32, #tpu.memory_space<hbm>>) dst(%dma_wait3A_47 : memref<32xi32, #tpu.memory_space<vmem>>)
    %dma_wait3A_49 = arith.constant 0 : i32
    %dma_wait3A_50 = tpu.memref_slice %arg12[%dma_wait3A_49] : memref<64xi32, #tpu.memory_space<vmem>> -> memref<32xi32, #tpu.memory_space<vmem>>
    %dma_wait3A_51 = tpu.memref_slice %arg5[%mul3A_2] : memref<1024xi32, #tpu.memory_space<hbm>> -> memref<32xi32, #tpu.memory_space<hbm>>
    %dma_wait3A_52 = arith.constant 0 : i32
    %dma_wait3A_53 = tpu.memref_slice %arg12[%dma_wait3A_52] : memref<64xi32, #tpu.memory_space<vmem>> -> memref<32xi32, #tpu.memory_space<vmem>>
    %dma_wait3A_54 = tpu.memref_slice %arg5[%mul3A_2] : memref<1024xi32, #tpu.memory_space<hbm>> -> memref<32xi32, #tpu.memory_space<hbm>>
    tpu.wait_dma2 semaphore(%arg23 : memref<!tpu.dma_semaphore, #tpu.memory_space<semaphore_mem>>) src(%dma_wait3A_54 : memref<32xi32, #tpu.memory_space<hbm>>) dst(%dma_wait3A_53 : memref<32xi32, #tpu.memory_space<vmem>>)
    %dma_wait3A_55 = arith.constant 32 : i32
    %dma_wait3A_56 = tpu.memref_slice %arg12[%dma_wait3A_55] : memref<64xi32, #tpu.memory_space<vmem>> -> memref<32xi32, #tpu.memory_space<vmem>>
    %dma_wait3A_57 = tpu.memref_slice %arg7[%mul3A_2] : memref<1024xi32, #tpu.memory_space<hbm>> -> memref<32xi32, #tpu.memory_space<hbm>>
    %dma_wait3A_58 = arith.constant 32 : i32
    %dma_wait3A_59 = tpu.memref_slice %arg12[%dma_wait3A_58] : memref<64xi32, #tpu.memory_space<vmem>> -> memref<32xi32, #tpu.memory_space<vmem>>
    %dma_wait3A_60 = tpu.memref_slice %arg7[%mul3A_2] : memref<1024xi32, #tpu.memory_space<hbm>> -> memref<32xi32, #tpu.memory_space<hbm>>
    tpu.wait_dma2 semaphore(%arg23 : memref<!tpu.dma_semaphore, #tpu.memory_space<semaphore_mem>>) src(%dma_wait3A_60 : memref<32xi32, #tpu.memory_space<hbm>>) dst(%dma_wait3A_59 : memref<32xi32, #tpu.memory_space<vmem>>)
    %dma_wait3A_61 = arith.constant 0 : i32
    %dma_wait3A_62 = tpu.memref_slice %arg13[%dma_wait3A_61] : memref<64xi32, #tpu.memory_space<vmem>> -> memref<32xi32, #tpu.memory_space<vmem>>
    %dma_wait3A_63 = tpu.memref_slice %arg6[%mul3A_2] : memref<1024xi32, #tpu.memory_space<hbm>> -> memref<32xi32, #tpu.memory_space<hbm>>
    %dma_wait3A_64 = arith.constant 0 : i32
    %dma_wait3A_65 = tpu.memref_slice %arg13[%dma_wait3A_64] : memref<64xi32, #tpu.memory_space<vmem>> -> memref<32xi32, #tpu.memory_space<vmem>>
    %dma_wait3A_66 = tpu.memref_slice %arg6[%mul3A_2] : memref<1024xi32, #tpu.memory_space<hbm>> -> memref<32xi32, #tpu.memory_space<hbm>>
    tpu.wait_dma2 semaphore(%arg23 : memref<!tpu.dma_semaphore, #tpu.memory_space<semaphore_mem>>) src(%dma_wait3A_66 : memref<32xi32, #tpu.memory_space<hbm>>) dst(%dma_wait3A_65 : memref<32xi32, #tpu.memory_space<vmem>>)
    %dma_wait3A_67 = arith.constant 32 : i32
    %dma_wait3A_68 = tpu.memref_slice %arg13[%dma_wait3A_67] : memref<64xi32, #tpu.memory_space<vmem>> -> memref<32xi32, #tpu.memory_space<vmem>>
    %dma_wait3A_69 = tpu.memref_slice %arg8[%mul3A_2] : memref<1024xi32, #tpu.memory_space<hbm>> -> memref<32xi32, #tpu.memory_space<hbm>>
    %dma_wait3A_70 = arith.constant 32 : i32
    %dma_wait3A_71 = tpu.memref_slice %arg13[%dma_wait3A_70] : memref<64xi32, #tpu.memory_space<vmem>> -> memref<32xi32, #tpu.memory_space<vmem>>
    %dma_wait3A_72 = tpu.memref_slice %arg8[%mul3A_2] : memref<1024xi32, #tpu.memory_space<hbm>> -> memref<32xi32, #tpu.memory_space<hbm>>
    tpu.wait_dma2 semaphore(%arg23 : memref<!tpu.dma_semaphore, #tpu.memory_space<semaphore_mem>>) src(%dma_wait3A_72 : memref<32xi32, #tpu.memory_space<hbm>>) dst(%dma_wait3A_71 : memref<32xi32, #tpu.memory_space<vmem>>)
    %get3A = arith.constant 0 : index
    %get3A_73 = tpu.vector_load %arg11[%get3A] {strides = array<i32>} : memref<64xi32, #tpu.memory_space<vmem>>, vector<16xi32>,
    %mul3A_74 = arith.constant 256 : i32
    %mul3A_75 = vector.broadcast %mul3A_74 : i32 to vector<16xi32>
    %mul3A_76 = arith.muli %get3A_73, %mul3A_75 : vector<16xi32>
    %get3A_77 = arith.constant 0 : index
    %get3A_78 = tpu.vector_load %arg13[%get3A_77] {strides = array<i32>} : memref<64xi32, #tpu.memory_space<vmem>>, vector<16xi32>,
    %add3A_79 = arith.addi %mul3A_76, %get3A_78 : vector<16xi32>
    %swap3A = arith.constant 0 : index
    %swap3A_80 = tpu.vector_load %arg14[%swap3A] {strides = array<i32>} : memref<64xi32, #tpu.memory_space<vmem>>, vector<16xi32>,
    tpu.vector_store %arg14[%swap3A], %add3A_79 {strides = array<i32>} : memref<64xi32, #tpu.memory_space<vmem>>, vector<16xi32>,
    %get3A_81 = arith.constant 0 : index
    %get3A_82 = tpu.vector_load %arg12[%get3A_81] {strides = array<i32>} : memref<64xi32, #tpu.memory_space<vmem>>, vector<16xi32>,
    %add3A_83 = arith.addi %mul3A_76, %get3A_82 : vector<16xi32>
    %add3A_84 = arith.constant 512 : i32
    %add3A_85 = vector.broadcast %add3A_84 : i32 to vector<16xi32>
    %add3A_86 = arith.addi %add3A_83, %add3A_85 : vector<16xi32>
    %swap3A_87 = arith.constant 0 : index
    %swap3A_88 = tpu.vector_load %arg15[%swap3A_87] {strides = array<i32>} : memref<64xi32, #tpu.memory_space<vmem>>, vector<16xi32>,
    tpu.vector_store %arg15[%swap3A_87], %add3A_86 {strides = array<i32>} : memref<64xi32, #tpu.memory_space<vmem>>, vector<16xi32>,
    %get3A_89 = arith.constant 16 : index
    %get3A_90 = tpu.vector_load %arg11[%get3A_89] {strides = array<i32>} : memref<64xi32, #tpu.memory_space<vmem>>, vector<16xi32>,
    %mul3A_91 = arith.constant 256 : i32
    %mul3A_92 = vector.broadcast %mul3A_91 : i32 to vector<16xi32>
    %mul3A_93 = arith.muli %get3A_90, %mul3A_92 : vector<16xi32>
    %get3A_94 = arith.constant 16 : index
    %get3A_95 = tpu.vector_load %arg13[%get3A_94] {strides = array<i32>} : memref<64xi32, #tpu.memory_space<vmem>>, vector<16xi32>,
    %add3A_96 = arith.addi %mul3A_93, %get3A_95 : vector<16xi32>
    %swap3A_97 = arith.constant 16 : index
    %swap3A_98 = tpu.vector_load %arg14[%swap3A_97] {strides = array<i32>} : memref<64xi32, #tpu.memory_space<vmem>>, vector<16xi32>,
    tpu.vector_store %arg14[%swap3A_97], %add3A_96 {strides = array<i32>} : memref<64xi32, #tpu.memory_space<vmem>>, vector<16xi32>,
    %get3A_99 = arith.constant 16 : index
    %get3A_100 = tpu.vector_load %arg12[%get3A_99] {strides = array<i32>} : memref<64xi32, #tpu.memory_space<vmem>>, vector<16xi32>,
    %add3A_101 = arith.addi %mul3A_93, %get3A_100 : vector<16xi32>
    %add3A_102 = arith.constant 512 : i32
    %add3A_103 = vector.broadcast %add3A_102 : i32 to vector<16xi32>
    %add3A_104 = arith.addi %add3A_101, %add3A_103 : vector<16xi32>
    %swap3A_105 = arith.constant 16 : index
    %swap3A_106 = tpu.vector_load %arg15[%swap3A_105] {strides = array<i32>} : memref<64xi32, #tpu.memory_space<vmem>>, vector<16xi32>,
    tpu.vector_store %arg15[%swap3A_105], %add3A_104 {strides = array<i32>} : memref<64xi32, #tpu.memory_space<vmem>>, vector<16xi32>,
    %get3A_107 = arith.constant 32 : index
    %get3A_108 = tpu.vector_load %arg11[%get3A_107] {strides = array<i32>} : memref<64xi32, #tpu.memory_space<vmem>>, vector<16xi32>,
    %mul3A_109 = arith.constant 256 : i32
    %mul3A_110 = vector.broadcast %mul3A_109 : i32 to vector<16xi32>
    %mul3A_111 = arith.muli %get3A_108, %mul3A_110 : vector<16xi32>
    %get3A_112 = arith.constant 32 : index
    %get3A_113 = tpu.vector_load %arg13[%get3A_112] {strides = array<i32>} : memref<64xi32, #tpu.memory_space<vmem>>, vector<16xi32>,
    %add3A_114 = arith.addi %mul3A_111, %get3A_113 : vector<16xi32>
    %swap3A_115 = arith.constant 32 : index
    %swap3A_116 = tpu.vector_load %arg14[%swap3A_115] {strides = array<i32>} : memref<64xi32, #tpu.memory_space<vmem>>, vector<16xi32>,
    tpu.vector_store %arg14[%swap3A_115], %add3A_114 {strides = array<i32>} : memref<64xi32, #tpu.memory_space<vmem>>, vector<16xi32>,
    %get3A_117 = arith.constant 32 : index
    %get3A_118 = tpu.vector_load %arg12[%get3A_117] {strides = array<i32>} : memref<64xi32, #tpu.memory_space<vmem>>, vector<16xi32>,
    %add3A_119 = arith.addi %mul3A_111, %get3A_118 : vector<16xi32>
    %add3A_120 = arith.constant 512 : i32
    %add3A_121 = vector.broadcast %add3A_120 : i32 to vector<16xi32>
    %add3A_122 = arith.addi %add3A_119, %add3A_121 : vector<16xi32>
    %swap3A_123 = arith.constant 32 : index
    %swap3A_124 = tpu.vector_load %arg15[%swap3A_123] {strides = array<i32>} : memref<64xi32, #tpu.memory_space<vmem>>, vector<16xi32>,
    tpu.vector_store %arg15[%swap3A_123], %add3A_122 {strides = array<i32>} : memref<64xi32, #tpu.memory_space<vmem>>, vector<16xi32>,
    %get3A_125 = arith.constant 48 : index
    %get3A_126 = tpu.vector_load %arg11[%get3A_125] {strides = array<i32>} : memref<64xi32, #tpu.memory_space<vmem>>, vector<16xi32>,
    %mul3A_127 = arith.constant 256 : i32
    %mul3A_128 = vector.broadcast %mul3A_127 : i32 to vector<16xi32>
    %mul3A_129 = arith.muli %get3A_126, %mul3A_128 : vector<16xi32>
    %get3A_130 = arith.constant 48 : index
    %get3A_131 = tpu.vector_load %arg13[%get3A_130] {strides = array<i32>} : memref<64xi32, #tpu.memory_space<vmem>>, vector<16xi32>,
    %add3A_132 = arith.addi %mul3A_129, %get3A_131 : vector<16xi32>
    %swap3A_133 = arith.constant 48 : index
    %swap3A_134 = tpu.vector_load %arg14[%swap3A_133] {strides = array<i32>} : memref<64xi32, #tpu.memory_space<vmem>>, vector<16xi32>,
    tpu.vector_store %arg14[%swap3A_133], %add3A_132 {strides = array<i32>} : memref<64xi32, #tpu.memory_space<vmem>>, vector<16xi32>,
    %get3A_135 = arith.constant 48 : index
    %get3A_136 = tpu.vector_load %arg12[%get3A_135] {strides = array<i32>} : memref<64xi32, #tpu.memory_space<vmem>>, vector<16xi32>,
    %add3A_137 = arith.addi %mul3A_129, %get3A_136 : vector<16xi32>
    %add3A_138 = arith.constant 512 : i32
    %add3A_139 = vector.broadcast %add3A_138 : i32 to vector<16xi32>
    %add3A_140 = arith.addi %add3A_137, %add3A_139 : vector<16xi32>
    %swap3A_141 = arith.constant 48 : index
    %swap3A_142 = tpu.vector_load %arg15[%swap3A_141] {strides = array<i32>} : memref<64xi32, #tpu.memory_space<vmem>>, vector<16xi32>,
    tpu.vector_store %arg15[%swap3A_141], %add3A_140 {strides = array<i32>} : memref<64xi32, #tpu.memory_space<vmem>>, vector<16xi32>,
    %dma_start3A_143 = arith.constant 0 : i32
    %dma_start3A_144 = arith.constant 0 : i32
    %dma_start3A_145 = tpu.memref_slice %arg18[%dma_start3A_143, %dma_start3A_144] : memref<64x256xf32, #tpu.memory_space<vmem>> -> memref<32x256xf32, #tpu.memory_space<vmem>>
    %dma_start3A_146 = arith.constant 0 : i32
    %dma_start3A_147 = tpu.memref_slice %arg14[%dma_start3A_146] : memref<64xi32, #tpu.memory_space<vmem>> -> memref<32xi32, #tpu.memory_space<vmem>>
    %dma_start3A_148 = arith.constant 0 : i32
    %dma_start3A_149 = arith.constant 0 : i32
    %dma_start3A_150 = tpu.memref_slice %arg2[%dma_start3A_148, %dma_start3A_149] : memref<1024x256xf32, #tpu.memory_space<hbm>> -> memref<1024x256xf32, #tpu.memory_space<hbm>>
    tpu.enqueue_indirect_dma source(%dma_start3A_150 : memref<1024x256xf32, #tpu.memory_space<hbm>>) target(%dma_start3A_145 : memref<32x256xf32, #tpu.memory_space<vmem>>) offsets(%dma_start3A_147 : memref<32xi32, #tpu.memory_space<vmem>>) semaphore(%arg21 : memref<!tpu.dma_semaphore, #tpu.memory_space<semaphore_mem>>)
    %dma_start3A_151 = arith.constant 0 : i32
    %dma_start3A_152 = arith.constant 0 : i32
    %dma_start3A_153 = tpu.memref_slice %arg19[%dma_start3A_151, %dma_start3A_152] : memref<64x256xf32, #tpu.memory_space<vmem>> -> memref<32x256xf32, #tpu.memory_space<vmem>>
    %dma_start3A_154 = arith.constant 0 : i32
    %dma_start3A_155 = tpu.memref_slice %arg15[%dma_start3A_154] : memref<64xi32, #tpu.memory_space<vmem>> -> memref<32xi32, #tpu.memory_space<vmem>>
    %dma_start3A_156 = arith.constant 0 : i32
    %dma_start3A_157 = arith.constant 0 : i32
    %dma_start3A_158 = tpu.memref_slice %arg2[%dma_start3A_156, %dma_start3A_157] : memref<1024x256xf32, #tpu.memory_space<hbm>> -> memref<1024x256xf32, #tpu.memory_space<hbm>>
    tpu.enqueue_indirect_dma source(%dma_start3A_158 : memref<1024x256xf32, #tpu.memory_space<hbm>>) target(%dma_start3A_153 : memref<32x256xf32, #tpu.memory_space<vmem>>) offsets(%dma_start3A_155 : memref<32xi32, #tpu.memory_space<vmem>>) semaphore(%arg21 : memref<!tpu.dma_semaphore, #tpu.memory_space<semaphore_mem>>)
    %dma_start3A_159 = arith.constant 32 : i32
    %dma_start3A_160 = arith.constant 0 : i32
    %dma_start3A_161 = tpu.memref_slice %arg18[%dma_start3A_159, %dma_start3A_160] : memref<64x256xf32, #tpu.memory_space<vmem>> -> memref<32x256xf32, #tpu.memory_space<vmem>>
    %dma_start3A_162 = arith.constant 32 : i32
    %dma_start3A_163 = tpu.memref_slice %arg14[%dma_start3A_162] : memref<64xi32, #tpu.memory_space<vmem>> -> memref<32xi32, #tpu.memory_space<vmem>>
    %dma_start3A_164 = arith.constant 0 : i32
    %dma_start3A_165 = arith.constant 0 : i32
    %dma_start3A_166 = tpu.memref_slice %arg2[%dma_start3A_164, %dma_start3A_165] : memref<1024x256xf32, #tpu.memory_space<hbm>> -> memref<1024x256xf32, #tpu.memory_space<hbm>>
    tpu.enqueue_indirect_dma source(%dma_start3A_166 : memref<1024x256xf32, #tpu.memory_space<hbm>>) target(%dma_start3A_161 : memref<32x256xf32, #tpu.memory_space<vmem>>) offsets(%dma_start3A_163 : memref<32xi32, #tpu.memory_space<vmem>>) semaphore(%arg22 : memref<!tpu.dma_semaphore, #tpu.memory_space<semaphore_mem>>)
    %dma_start3A_167 = arith.constant 32 : i32
    %dma_start3A_168 = arith.constant 0 : i32
    %dma_start3A_169 = tpu.memref_slice %arg19[%dma_start3A_167, %dma_start3A_168] : memref<64x256xf32, #tpu.memory_space<vmem>> -> memref<32x256xf32, #tpu.memory_space<vmem>>
    %dma_start3A_170 = arith.constant 32 : i32
    %dma_start3A_171 = tpu.memref_slice %arg15[%dma_start3A_170] : memref<64xi32, #tpu.memory_space<vmem>> -> memref<32xi32, #tpu.memory_space<vmem>>
    %dma_start3A_172 = arith.constant 0 : i32
    %dma_start3A_173 = arith.constant 0 : i32
    %dma_start3A_174 = tpu.memref_slice %arg2[%dma_start3A_172, %dma_start3A_173] : memref<1024x256xf32, #tpu.memory_space<hbm>> -> memref<1024x256xf32, #tpu.memory_space<hbm>>
    tpu.enqueue_indirect_dma source(%dma_start3A_174 : memref<1024x256xf32, #tpu.memory_space<hbm>>) target(%dma_start3A_169 : memref<32x256xf32, #tpu.memory_space<vmem>>) offsets(%dma_start3A_171 : memref<32xi32, #tpu.memory_space<vmem>>) semaphore(%arg22 : memref<!tpu.dma_semaphore, #tpu.memory_space<semaphore_mem>>)
    tpu.wait_dma2 semaphore(%arg23 : memref<!tpu.dma_semaphore, #tpu.memory_space<semaphore_mem>>) src(%arg3 : memref<2x512xf32, #tpu.memory_space<hbm>>) dst(%arg16 : memref<2x512xf32, #tpu.memory_space<vmem>>)
    %broadcast_in_dim3A = arith.constant 0 : i32
    %broadcast_in_dim3A_175 = vector.broadcast %broadcast_in_dim3A : i32 to vector<16xi32>
    %add3A_176 = arith.constant 1 : i32
    %add3A_177 = vector.broadcast %add3A_176 : i32 to vector<16xi32>
    %add3A_178 = arith.addi %broadcast_in_dim3A_175, %add3A_177 : vector<16xi32>
    %get3A_179 = arith.constant 0 : index
    %get3A_180 = tpu.vector_load %arg14[%get3A_179] {strides = array<i32>} : memref<64xi32, #tpu.memory_space<vmem>>, vector<16xi32>,
    %gather3A = tpu.vector_load_idx %arg16[%broadcast_in_dim3A_175, %get3A_180] : memref<2x512xf32, #tpu.memory_space<vmem>>[vector<16xi32>, vector<16xi32>], vector<16xf32>,
    %get3A_181 = arith.constant 0 : index
    %get3A_182 = tpu.vector_load %arg15[%get3A_181] {strides = array<i32>} : memref<64xi32, #tpu.memory_space<vmem>>, vector<16xi32>,
    %sub3A = arith.constant 512 : i32
    %sub3A_183 = vector.broadcast %sub3A : i32 to vector<16xi32>
    %sub3A_184 = arith.subi %get3A_182, %sub3A_183 : vector<16xi32>
    %gather3A_185 = tpu.vector_load_idx %arg16[%add3A_178, %sub3A_184] : memref<2x512xf32, #tpu.memory_space<vmem>>[vector<16xi32>, vector<16xi32>], vector<16xf32>,
    %get3A_186 = arith.constant 0 : index
    %get3A_187 = tpu.vector_load %arg12[%get3A_186] {strides = array<i32>} : memref<64xi32, #tpu.memory_space<vmem>>, vector<16xi32>,
    %get3A_188 = arith.constant 0 : index
    %get3A_189 = tpu.vector_load %arg13[%get3A_188] {strides = array<i32>} : memref<64xi32, #tpu.memory_space<vmem>>, vector<16xi32>,
    %le3A = arith.cmpi sle, %get3A_187, %get3A_189 : vector<16xi32>
    %sub3A_190 = arith.subf %gather3A, %gather3A_185 : vector<16xf32>
    %div3A = arith.constant 1.000000e+00 : f32
    %div3A_191 = vector.broadcast %div3A : f32 to vector<16xf32>
    %div3A_192 = arith.divf %div3A_191, %sub3A_190 : vector<16xf32>
    %jit3A = arith.constant 0.000000e+00 : f32
    %broadcast_in_dim3A_193 = vector.broadcast %jit3A : f32 to vector<16xf32>
    %select_n3A = arith.select %le3A, %div3A_192, %broadcast_in_dim3A_193 : vector<16xi1>, vector<16xf32>
    %swap3A_194 = arith.constant 0 : index
    %swap3A_195 = tpu.vector_load %arg17[%swap3A_194] {strides = array<i32>} : memref<64xf32, #tpu.memory_space<vmem>>, vector<16xf32>,
    tpu.vector_store %arg17[%swap3A_194], %select_n3A {strides = array<i32>} : memref<64xf32, #tpu.memory_space<vmem>>, vector<16xf32>,
    %get3A_196 = arith.constant 16 : index
    %get3A_197 = tpu.vector_load %arg14[%get3A_196] {strides = array<i32>} : memref<64xi32, #tpu.memory_space<vmem>>, vector<16xi32>,
    %gather3A_198 = tpu.vector_load_idx %arg16[%broadcast_in_dim3A_175, %get3A_197] : memref<2x512xf32, #tpu.memory_space<vmem>>[vector<16xi32>, vector<16xi32>], vector<16xf32>,
    %get3A_199 = arith.constant 16 : index
    %get3A_200 = tpu.vector_load %arg15[%get3A_199] {strides = array<i32>} : memref<64xi32, #tpu.memory_space<vmem>>, vector<16xi32>,
    %sub3A_201 = arith.constant 512 : i32
    %sub3A_202 = vector.broadcast %sub3A_201 : i32 to vector<16xi32>
    %sub3A_203 = arith.subi %get3A_200, %sub3A_202 : vector<16xi32>
    %gather3A_204 = tpu.vector_load_idx %arg16[%add3A_178, %sub3A_203] : memref<2x512xf32, #tpu.memory_space<vmem>>[vector<16xi32>, vector<16xi32>], vector<16xf32>,
    %get3A_205 = arith.constant 16 : index
    %get3A_206 = tpu.vector_load %arg12[%get3A_205] {strides = array<i32>} : memref<64xi32, #tpu.memory_space<vmem>>, vector<16xi32>,
    %get3A_207 = arith.constant 16 : index
    %get3A_208 = tpu.vector_load %arg13[%get3A_207] {strides = array<i32>} : memref<64xi32, #tpu.memory_space<vmem>>, vector<16xi32>,
    %le3A_209 = arith.cmpi sle, %get3A_206, %get3A_208 : vector<16xi32>
    %sub3A_210 = arith.subf %gather3A_198, %gather3A_204 : vector<16xf32>
    %div3A_211 = arith.constant 1.000000e+00 : f32
    %div3A_212 = vector.broadcast %div3A_211 : f32 to vector<16xf32>
    %div3A_213 = arith.divf %div3A_212, %sub3A_210 : vector<16xf32>
    %jit3A_214 = arith.constant 0.000000e+00 : f32
    %broadcast_in_dim3A_215 = vector.broadcast %jit3A_214 : f32 to vector<16xf32>
    %select_n3A_216 = arith.select %le3A_209, %div3A_213, %broadcast_in_dim3A_215 : vector<16xi1>, vector<16xf32>
    %swap3A_217 = arith.constant 16 : index
    %swap3A_218 = tpu.vector_load %arg17[%swap3A_217] {strides = array<i32>} : memref<64xf32, #tpu.memory_space<vmem>>, vector<16xf32>,
    tpu.vector_store %arg17[%swap3A_217], %select_n3A_216 {strides = array<i32>} : memref<64xf32, #tpu.memory_space<vmem>>, vector<16xf32>,
    %get3A_219 = arith.constant 32 : index
    %get3A_220 = tpu.vector_load %arg14[%get3A_219] {strides = array<i32>} : memref<64xi32, #tpu.memory_space<vmem>>, vector<16xi32>,
    %gather3A_221 = tpu.vector_load_idx %arg16[%broadcast_in_dim3A_175, %get3A_220] : memref<2x512xf32, #tpu.memory_space<vmem>>[vector<16xi32>, vector<16xi32>], vector<16xf32>,
    %get3A_222 = arith.constant 32 : index
    %get3A_223 = tpu.vector_load %arg15[%get3A_222] {strides = array<i32>} : memref<64xi32, #tpu.memory_space<vmem>>, vector<16xi32>,
    %sub3A_224 = arith.constant 512 : i32
    %sub3A_225 = vector.broadcast %sub3A_224 : i32 to vector<16xi32>
    %sub3A_226 = arith.subi %get3A_223, %sub3A_225 : vector<16xi32>
    %gather3A_227 = tpu.vector_load_idx %arg16[%add3A_178, %sub3A_226] : memref<2x512xf32, #tpu.memory_space<vmem>>[vector<16xi32>, vector<16xi32>], vector<16xf32>,
    %get3A_228 = arith.constant 32 : index
    %get3A_229 = tpu.vector_load %arg12[%get3A_228] {strides = array<i32>} : memref<64xi32, #tpu.memory_space<vmem>>, vector<16xi32>,
    %get3A_230 = arith.constant 32 : index
    %get3A_231 = tpu.vector_load %arg13[%get3A_230] {strides = array<i32>} : memref<64xi32, #tpu.memory_space<vmem>>, vector<16xi32>,
    %le3A_232 = arith.cmpi sle, %get3A_229, %get3A_231 : vector<16xi32>
    %sub3A_233 = arith.subf %gather3A_221, %gather3A_227 : vector<16xf32>
    %div3A_234 = arith.constant 1.000000e+00 : f32
    %div3A_235 = vector.broadcast %div3A_234 : f32 to vector<16xf32>
    %div3A_236 = arith.divf %div3A_235, %sub3A_233 : vector<16xf32>
    %jit3A_237 = arith.constant 0.000000e+00 : f32
    %broadcast_in_dim3A_238 = vector.broadcast %jit3A_237 : f32 to vector<16xf32>
    %select_n3A_239 = arith.select %le3A_232, %div3A_236, %broadcast_in_dim3A_238 : vector<16xi1>, vector<16xf32>
    %swap3A_240 = arith.constant 32 : index
    %swap3A_241 = tpu.vector_load %arg17[%swap3A_240] {strides = array<i32>} : memref<64xf32, #tpu.memory_space<vmem>>, vector<16xf32>,
    tpu.vector_store %arg17[%swap3A_240], %select_n3A_239 {strides = array<i32>} : memref<64xf32, #tpu.memory_space<vmem>>, vector<16xf32>,
    %get3A_242 = arith.constant 48 : index
    %get3A_243 = tpu.vector_load %arg14[%get3A_242] {strides = array<i32>} : memref<64xi32, #tpu.memory_space<vmem>>, vector<16xi32>,
    %gather3A_244 = tpu.vector_load_idx %arg16[%broadcast_in_dim3A_175, %get3A_243] : memref<2x512xf32, #tpu.memory_space<vmem>>[vector<16xi32>, vector<16xi32>], vector<16xf32>,
    %get3A_245 = arith.constant 48 : index
    %get3A_246 = tpu.vector_load %arg15[%get3A_245] {strides = array<i32>} : memref<64xi32, #tpu.memory_space<vmem>>, vector<16xi32>,
    %sub3A_247 = arith.constant 512 : i32
    %sub3A_248 = vector.broadcast %sub3A_247 : i32 to vector<16xi32>
    %sub3A_249 = arith.subi %get3A_246, %sub3A_248 : vector<16xi32>
    %gather3A_250 = tpu.vector_load_idx %arg16[%add3A_178, %sub3A_249] : memref<2x512xf32, #tpu.memory_space<vmem>>[vector<16xi32>, vector<16xi32>], vector<16xf32>,
    %get3A_251 = arith.constant 48 : index
    %get3A_252 = tpu.vector_load %arg12[%get3A_251] {strides = array<i32>} : memref<64xi32, #tpu.memory_space<vmem>>, vector<16xi32>,
    %get3A_253 = arith.constant 48 : index
    %get3A_254 = tpu.vector_load %arg13[%get3A_253] {strides = array<i32>} : memref<64xi32, #tpu.memory_space<vmem>>, vector<16xi32>,
    %le3A_255 = arith.cmpi sle, %get3A_252, %get3A_254 : vector<16xi32>
    %sub3A_256 = arith.subf %gather3A_244, %gather3A_250 : vector<16xf32>
    %div3A_257 = arith.constant 1.000000e+00 : f32
    %div3A_258 = vector.broadcast %div3A_257 : f32 to vector<16xf32>
    %div3A_259 = arith.divf %div3A_258, %sub3A_256 : vector<16xf32>
    %jit3A_260 = arith.constant 0.000000e+00 : f32
    %broadcast_in_dim3A_261 = vector.broadcast %jit3A_260 : f32 to vector<16xf32>
    %select_n3A_262 = arith.select %le3A_255, %div3A_259, %broadcast_in_dim3A_261 : vector<16xi1>, vector<16xf32>
    %swap3A_263 = arith.constant 48 : index
    %swap3A_264 = tpu.vector_load %arg17[%swap3A_263] {strides = array<i32>} : memref<64xf32, #tpu.memory_space<vmem>>, vector<16xf32>,
    tpu.vector_store %arg17[%swap3A_263], %select_n3A_262 {strides = array<i32>} : memref<64xf32, #tpu.memory_space<vmem>>, vector<16xf32>,
    %dma_wait3A_265 = arith.constant 0 : i32
    %dma_wait3A_266 = arith.constant 0 : i32
    %dma_wait3A_267 = tpu.memref_slice %arg18[%dma_wait3A_265, %dma_wait3A_266] : memref<64x256xf32, #tpu.memory_space<vmem>> -> memref<32x256xf32, #tpu.memory_space<vmem>>
    %dma_wait3A_268 = arith.constant 0 : i32
    %dma_wait3A_269 = tpu.memref_slice %arg14[%dma_wait3A_268] : memref<64xi32, #tpu.memory_space<vmem>> -> memref<32xi32, #tpu.memory_space<vmem>>
    %dma_wait3A_270 = arith.constant 0 : i32
    %dma_wait3A_271 = arith.constant 0 : i32
    %dma_wait3A_272 = tpu.memref_slice %arg2[%dma_wait3A_270, %dma_wait3A_271] : memref<1024x256xf32, #tpu.memory_space<hbm>> -> memref<1024x256xf32, #tpu.memory_space<hbm>>
    tpu.wait_indirect_dma semaphore(%arg21 : memref<!tpu.dma_semaphore, #tpu.memory_space<semaphore_mem>>) src(%dma_wait3A_272 : memref<1024x256xf32, #tpu.memory_space<hbm>>) dst(%dma_wait3A_267 : memref<32x256xf32, #tpu.memory_space<vmem>>)
    %dma_wait3A_273 = arith.constant 0 : i32
    %dma_wait3A_274 = arith.constant 0 : i32
    %dma_wait3A_275 = tpu.memref_slice %arg19[%dma_wait3A_273, %dma_wait3A_274] : memref<64x256xf32, #tpu.memory_space<vmem>> -> memref<32x256xf32, #tpu.memory_space<vmem>>
    %dma_wait3A_276 = arith.constant 0 : i32
    %dma_wait3A_277 = tpu.memref_slice %arg15[%dma_wait3A_276] : memref<64xi32, #tpu.memory_space<vmem>> -> memref<32xi32, #tpu.memory_space<vmem>>
    %dma_wait3A_278 = arith.constant 0 : i32
    %dma_wait3A_279 = arith.constant 0 : i32
    %dma_wait3A_280 = tpu.memref_slice %arg2[%dma_wait3A_278, %dma_wait3A_279] : memref<1024x256xf32, #tpu.memory_space<hbm>> -> memref<1024x256xf32, #tpu.memory_space<hbm>>
    tpu.wait_indirect_dma semaphore(%arg21 : memref<!tpu.dma_semaphore, #tpu.memory_space<semaphore_mem>>) src(%dma_wait3A_280 : memref<1024x256xf32, #tpu.memory_space<hbm>>) dst(%dma_wait3A_275 : memref<32x256xf32, #tpu.memory_space<vmem>>)
    %parallel_loop3A = arith.constant 0 : i32
    %parallel_loop3A_281 = arith.constant 32 : i32
    %parallel_loop3A_282 = arith.constant 1 : i32
    scf.for %parallel_loop3A_342 = %parallel_loop3A to %parallel_loop3A_281 step %parallel_loop3A_282  : i32 {
      %parallel_loop3A_343 = arith.constant 0 : i32
      %parallel_loop3A_344 = vector.broadcast %parallel_loop3A_343 : i32 to vector<16xi32>
      %parallel_loop3A_345 = vector.broadcast %parallel_loop3A_342 : i32 to vector<16xi32>
      %parallel_loop3A_346 = arith.addi %parallel_loop3A_344, %parallel_loop3A_345 : vector<16xi32>
      %parallel_loop3A_347 = tpu.vector_load_idx %arg17[%parallel_loop3A_346] : memref<64xf32, #tpu.memory_space<vmem>>[vector<16xi32>], vector<16xf32>,
      %parallel_loop3A_348 = arith.index_cast %parallel_loop3A_342 : i32 to index
      %parallel_loop3A_349 = arith.constant 0 : index
      %parallel_loop3A_350 = tpu.vector_load %arg18[%parallel_loop3A_348, %parallel_loop3A_349] {strides = array<i32>} : memref<64x256xf32, #tpu.memory_space<vmem>>, vector<16xf32>,
      %parallel_loop3A_351 = arith.index_cast %parallel_loop3A_342 : i32 to index
      %parallel_loop3A_352 = arith.constant 0 : index
      %parallel_loop3A_353 = tpu.vector_load %arg19[%parallel_loop3A_351, %parallel_loop3A_352] {strides = array<i32>} : memref<64x256xf32, #tpu.memory_space<vmem>>, vector<16xf32>,
      %parallel_loop3A_354 = arith.subf %parallel_loop3A_350, %parallel_loop3A_353 : vector<16xf32>
      %parallel_loop3A_355 = arith.mulf %parallel_loop3A_354, %parallel_loop3A_347 : vector<16xf32>
      %parallel_loop3A_356 = arith.index_cast %parallel_loop3A_342 : i32 to index
      %parallel_loop3A_357 = arith.constant 0 : index
      %parallel_loop3A_358 = tpu.vector_load %arg20[%parallel_loop3A_356, %parallel_loop3A_357] {strides = array<i32>} : memref<64x256xf32, #tpu.memory_space<vmem>>, vector<16xf32>,
      tpu.vector_store %arg20[%parallel_loop3A_356, %parallel_loop3A_357], %parallel_loop3A_355 {strides = array<i32>} : memref<64x256xf32, #tpu.memory_space<vmem>>, vector<16xf32>,
      %parallel_loop3A_359 = arith.index_cast %parallel_loop3A_342 : i32 to index
      %parallel_loop3A_360 = arith.constant 16 : index
      %parallel_loop3A_361 = tpu.vector_load %arg18[%parallel_loop3A_359, %parallel_loop3A_360] {strides = array<i32>} : memref<64x256xf32, #tpu.memory_space<vmem>>, vector<16xf32>,
      %parallel_loop3A_362 = arith.index_cast %parallel_loop3A_342 : i32 to index
      %parallel_loop3A_363 = arith.constant 16 : index
      %parallel_loop3A_364 = tpu.vector_load %arg19[%parallel_loop3A_362, %parallel_loop3A_363] {strides = array<i32>} : memref<64x256xf32, #tpu.memory_space<vmem>>, vector<16xf32>,
      %parallel_loop3A_365 = arith.subf %parallel_loop3A_361, %parallel_loop3A_364 : vector<16xf32>
      %parallel_loop3A_366 = arith.mulf %parallel_loop3A_365, %parallel_loop3A_347 : vector<16xf32>
      %parallel_loop3A_367 = arith.index_cast %parallel_loop3A_342 : i32 to index
      %parallel_loop3A_368 = arith.constant 16 : index
      %parallel_loop3A_369 = tpu.vector_load %arg20[%parallel_loop3A_367, %parallel_loop3A_368] {strides = array<i32>} : memref<64x256xf32, #tpu.memory_space<vmem>>, vector<16xf32>,
      tpu.vector_store %arg20[%parallel_loop3A_367, %parallel_loop3A_368], %parallel_loop3A_366 {strides = array<i32>} : memref<64x256xf32, #tpu.memory_space<vmem>>, vector<16xf32>,
      %parallel_loop3A_370 = arith.index_cast %parallel_loop3A_342 : i32 to index
      %parallel_loop3A_371 = arith.constant 32 : index
      %parallel_loop3A_372 = tpu.vector_load %arg18[%parallel_loop3A_370, %parallel_loop3A_371] {strides = array<i32>} : memref<64x256xf32, #tpu.memory_space<vmem>>, vector<16xf32>,
      %parallel_loop3A_373 = arith.index_cast %parallel_loop3A_342 : i32 to index
      %parallel_loop3A_374 = arith.constant 32 : index
      %parallel_loop3A_375 = tpu.vector_load %arg19[%parallel_loop3A_373, %parallel_loop3A_374] {strides = array<i32>} : memref<64x256xf32, #tpu.memory_space<vmem>>, vector<16xf32>,
      %parallel_loop3A_376 = arith.subf %parallel_loop3A_372, %parallel_loop3A_375 : vector<16xf32>
      %parallel_loop3A_377 = arith.mulf %parallel_loop3A_376, %parallel_loop3A_347 : vector<16xf32>
      %parallel_loop3A_378 = arith.index_cast %parallel_loop3A_342 : i32 to index
      %parallel_loop3A_379 = arith.constant 32 : index
      %parallel_loop3A_380 = tpu.vector_load %arg20[%parallel_loop3A_378, %parallel_loop3A_379] {strides = array<i32>} : memref<64x256xf32, #tpu.memory_space<vmem>>, vector<16xf32>,
      tpu.vector_store %arg20[%parallel_loop3A_378, %parallel_loop3A_379], %parallel_loop3A_377 {strides = array<i32>} : memref<64x256xf32, #tpu.memory_space<vmem>>, vector<16xf32>,
      %parallel_loop3A_381 = arith.index_cast %parallel_loop3A_342 : i32 to index
      %parallel_loop3A_382 = arith.constant 48 : index
      %parallel_loop3A_383 = tpu.vector_load %arg18[%parallel_loop3A_381, %parallel_loop3A_382] {strides = array<i32>} : memref<64x256xf32, #tpu.memory_space<vmem>>, vector<16xf32>,
      %parallel_loop3A_384 = arith.index_cast %parallel_loop3A_342 : i32 to index
      %parallel_loop3A_385 = arith.constant 48 : index
      %parallel_loop3A_386 = tpu.vector_load %arg19[%parallel_loop3A_384, %parallel_loop3A_385] {strides = array<i32>} : memref<64x256xf32, #tpu.memory_space<vmem>>, vector<16xf32>,
      %parallel_loop3A_387 = arith.subf %parallel_loop3A_383, %parallel_loop3A_386 : vector<16xf32>
      %parallel_loop3A_388 = arith.mulf %parallel_loop3A_387, %parallel_loop3A_347 : vector<16xf32>
      %parallel_loop3A_389 = arith.index_cast %parallel_loop3A_342 : i32 to index
      %parallel_loop3A_390 = arith.constant 48 : index
      %parallel_loop3A_391 = tpu.vector_load %arg20[%parallel_loop3A_389, %parallel_loop3A_390] {strides = array<i32>} : memref<64x256xf32, #tpu.memory_space<vmem>>, vector<16xf32>,
      tpu.vector_store %arg20[%parallel_loop3A_389, %parallel_loop3A_390], %parallel_loop3A_388 {strides = array<i32>} : memref<64x256xf32, #tpu.memory_space<vmem>>, vector<16xf32>,
      %parallel_loop3A_392 = arith.index_cast %parallel_loop3A_342 : i32 to index
      %parallel_loop3A_393 = arith.constant 64 : index
      %parallel_loop3A_394 = tpu.vector_load %arg18[%parallel_loop3A_392, %parallel_loop3A_393] {strides = array<i32>} : memref<64x256xf32, #tpu.memory_space<vmem>>, vector<16xf32>,
      %parallel_loop3A_395 = arith.index_cast %parallel_loop3A_342 : i32 to index
      %parallel_loop3A_396 = arith.constant 64 : index
      %parallel_loop3A_397 = tpu.vector_load %arg19[%parallel_loop3A_395, %parallel_loop3A_396] {strides = array<i32>} : memref<64x256xf32, #tpu.memory_space<vmem>>, vector<16xf32>,
      %parallel_loop3A_398 = arith.subf %parallel_loop3A_394, %parallel_loop3A_397 : vector<16xf32>
      %parallel_loop3A_399 = arith.mulf %parallel_loop3A_398, %parallel_loop3A_347 : vector<16xf32>
      %parallel_loop3A_400 = arith.index_cast %parallel_loop3A_342 : i32 to index
      %parallel_loop3A_401 = arith.constant 64 : index
      %parallel_loop3A_402 = tpu.vector_load %arg20[%parallel_loop3A_400, %parallel_loop3A_401] {strides = array<i32>} : memref<64x256xf32, #tpu.memory_space<vmem>>, vector<16xf32>,
      tpu.vector_store %arg20[%parallel_loop3A_400, %parallel_loop3A_401], %parallel_loop3A_399 {strides = array<i32>} : memref<64x256xf32, #tpu.memory_space<vmem>>, vector<16xf32>,
      %parallel_loop3A_403 = arith.index_cast %parallel_loop3A_342 : i32 to index
      %parallel_loop3A_404 = arith.constant 80 : index
      %parallel_loop3A_405 = tpu.vector_load %arg18[%parallel_loop3A_403, %parallel_loop3A_404] {strides = array<i32>} : memref<64x256xf32, #tpu.memory_space<vmem>>, vector<16xf32>,
      %parallel_loop3A_406 = arith.index_cast %parallel_loop3A_342 : i32 to index
      %parallel_loop3A_407 = arith.constant 80 : index
      %parallel_loop3A_408 = tpu.vector_load %arg19[%parallel_loop3A_406, %parallel_loop3A_407] {strides = array<i32>} : memref<64x256xf32, #tpu.memory_space<vmem>>, vector<16xf32>,
      %parallel_loop3A_409 = arith.subf %parallel_loop3A_405, %parallel_loop3A_408 : vector<16xf32>
      %parallel_loop3A_410 = arith.mulf %parallel_loop3A_409, %parallel_loop3A_347 : vector<16xf32>
      %parallel_loop3A_411 = arith.index_cast %parallel_loop3A_342 : i32 to index
      %parallel_loop3A_412 = arith.constant 80 : index
      %parallel_loop3A_413 = tpu.vector_load %arg20[%parallel_loop3A_411, %parallel_loop3A_412] {strides = array<i32>} : memref<64x256xf32, #tpu.memory_space<vmem>>, vector<16xf32>,
      tpu.vector_store %arg20[%parallel_loop3A_411, %parallel_loop3A_412], %parallel_loop3A_410 {strides = array<i32>} : memref<64x256xf32, #tpu.memory_space<vmem>>, vector<16xf32>,
      %parallel_loop3A_414 = arith.index_cast %parallel_loop3A_342 : i32 to index
      %parallel_loop3A_415 = arith.constant 96 : index
      %parallel_loop3A_416 = tpu.vector_load %arg18[%parallel_loop3A_414, %parallel_loop3A_415] {strides = array<i32>} : memref<64x256xf32, #tpu.memory_space<vmem>>, vector<16xf32>,
      %parallel_loop3A_417 = arith.index_cast %parallel_loop3A_342 : i32 to index
      %parallel_loop3A_418 = arith.constant 96 : index
      %parallel_loop3A_419 = tpu.vector_load %arg19[%parallel_loop3A_417, %parallel_loop3A_418] {strides = array<i32>} : memref<64x256xf32, #tpu.memory_space<vmem>>, vector<16xf32>,
      %parallel_loop3A_420 = arith.subf %parallel_loop3A_416, %parallel_loop3A_419 : vector<16xf32>
      %parallel_loop3A_421 = arith.mulf %parallel_loop3A_420, %parallel_loop3A_347 : vector<16xf32>
      %parallel_loop3A_422 = arith.index_cast %parallel_loop3A_342 : i32 to index
      %parallel_loop3A_423 = arith.constant 96 : index
      %parallel_loop3A_424 = tpu.vector_load %arg20[%parallel_loop3A_422, %parallel_loop3A_423] {strides = array<i32>} : memref<64x256xf32, #tpu.memory_space<vmem>>, vector<16xf32>,
      tpu.vector_store %arg20[%parallel_loop3A_422, %parallel_loop3A_423], %parallel_loop3A_421 {strides = array<i32>} : memref<64x256xf32, #tpu.memory_space<vmem>>, vector<16xf32>,
      %parallel_loop3A_425 = arith.index_cast %parallel_loop3A_342 : i32 to index
      %parallel_loop3A_426 = arith.constant 112 : index
      %parallel_loop3A_427 = tpu.vector_load %arg18[%parallel_loop3A_425, %parallel_loop3A_426] {strides = array<i32>} : memref<64x256xf32, #tpu.memory_space<vmem>>, vector<16xf32>,
      %parallel_loop3A_428 = arith.index_cast %parallel_loop3A_342 : i32 to index
      %parallel_loop3A_429 = arith.constant 112 : index
      %parallel_loop3A_430 = tpu.vector_load %arg19[%parallel_loop3A_428, %parallel_loop3A_429] {strides = array<i32>} : memref<64x256xf32, #tpu.memory_space<vmem>>, vector<16xf32>,
      %parallel_loop3A_431 = arith.subf %parallel_loop3A_427, %parallel_loop3A_430 : vector<16xf32>
      %parallel_loop3A_432 = arith.mulf %parallel_loop3A_431, %parallel_loop3A_347 : vector<16xf32>
      %parallel_loop3A_433 = arith.index_cast %parallel_loop3A_342 : i32 to index
      %parallel_loop3A_434 = arith.constant 112 : index
      %parallel_loop3A_435 = tpu.vector_load %arg20[%parallel_loop3A_433, %parallel_loop3A_434] {strides = array<i32>} : memref<64x256xf32, #tpu.memory_space<vmem>>, vector<16xf32>,
      tpu.vector_store %arg20[%parallel_loop3A_433, %parallel_loop3A_434], %parallel_loop3A_432 {strides = array<i32>} : memref<64x256xf32, #tpu.memory_space<vmem>>, vector<16xf32>,
      %parallel_loop3A_436 = arith.index_cast %parallel_loop3A_342 : i32 to index
      %parallel_loop3A_437 = arith.constant 128 : index
      %parallel_loop3A_438 = tpu.vector_load %arg18[%parallel_loop3A_436, %parallel_loop3A_437] {strides = array<i32>} : memref<64x256xf32, #tpu.memory_space<vmem>>, vector<16xf32>,
      %parallel_loop3A_439 = arith.index_cast %parallel_loop3A_342 : i32 to index
      %parallel_loop3A_440 = arith.constant 128 : index
      %parallel_loop3A_441 = tpu.vector_load %arg19[%parallel_loop3A_439, %parallel_loop3A_440] {strides = array<i32>} : memref<64x256xf32, #tpu.memory_space<vmem>>, vector<16xf32>,
      %parallel_loop3A_442 = arith.subf %parallel_loop3A_438, %parallel_loop3A_441 : vector<16xf32>
      %parallel_loop3A_443 = arith.mulf %parallel_loop3A_442, %parallel_loop3A_347 : vector<16xf32>
      %parallel_loop3A_444 = arith.index_cast %parallel_loop3A_342 : i32 to index
      %parallel_loop3A_445 = arith.constant 128 : index
      %parallel_loop3A_446 = tpu.vector_load %arg20[%parallel_loop3A_444, %parallel_loop3A_445] {strides = array<i32>} : memref<64x256xf32, #tpu.memory_space<vmem>>, vector<16xf32>,
      tpu.vector_store %arg20[%parallel_loop3A_444, %parallel_loop3A_445], %parallel_loop3A_443 {strides = array<i32>} : memref<64x256xf32, #tpu.memory_space<vmem>>, vector<16xf32>,
      %parallel_loop3A_447 = arith.index_cast %parallel_loop3A_342 : i32 to index
      %parallel_loop3A_448 = arith.constant 144 : index
      %parallel_loop3A_449 = tpu.vector_load %arg18[%parallel_loop3A_447, %parallel_loop3A_448] {strides = array<i32>} : memref<64x256xf32, #tpu.memory_space<vmem>>, vector<16xf32>,
      %parallel_loop3A_450 = arith.index_cast %parallel_loop3A_342 : i32 to index
      %parallel_loop3A_451 = arith.constant 144 : index
      %parallel_loop3A_452 = tpu.vector_load %arg19[%parallel_loop3A_450, %parallel_loop3A_451] {strides = array<i32>} : memref<64x256xf32, #tpu.memory_space<vmem>>, vector<16xf32>,
      %parallel_loop3A_453 = arith.subf %parallel_loop3A_449, %parallel_loop3A_452 : vector<16xf32>
      %parallel_loop3A_454 = arith.mulf %parallel_loop3A_453, %parallel_loop3A_347 : vector<16xf32>
      %parallel_loop3A_455 = arith.index_cast %parallel_loop3A_342 : i32 to index
      %parallel_loop3A_456 = arith.constant 144 : index
      %parallel_loop3A_457 = tpu.vector_load %arg20[%parallel_loop3A_455, %parallel_loop3A_456] {strides = array<i32>} : memref<64x256xf32, #tpu.memory_space<vmem>>, vector<16xf32>,
      tpu.vector_store %arg20[%parallel_loop3A_455, %parallel_loop3A_456], %parallel_loop3A_454 {strides = array<i32>} : memref<64x256xf32, #tpu.memory_space<vmem>>, vector<16xf32>,
      %parallel_loop3A_458 = arith.index_cast %parallel_loop3A_342 : i32 to index
      %parallel_loop3A_459 = arith.constant 160 : index
      %parallel_loop3A_460 = tpu.vector_load %arg18[%parallel_loop3A_458, %parallel_loop3A_459] {strides = array<i32>} : memref<64x256xf32, #tpu.memory_space<vmem>>, vector<16xf32>,
      %parallel_loop3A_461 = arith.index_cast %parallel_loop3A_342 : i32 to index
      %parallel_loop3A_462 = arith.constant 160 : index
      %parallel_loop3A_463 = tpu.vector_load %arg19[%parallel_loop3A_461, %parallel_loop3A_462] {strides = array<i32>} : memref<64x256xf32, #tpu.memory_space<vmem>>, vector<16xf32>,
      %parallel_loop3A_464 = arith.subf %parallel_loop3A_460, %parallel_loop3A_463 : vector<16xf32>
      %parallel_loop3A_465 = arith.mulf %parallel_loop3A_464, %parallel_loop3A_347 : vector<16xf32>
      %parallel_loop3A_466 = arith.index_cast %parallel_loop3A_342 : i32 to index
      %parallel_loop3A_467 = arith.constant 160 : index
      %parallel_loop3A_468 = tpu.vector_load %arg20[%parallel_loop3A_466, %parallel_loop3A_467] {strides = array<i32>} : memref<64x256xf32, #tpu.memory_space<vmem>>, vector<16xf32>,
      tpu.vector_store %arg20[%parallel_loop3A_466, %parallel_loop3A_467], %parallel_loop3A_465 {strides = array<i32>} : memref<64x256xf32, #tpu.memory_space<vmem>>, vector<16xf32>,
      %parallel_loop3A_469 = arith.index_cast %parallel_loop3A_342 : i32 to index
      %parallel_loop3A_470 = arith.constant 176 : index
      %parallel_loop3A_471 = tpu.vector_load %arg18[%parallel_loop3A_469, %parallel_loop3A_470] {strides = array<i32>} : memref<64x256xf32, #tpu.memory_space<vmem>>, vector<16xf32>,
      %parallel_loop3A_472 = arith.index_cast %parallel_loop3A_342 : i32 to index
      %parallel_loop3A_473 = arith.constant 176 : index
      %parallel_loop3A_474 = tpu.vector_load %arg19[%parallel_loop3A_472, %parallel_loop3A_473] {strides = array<i32>} : memref<64x256xf32, #tpu.memory_space<vmem>>, vector<16xf32>,
      %parallel_loop3A_475 = arith.subf %parallel_loop3A_471, %parallel_loop3A_474 : vector<16xf32>
      %parallel_loop3A_476 = arith.mulf %parallel_loop3A_475, %parallel_loop3A_347 : vector<16xf32>
      %parallel_loop3A_477 = arith.index_cast %parallel_loop3A_342 : i32 to index
      %parallel_loop3A_478 = arith.constant 176 : index
      %parallel_loop3A_479 = tpu.vector_load %arg20[%parallel_loop3A_477, %parallel_loop3A_478] {strides = array<i32>} : memref<64x256xf32, #tpu.memory_space<vmem>>, vector<16xf32>,
      tpu.vector_store %arg20[%parallel_loop3A_477, %parallel_loop3A_478], %parallel_loop3A_476 {strides = array<i32>} : memref<64x256xf32, #tpu.memory_space<vmem>>, vector<16xf32>,
      %parallel_loop3A_480 = arith.index_cast %parallel_loop3A_342 : i32 to index
      %parallel_loop3A_481 = arith.constant 192 : index
      %parallel_loop3A_482 = tpu.vector_load %arg18[%parallel_loop3A_480, %parallel_loop3A_481] {strides = array<i32>} : memref<64x256xf32, #tpu.memory_space<vmem>>, vector<16xf32>,
      %parallel_loop3A_483 = arith.index_cast %parallel_loop3A_342 : i32 to index
      %parallel_loop3A_484 = arith.constant 192 : index
      %parallel_loop3A_485 = tpu.vector_load %arg19[%parallel_loop3A_483, %parallel_loop3A_484] {strides = array<i32>} : memref<64x256xf32, #tpu.memory_space<vmem>>, vector<16xf32>,
      %parallel_loop3A_486 = arith.subf %parallel_loop3A_482, %parallel_loop3A_485 : vector<16xf32>
      %parallel_loop3A_487 = arith.mulf %parallel_loop3A_486, %parallel_loop3A_347 : vector<16xf32>
      %parallel_loop3A_488 = arith.index_cast %parallel_loop3A_342 : i32 to index
      %parallel_loop3A_489 = arith.constant 192 : index
      %parallel_loop3A_490 = tpu.vector_load %arg20[%parallel_loop3A_488, %parallel_loop3A_489] {strides = array<i32>} : memref<64x256xf32, #tpu.memory_space<vmem>>, vector<16xf32>,
      tpu.vector_store %arg20[%parallel_loop3A_488, %parallel_loop3A_489], %parallel_loop3A_487 {strides = array<i32>} : memref<64x256xf32, #tpu.memory_space<vmem>>, vector<16xf32>,
      %parallel_loop3A_491 = arith.index_cast %parallel_loop3A_342 : i32 to index
      %parallel_loop3A_492 = arith.constant 208 : index
      %parallel_loop3A_493 = tpu.vector_load %arg18[%parallel_loop3A_491, %parallel_loop3A_492] {strides = array<i32>} : memref<64x256xf32, #tpu.memory_space<vmem>>, vector<16xf32>,
      %parallel_loop3A_494 = arith.index_cast %parallel_loop3A_342 : i32 to index
      %parallel_loop3A_495 = arith.constant 208 : index
      %parallel_loop3A_496 = tpu.vector_load %arg19[%parallel_loop3A_494, %parallel_loop3A_495] {strides = array<i32>} : memref<64x256xf32, #tpu.memory_space<vmem>>, vector<16xf32>,
      %parallel_loop3A_497 = arith.subf %parallel_loop3A_493, %parallel_loop3A_496 : vector<16xf32>
      %parallel_loop3A_498 = arith.mulf %parallel_loop3A_497, %parallel_loop3A_347 : vector<16xf32>
      %parallel_loop3A_499 = arith.index_cast %parallel_loop3A_342 : i32 to index
      %parallel_loop3A_500 = arith.constant 208 : index
      %parallel_loop3A_501 = tpu.vector_load %arg20[%parallel_loop3A_499, %parallel_loop3A_500] {strides = array<i32>} : memref<64x256xf32, #tpu.memory_space<vmem>>, vector<16xf32>,
      tpu.vector_store %arg20[%parallel_loop3A_499, %parallel_loop3A_500], %parallel_loop3A_498 {strides = array<i32>} : memref<64x256xf32, #tpu.memory_space<vmem>>, vector<16xf32>,
      %parallel_loop3A_502 = arith.index_cast %parallel_loop3A_342 : i32 to index
      %parallel_loop3A_503 = arith.constant 224 : index
      %parallel_loop3A_504 = tpu.vector_load %arg18[%parallel_loop3A_502, %parallel_loop3A_503] {strides = array<i32>} : memref<64x256xf32, #tpu.memory_space<vmem>>, vector<16xf32>,
      %parallel_loop3A_505 = arith.index_cast %parallel_loop3A_342 : i32 to index
      %parallel_loop3A_506 = arith.constant 224 : index
      %parallel_loop3A_507 = tpu.vector_load %arg19[%parallel_loop3A_505, %parallel_loop3A_506] {strides = array<i32>} : memref<64x256xf32, #tpu.memory_space<vmem>>, vector<16xf32>,
      %parallel_loop3A_508 = arith.subf %parallel_loop3A_504, %parallel_loop3A_507 : vector<16xf32>
      %parallel_loop3A_509 = arith.mulf %parallel_loop3A_508, %parallel_loop3A_347 : vector<16xf32>
      %parallel_loop3A_510 = arith.index_cast %parallel_loop3A_342 : i32 to index
      %parallel_loop3A_511 = arith.constant 224 : index
      %parallel_loop3A_512 = tpu.vector_load %arg20[%parallel_loop3A_510, %parallel_loop3A_511] {strides = array<i32>} : memref<64x256xf32, #tpu.memory_space<vmem>>, vector<16xf32>,
      tpu.vector_store %arg20[%parallel_loop3A_510, %parallel_loop3A_511], %parallel_loop3A_509 {strides = array<i32>} : memref<64x256xf32, #tpu.memory_space<vmem>>, vector<16xf32>,
      %parallel_loop3A_513 = arith.index_cast %parallel_loop3A_342 : i32 to index
      %parallel_loop3A_514 = arith.constant 240 : index
      %parallel_loop3A_515 = tpu.vector_load %arg18[%parallel_loop3A_513, %parallel_loop3A_514] {strides = array<i32>} : memref<64x256xf32, #tpu.memory_space<vmem>>, vector<16xf32>,
      %parallel_loop3A_516 = arith.index_cast %parallel_loop3A_342 : i32 to index
      %parallel_loop3A_517 = arith.constant 240 : index
      %parallel_loop3A_518 = tpu.vector_load %arg19[%parallel_loop3A_516, %parallel_loop3A_517] {strides = array<i32>} : memref<64x256xf32, #tpu.memory_space<vmem>>, vector<16xf32>,
      %parallel_loop3A_519 = arith.subf %parallel_loop3A_515, %parallel_loop3A_518 : vector<16xf32>
      %parallel_loop3A_520 = arith.mulf %parallel_loop3A_519, %parallel_loop3A_347 : vector<16xf32>
      %parallel_loop3A_521 = arith.index_cast %parallel_loop3A_342 : i32 to index
      %parallel_loop3A_522 = arith.constant 240 : index
      %parallel_loop3A_523 = tpu.vector_load %arg20[%parallel_loop3A_521, %parallel_loop3A_522] {strides = array<i32>} : memref<64x256xf32, #tpu.memory_space<vmem>>, vector<16xf32>,
      tpu.vector_store %arg20[%parallel_loop3A_521, %parallel_loop3A_522], %parallel_loop3A_520 {strides = array<i32>} : memref<64x256xf32, #tpu.memory_space<vmem>>, vector<16xf32>,
    } {sc.loop_unroll_factor = 4 : i64, sc.parallel_access}
    %dma_start3A_283 = arith.constant 0 : i32
    %dma_start3A_284 = arith.constant 0 : i32
    %dma_start3A_285 = tpu.memref_slice %arg20[%dma_start3A_283, %dma_start3A_284] : memref<64x256xf32, #tpu.memory_space<vmem>> -> memref<32x256xf32, #tpu.memory_space<vmem>>
    %dma_start3A_286 = arith.constant 0 : i32
    %dma_start3A_287 = tpu.memref_slice %arg9[%mul3A_2, %dma_start3A_286] : memref<1024x256xf32, #tpu.memory_space<hbm>> -> memref<32x256xf32, #tpu.memory_space<hbm>>
    %dma_start3A_288 = arith.constant 0 : i32
    %dma_start3A_289 = tpu.memref_slice %arg9[%mul3A_2, %dma_start3A_288] : memref<1024x256xf32, #tpu.memory_space<hbm>> -> memref<32x256xf32, #tpu.memory_space<hbm>>
    %dma_start3A_290 = arith.constant 0 : i32
    %dma_start3A_291 = arith.constant 0 : i32
    %dma_start3A_292 = tpu.memref_slice %arg20[%dma_start3A_290, %dma_start3A_291] : memref<64x256xf32, #tpu.memory_space<vmem>> -> memref<32x256xf32, #tpu.memory_space<vmem>>
    tpu.enqueue_dma source(%dma_start3A_292 : memref<32x256xf32, #tpu.memory_space<vmem>>) target(%dma_start3A_289 : memref<32x256xf32, #tpu.memory_space<hbm>>) target_semaphore(%arg24 : memref<!tpu.dma_semaphore, #tpu.memory_space<semaphore_mem>>)
    %dma_wait3A_293 = arith.constant 32 : i32
    %dma_wait3A_294 = arith.constant 0 : i32
    %dma_wait3A_295 = tpu.memref_slice %arg18[%dma_wait3A_293, %dma_wait3A_294] : memref<64x256xf32, #tpu.memory_space<vmem>> -> memref<32x256xf32, #tpu.memory_space<vmem>>
    %dma_wait3A_296 = arith.constant 32 : i32
    %dma_wait3A_297 = tpu.memref_slice %arg14[%dma_wait3A_296] : memref<64xi32, #tpu.memory_space<vmem>> -> memref<32xi32, #tpu.memory_space<vmem>>
    %dma_wait3A_298 = arith.constant 0 : i32
    %dma_wait3A_299 = arith.constant 0 : i32
    %dma_wait3A_300 = tpu.memref_slice %arg2[%dma_wait3A_298, %dma_wait3A_299] : memref<1024x256xf32, #tpu.memory_space<hbm>> -> memref<1024x256xf32, #tpu.memory_space<hbm>>
    tpu.wait_indirect_dma semaphore(%arg22 : memref<!tpu.dma_semaphore, #tpu.memory_space<semaphore_mem>>) src(%dma_wait3A_300 : memref<1024x256xf32, #tpu.memory_space<hbm>>) dst(%dma_wait3A_295 : memref<32x256xf32, #tpu.memory_space<vmem>>)
    %dma_wait3A_301 = arith.constant 32 : i32
    %dma_wait3A_302 = arith.constant 0 : i32
    %dma_wait3A_303 = tpu.memref_slice %arg19[%dma_wait3A_301, %dma_wait3A_302] : memref<64x256xf32, #tpu.memory_space<vmem>> -> memref<32x256xf32, #tpu.memory_space<vmem>>
    %dma_wait3A_304 = arith.constant 32 : i32
    %dma_wait3A_305 = tpu.memref_slice %arg15[%dma_wait3A_304] : memref<64xi32, #tpu.memory_space<vmem>> -> memref<32xi32, #tpu.memory_space<vmem>>
    %dma_wait3A_306 = arith.constant 0 : i32
    %dma_wait3A_307 = arith.constant 0 : i32
    %dma_wait3A_308 = tpu.memref_slice %arg2[%dma_wait3A_306, %dma_wait3A_307] : memref<1024x256xf32, #tpu.memory_space<hbm>> -> memref<1024x256xf32, #tpu.memory_space<hbm>>
    tpu.wait_indirect_dma semaphore(%arg22 : memref<!tpu.dma_semaphore, #tpu.memory_space<semaphore_mem>>) src(%dma_wait3A_308 : memref<1024x256xf32, #tpu.memory_space<hbm>>) dst(%dma_wait3A_303 : memref<32x256xf32, #tpu.memory_space<vmem>>)
    %parallel_loop3A_309 = arith.constant 32 : i32
    %parallel_loop3A_310 = arith.constant 64 : i32
    %parallel_loop3A_311 = arith.constant 1 : i32
    scf.for %parallel_loop3A_342 = %parallel_loop3A_309 to %parallel_loop3A_310 step %parallel_loop3A_311  : i32 {
      %parallel_loop3A_343 = arith.constant 0 : i32
      %parallel_loop3A_344 = vector.broadcast %parallel_loop3A_343 : i32 to vector<16xi32>
      %parallel_loop3A_345 = vector.broadcast %parallel_loop3A_342 : i32 to vector<16xi32>
      %parallel_loop3A_346 = arith.addi %parallel_loop3A_344, %parallel_loop3A_345 : vector<16xi32>
      %parallel_loop3A_347 = tpu.vector_load_idx %arg17[%parallel_loop3A_346] : memref<64xf32, #tpu.memory_space<vmem>>[vector<16xi32>], vector<16xf32>,
      %parallel_loop3A_348 = arith.index_cast %parallel_loop3A_342 : i32 to index
      %parallel_loop3A_349 = arith.constant 0 : index
      %parallel_loop3A_350 = tpu.vector_load %arg18[%parallel_loop3A_348, %parallel_loop3A_349] {strides = array<i32>} : memref<64x256xf32, #tpu.memory_space<vmem>>, vector<16xf32>,
      %parallel_loop3A_351 = arith.index_cast %parallel_loop3A_342 : i32 to index
      %parallel_loop3A_352 = arith.constant 0 : index
      %parallel_loop3A_353 = tpu.vector_load %arg19[%parallel_loop3A_351, %parallel_loop3A_352] {strides = array<i32>} : memref<64x256xf32, #tpu.memory_space<vmem>>, vector<16xf32>,
      %parallel_loop3A_354 = arith.subf %parallel_loop3A_350, %parallel_loop3A_353 : vector<16xf32>
      %parallel_loop3A_355 = arith.mulf %parallel_loop3A_354, %parallel_loop3A_347 : vector<16xf32>
      %parallel_loop3A_356 = arith.index_cast %parallel_loop3A_342 : i32 to index
      %parallel_loop3A_357 = arith.constant 0 : index
      %parallel_loop3A_358 = tpu.vector_load %arg20[%parallel_loop3A_356, %parallel_loop3A_357] {strides = array<i32>} : memref<64x256xf32, #tpu.memory_space<vmem>>, vector<16xf32>,
      tpu.vector_store %arg20[%parallel_loop3A_356, %parallel_loop3A_357], %parallel_loop3A_355 {strides = array<i32>} : memref<64x256xf32, #tpu.memory_space<vmem>>, vector<16xf32>,
      %parallel_loop3A_359 = arith.index_cast %parallel_loop3A_342 : i32 to index
      %parallel_loop3A_360 = arith.constant 16 : index
      %parallel_loop3A_361 = tpu.vector_load %arg18[%parallel_loop3A_359, %parallel_loop3A_360] {strides = array<i32>} : memref<64x256xf32, #tpu.memory_space<vmem>>, vector<16xf32>,
      %parallel_loop3A_362 = arith.index_cast %parallel_loop3A_342 : i32 to index
      %parallel_loop3A_363 = arith.constant 16 : index
      %parallel_loop3A_364 = tpu.vector_load %arg19[%parallel_loop3A_362, %parallel_loop3A_363] {strides = array<i32>} : memref<64x256xf32, #tpu.memory_space<vmem>>, vector<16xf32>,
      %parallel_loop3A_365 = arith.subf %parallel_loop3A_361, %parallel_loop3A_364 : vector<16xf32>
      %parallel_loop3A_366 = arith.mulf %parallel_loop3A_365, %parallel_loop3A_347 : vector<16xf32>
      %parallel_loop3A_367 = arith.index_cast %parallel_loop3A_342 : i32 to index
      %parallel_loop3A_368 = arith.constant 16 : index
      %parallel_loop3A_369 = tpu.vector_load %arg20[%parallel_loop3A_367, %parallel_loop3A_368] {strides = array<i32>} : memref<64x256xf32, #tpu.memory_space<vmem>>, vector<16xf32>,
      tpu.vector_store %arg20[%parallel_loop3A_367, %parallel_loop3A_368], %parallel_loop3A_366 {strides = array<i32>} : memref<64x256xf32, #tpu.memory_space<vmem>>, vector<16xf32>,
      %parallel_loop3A_370 = arith.index_cast %parallel_loop3A_342 : i32 to index
      %parallel_loop3A_371 = arith.constant 32 : index
      %parallel_loop3A_372 = tpu.vector_load %arg18[%parallel_loop3A_370, %parallel_loop3A_371] {strides = array<i32>} : memref<64x256xf32, #tpu.memory_space<vmem>>, vector<16xf32>,
      %parallel_loop3A_373 = arith.index_cast %parallel_loop3A_342 : i32 to index
      %parallel_loop3A_374 = arith.constant 32 : index
      %parallel_loop3A_375 = tpu.vector_load %arg19[%parallel_loop3A_373, %parallel_loop3A_374] {strides = array<i32>} : memref<64x256xf32, #tpu.memory_space<vmem>>, vector<16xf32>,
      %parallel_loop3A_376 = arith.subf %parallel_loop3A_372, %parallel_loop3A_375 : vector<16xf32>
      %parallel_loop3A_377 = arith.mulf %parallel_loop3A_376, %parallel_loop3A_347 : vector<16xf32>
      %parallel_loop3A_378 = arith.index_cast %parallel_loop3A_342 : i32 to index
      %parallel_loop3A_379 = arith.constant 32 : index
      %parallel_loop3A_380 = tpu.vector_load %arg20[%parallel_loop3A_378, %parallel_loop3A_379] {strides = array<i32>} : memref<64x256xf32, #tpu.memory_space<vmem>>, vector<16xf32>,
      tpu.vector_store %arg20[%parallel_loop3A_378, %parallel_loop3A_379], %parallel_loop3A_377 {strides = array<i32>} : memref<64x256xf32, #tpu.memory_space<vmem>>, vector<16xf32>,
      %parallel_loop3A_381 = arith.index_cast %parallel_loop3A_342 : i32 to index
      %parallel_loop3A_382 = arith.constant 48 : index
      %parallel_loop3A_383 = tpu.vector_load %arg18[%parallel_loop3A_381, %parallel_loop3A_382] {strides = array<i32>} : memref<64x256xf32, #tpu.memory_space<vmem>>, vector<16xf32>,
      %parallel_loop3A_384 = arith.index_cast %parallel_loop3A_342 : i32 to index
      %parallel_loop3A_385 = arith.constant 48 : index
      %parallel_loop3A_386 = tpu.vector_load %arg19[%parallel_loop3A_384, %parallel_loop3A_385] {strides = array<i32>} : memref<64x256xf32, #tpu.memory_space<vmem>>, vector<16xf32>,
      %parallel_loop3A_387 = arith.subf %parallel_loop3A_383, %parallel_loop3A_386 : vector<16xf32>
      %parallel_loop3A_388 = arith.mulf %parallel_loop3A_387, %parallel_loop3A_347 : vector<16xf32>
      %parallel_loop3A_389 = arith.index_cast %parallel_loop3A_342 : i32 to index
      %parallel_loop3A_390 = arith.constant 48 : index
      %parallel_loop3A_391 = tpu.vector_load %arg20[%parallel_loop3A_389, %parallel_loop3A_390] {strides = array<i32>} : memref<64x256xf32, #tpu.memory_space<vmem>>, vector<16xf32>,
      tpu.vector_store %arg20[%parallel_loop3A_389, %parallel_loop3A_390], %parallel_loop3A_388 {strides = array<i32>} : memref<64x256xf32, #tpu.memory_space<vmem>>, vector<16xf32>,
      %parallel_loop3A_392 = arith.index_cast %parallel_loop3A_342 : i32 to index
      %parallel_loop3A_393 = arith.constant 64 : index
      %parallel_loop3A_394 = tpu.vector_load %arg18[%parallel_loop3A_392, %parallel_loop3A_393] {strides = array<i32>} : memref<64x256xf32, #tpu.memory_space<vmem>>, vector<16xf32>,
      %parallel_loop3A_395 = arith.index_cast %parallel_loop3A_342 : i32 to index
      %parallel_loop3A_396 = arith.constant 64 : index
      %parallel_loop3A_397 = tpu.vector_load %arg19[%parallel_loop3A_395, %parallel_loop3A_396] {strides = array<i32>} : memref<64x256xf32, #tpu.memory_space<vmem>>, vector<16xf32>,
      %parallel_loop3A_398 = arith.subf %parallel_loop3A_394, %parallel_loop3A_397 : vector<16xf32>
      %parallel_loop3A_399 = arith.mulf %parallel_loop3A_398, %parallel_loop3A_347 : vector<16xf32>
      %parallel_loop3A_400 = arith.index_cast %parallel_loop3A_342 : i32 to index
      %parallel_loop3A_401 = arith.constant 64 : index
      %parallel_loop3A_402 = tpu.vector_load %arg20[%parallel_loop3A_400, %parallel_loop3A_401] {strides = array<i32>} : memref<64x256xf32, #tpu.memory_space<vmem>>, vector<16xf32>,
      tpu.vector_store %arg20[%parallel_loop3A_400, %parallel_loop3A_401], %parallel_loop3A_399 {strides = array<i32>} : memref<64x256xf32, #tpu.memory_space<vmem>>, vector<16xf32>,
      %parallel_loop3A_403 = arith.index_cast %parallel_loop3A_342 : i32 to index
      %parallel_loop3A_404 = arith.constant 80 : index
      %parallel_loop3A_405 = tpu.vector_load %arg18[%parallel_loop3A_403, %parallel_loop3A_404] {strides = array<i32>} : memref<64x256xf32, #tpu.memory_space<vmem>>, vector<16xf32>,
      %parallel_loop3A_406 = arith.index_cast %parallel_loop3A_342 : i32 to index
      %parallel_loop3A_407 = arith.constant 80 : index
      %parallel_loop3A_408 = tpu.vector_load %arg19[%parallel_loop3A_406, %parallel_loop3A_407] {strides = array<i32>} : memref<64x256xf32, #tpu.memory_space<vmem>>, vector<16xf32>,
      %parallel_loop3A_409 = arith.subf %parallel_loop3A_405, %parallel_loop3A_408 : vector<16xf32>
      %parallel_loop3A_410 = arith.mulf %parallel_loop3A_409, %parallel_loop3A_347 : vector<16xf32>
      %parallel_loop3A_411 = arith.index_cast %parallel_loop3A_342 : i32 to index
      %parallel_loop3A_412 = arith.constant 80 : index
      %parallel_loop3A_413 = tpu.vector_load %arg20[%parallel_loop3A_411, %parallel_loop3A_412] {strides = array<i32>} : memref<64x256xf32, #tpu.memory_space<vmem>>, vector<16xf32>,
      tpu.vector_store %arg20[%parallel_loop3A_411, %parallel_loop3A_412], %parallel_loop3A_410 {strides = array<i32>} : memref<64x256xf32, #tpu.memory_space<vmem>>, vector<16xf32>,
      %parallel_loop3A_414 = arith.index_cast %parallel_loop3A_342 : i32 to index
      %parallel_loop3A_415 = arith.constant 96 : index
      %parallel_loop3A_416 = tpu.vector_load %arg18[%parallel_loop3A_414, %parallel_loop3A_415] {strides = array<i32>} : memref<64x256xf32, #tpu.memory_space<vmem>>, vector<16xf32>,
      %parallel_loop3A_417 = arith.index_cast %parallel_loop3A_342 : i32 to index
      %parallel_loop3A_418 = arith.constant 96 : index
      %parallel_loop3A_419 = tpu.vector_load %arg19[%parallel_loop3A_417, %parallel_loop3A_418] {strides = array<i32>} : memref<64x256xf32, #tpu.memory_space<vmem>>, vector<16xf32>,
      %parallel_loop3A_420 = arith.subf %parallel_loop3A_416, %parallel_loop3A_419 : vector<16xf32>
      %parallel_loop3A_421 = arith.mulf %parallel_loop3A_420, %parallel_loop3A_347 : vector<16xf32>
      %parallel_loop3A_422 = arith.index_cast %parallel_loop3A_342 : i32 to index
      %parallel_loop3A_423 = arith.constant 96 : index
      %parallel_loop3A_424 = tpu.vector_load %arg20[%parallel_loop3A_422, %parallel_loop3A_423] {strides = array<i32>} : memref<64x256xf32, #tpu.memory_space<vmem>>, vector<16xf32>,
      tpu.vector_store %arg20[%parallel_loop3A_422, %parallel_loop3A_423], %parallel_loop3A_421 {strides = array<i32>} : memref<64x256xf32, #tpu.memory_space<vmem>>, vector<16xf32>,
      %parallel_loop3A_425 = arith.index_cast %parallel_loop3A_342 : i32 to index
      %parallel_loop3A_426 = arith.constant 112 : index
      %parallel_loop3A_427 = tpu.vector_load %arg18[%parallel_loop3A_425, %parallel_loop3A_426] {strides = array<i32>} : memref<64x256xf32, #tpu.memory_space<vmem>>, vector<16xf32>,
      %parallel_loop3A_428 = arith.index_cast %parallel_loop3A_342 : i32 to index
      %parallel_loop3A_429 = arith.constant 112 : index
      %parallel_loop3A_430 = tpu.vector_load %arg19[%parallel_loop3A_428, %parallel_loop3A_429] {strides = array<i32>} : memref<64x256xf32, #tpu.memory_space<vmem>>, vector<16xf32>,
      %parallel_loop3A_431 = arith.subf %parallel_loop3A_427, %parallel_loop3A_430 : vector<16xf32>
      %parallel_loop3A_432 = arith.mulf %parallel_loop3A_431, %parallel_loop3A_347 : vector<16xf32>
      %parallel_loop3A_433 = arith.index_cast %parallel_loop3A_342 : i32 to index
      %parallel_loop3A_434 = arith.constant 112 : index
      %parallel_loop3A_435 = tpu.vector_load %arg20[%parallel_loop3A_433, %parallel_loop3A_434] {strides = array<i32>} : memref<64x256xf32, #tpu.memory_space<vmem>>, vector<16xf32>,
      tpu.vector_store %arg20[%parallel_loop3A_433, %parallel_loop3A_434], %parallel_loop3A_432 {strides = array<i32>} : memref<64x256xf32, #tpu.memory_space<vmem>>, vector<16xf32>,
      %parallel_loop3A_436 = arith.index_cast %parallel_loop3A_342 : i32 to index
      %parallel_loop3A_437 = arith.constant 128 : index
      %parallel_loop3A_438 = tpu.vector_load %arg18[%parallel_loop3A_436, %parallel_loop3A_437] {strides = array<i32>} : memref<64x256xf32, #tpu.memory_space<vmem>>, vector<16xf32>,
      %parallel_loop3A_439 = arith.index_cast %parallel_loop3A_342 : i32 to index
      %parallel_loop3A_440 = arith.constant 128 : index
      %parallel_loop3A_441 = tpu.vector_load %arg19[%parallel_loop3A_439, %parallel_loop3A_440] {strides = array<i32>} : memref<64x256xf32, #tpu.memory_space<vmem>>, vector<16xf32>,
      %parallel_loop3A_442 = arith.subf %parallel_loop3A_438, %parallel_loop3A_441 : vector<16xf32>
      %parallel_loop3A_443 = arith.mulf %parallel_loop3A_442, %parallel_loop3A_347 : vector<16xf32>
      %parallel_loop3A_444 = arith.index_cast %parallel_loop3A_342 : i32 to index
      %parallel_loop3A_445 = arith.constant 128 : index
      %parallel_loop3A_446 = tpu.vector_load %arg20[%parallel_loop3A_444, %parallel_loop3A_445] {strides = array<i32>} : memref<64x256xf32, #tpu.memory_space<vmem>>, vector<16xf32>,
      tpu.vector_store %arg20[%parallel_loop3A_444, %parallel_loop3A_445], %parallel_loop3A_443 {strides = array<i32>} : memref<64x256xf32, #tpu.memory_space<vmem>>, vector<16xf32>,
      %parallel_loop3A_447 = arith.index_cast %parallel_loop3A_342 : i32 to index
      %parallel_loop3A_448 = arith.constant 144 : index
      %parallel_loop3A_449 = tpu.vector_load %arg18[%parallel_loop3A_447, %parallel_loop3A_448] {strides = array<i32>} : memref<64x256xf32, #tpu.memory_space<vmem>>, vector<16xf32>,
      %parallel_loop3A_450 = arith.index_cast %parallel_loop3A_342 : i32 to index
      %parallel_loop3A_451 = arith.constant 144 : index
      %parallel_loop3A_452 = tpu.vector_load %arg19[%parallel_loop3A_450, %parallel_loop3A_451] {strides = array<i32>} : memref<64x256xf32, #tpu.memory_space<vmem>>, vector<16xf32>,
      %parallel_loop3A_453 = arith.subf %parallel_loop3A_449, %parallel_loop3A_452 : vector<16xf32>
      %parallel_loop3A_454 = arith.mulf %parallel_loop3A_453, %parallel_loop3A_347 : vector<16xf32>
      %parallel_loop3A_455 = arith.index_cast %parallel_loop3A_342 : i32 to index
      %parallel_loop3A_456 = arith.constant 144 : index
      %parallel_loop3A_457 = tpu.vector_load %arg20[%parallel_loop3A_455, %parallel_loop3A_456] {strides = array<i32>} : memref<64x256xf32, #tpu.memory_space<vmem>>, vector<16xf32>,
      tpu.vector_store %arg20[%parallel_loop3A_455, %parallel_loop3A_456], %parallel_loop3A_454 {strides = array<i32>} : memref<64x256xf32, #tpu.memory_space<vmem>>, vector<16xf32>,
      %parallel_loop3A_458 = arith.index_cast %parallel_loop3A_342 : i32 to index
      %parallel_loop3A_459 = arith.constant 160 : index
      %parallel_loop3A_460 = tpu.vector_load %arg18[%parallel_loop3A_458, %parallel_loop3A_459] {strides = array<i32>} : memref<64x256xf32, #tpu.memory_space<vmem>>, vector<16xf32>,
      %parallel_loop3A_461 = arith.index_cast %parallel_loop3A_342 : i32 to index
      %parallel_loop3A_462 = arith.constant 160 : index
      %parallel_loop3A_463 = tpu.vector_load %arg19[%parallel_loop3A_461, %parallel_loop3A_462] {strides = array<i32>} : memref<64x256xf32, #tpu.memory_space<vmem>>, vector<16xf32>,
      %parallel_loop3A_464 = arith.subf %parallel_loop3A_460, %parallel_loop3A_463 : vector<16xf32>
      %parallel_loop3A_465 = arith.mulf %parallel_loop3A_464, %parallel_loop3A_347 : vector<16xf32>
      %parallel_loop3A_466 = arith.index_cast %parallel_loop3A_342 : i32 to index
      %parallel_loop3A_467 = arith.constant 160 : index
      %parallel_loop3A_468 = tpu.vector_load %arg20[%parallel_loop3A_466, %parallel_loop3A_467] {strides = array<i32>} : memref<64x256xf32, #tpu.memory_space<vmem>>, vector<16xf32>,
      tpu.vector_store %arg20[%parallel_loop3A_466, %parallel_loop3A_467], %parallel_loop3A_465 {strides = array<i32>} : memref<64x256xf32, #tpu.memory_space<vmem>>, vector<16xf32>,
      %parallel_loop3A_469 = arith.index_cast %parallel_loop3A_342 : i32 to index
      %parallel_loop3A_470 = arith.constant 176 : index
      %parallel_loop3A_471 = tpu.vector_load %arg18[%parallel_loop3A_469, %parallel_loop3A_470] {strides = array<i32>} : memref<64x256xf32, #tpu.memory_space<vmem>>, vector<16xf32>,
      %parallel_loop3A_472 = arith.index_cast %parallel_loop3A_342 : i32 to index
      %parallel_loop3A_473 = arith.constant 176 : index
      %parallel_loop3A_474 = tpu.vector_load %arg19[%parallel_loop3A_472, %parallel_loop3A_473] {strides = array<i32>} : memref<64x256xf32, #tpu.memory_space<vmem>>, vector<16xf32>,
      %parallel_loop3A_475 = arith.subf %parallel_loop3A_471, %parallel_loop3A_474 : vector<16xf32>
      %parallel_loop3A_476 = arith.mulf %parallel_loop3A_475, %parallel_loop3A_347 : vector<16xf32>
      %parallel_loop3A_477 = arith.index_cast %parallel_loop3A_342 : i32 to index
      %parallel_loop3A_478 = arith.constant 176 : index
      %parallel_loop3A_479 = tpu.vector_load %arg20[%parallel_loop3A_477, %parallel_loop3A_478] {strides = array<i32>} : memref<64x256xf32, #tpu.memory_space<vmem>>, vector<16xf32>,
      tpu.vector_store %arg20[%parallel_loop3A_477, %parallel_loop3A_478], %parallel_loop3A_476 {strides = array<i32>} : memref<64x256xf32, #tpu.memory_space<vmem>>, vector<16xf32>,
      %parallel_loop3A_480 = arith.index_cast %parallel_loop3A_342 : i32 to index
      %parallel_loop3A_481 = arith.constant 192 : index
      %parallel_loop3A_482 = tpu.vector_load %arg18[%parallel_loop3A_480, %parallel_loop3A_481] {strides = array<i32>} : memref<64x256xf32, #tpu.memory_space<vmem>>, vector<16xf32>,
      %parallel_loop3A_483 = arith.index_cast %parallel_loop3A_342 : i32 to index
      %parallel_loop3A_484 = arith.constant 192 : index
      %parallel_loop3A_485 = tpu.vector_load %arg19[%parallel_loop3A_483, %parallel_loop3A_484] {strides = array<i32>} : memref<64x256xf32, #tpu.memory_space<vmem>>, vector<16xf32>,
      %parallel_loop3A_486 = arith.subf %parallel_loop3A_482, %parallel_loop3A_485 : vector<16xf32>
      %parallel_loop3A_487 = arith.mulf %parallel_loop3A_486, %parallel_loop3A_347 : vector<16xf32>
      %parallel_loop3A_488 = arith.index_cast %parallel_loop3A_342 : i32 to index
      %parallel_loop3A_489 = arith.constant 192 : index
      %parallel_loop3A_490 = tpu.vector_load %arg20[%parallel_loop3A_488, %parallel_loop3A_489] {strides = array<i32>} : memref<64x256xf32, #tpu.memory_space<vmem>>, vector<16xf32>,
      tpu.vector_store %arg20[%parallel_loop3A_488, %parallel_loop3A_489], %parallel_loop3A_487 {strides = array<i32>} : memref<64x256xf32, #tpu.memory_space<vmem>>, vector<16xf32>,
      %parallel_loop3A_491 = arith.index_cast %parallel_loop3A_342 : i32 to index
      %parallel_loop3A_492 = arith.constant 208 : index
      %parallel_loop3A_493 = tpu.vector_load %arg18[%parallel_loop3A_491, %parallel_loop3A_492] {strides = array<i32>} : memref<64x256xf32, #tpu.memory_space<vmem>>, vector<16xf32>,
      %parallel_loop3A_494 = arith.index_cast %parallel_loop3A_342 : i32 to index
      %parallel_loop3A_495 = arith.constant 208 : index
      %parallel_loop3A_496 = tpu.vector_load %arg19[%parallel_loop3A_494, %parallel_loop3A_495] {strides = array<i32>} : memref<64x256xf32, #tpu.memory_space<vmem>>, vector<16xf32>,
      %parallel_loop3A_497 = arith.subf %parallel_loop3A_493, %parallel_loop3A_496 : vector<16xf32>
      %parallel_loop3A_498 = arith.mulf %parallel_loop3A_497, %parallel_loop3A_347 : vector<16xf32>
      %parallel_loop3A_499 = arith.index_cast %parallel_loop3A_342 : i32 to index
      %parallel_loop3A_500 = arith.constant 208 : index
      %parallel_loop3A_501 = tpu.vector_load %arg20[%parallel_loop3A_499, %parallel_loop3A_500] {strides = array<i32>} : memref<64x256xf32, #tpu.memory_space<vmem>>, vector<16xf32>,
      tpu.vector_store %arg20[%parallel_loop3A_499, %parallel_loop3A_500], %parallel_loop3A_498 {strides = array<i32>} : memref<64x256xf32, #tpu.memory_space<vmem>>, vector<16xf32>,
      %parallel_loop3A_502 = arith.index_cast %parallel_loop3A_342 : i32 to index
      %parallel_loop3A_503 = arith.constant 224 : index
      %parallel_loop3A_504 = tpu.vector_load %arg18[%parallel_loop3A_502, %parallel_loop3A_503] {strides = array<i32>} : memref<64x256xf32, #tpu.memory_space<vmem>>, vector<16xf32>,
      %parallel_loop3A_505 = arith.index_cast %parallel_loop3A_342 : i32 to index
      %parallel_loop3A_506 = arith.constant 224 : index
      %parallel_loop3A_507 = tpu.vector_load %arg19[%parallel_loop3A_505, %parallel_loop3A_506] {strides = array<i32>} : memref<64x256xf32, #tpu.memory_space<vmem>>, vector<16xf32>,
      %parallel_loop3A_508 = arith.subf %parallel_loop3A_504, %parallel_loop3A_507 : vector<16xf32>
      %parallel_loop3A_509 = arith.mulf %parallel_loop3A_508, %parallel_loop3A_347 : vector<16xf32>
      %parallel_loop3A_510 = arith.index_cast %parallel_loop3A_342 : i32 to index
      %parallel_loop3A_511 = arith.constant 224 : index
      %parallel_loop3A_512 = tpu.vector_load %arg20[%parallel_loop3A_510, %parallel_loop3A_511] {strides = array<i32>} : memref<64x256xf32, #tpu.memory_space<vmem>>, vector<16xf32>,
      tpu.vector_store %arg20[%parallel_loop3A_510, %parallel_loop3A_511], %parallel_loop3A_509 {strides = array<i32>} : memref<64x256xf32, #tpu.memory_space<vmem>>, vector<16xf32>,
      %parallel_loop3A_513 = arith.index_cast %parallel_loop3A_342 : i32 to index
      %parallel_loop3A_514 = arith.constant 240 : index
      %parallel_loop3A_515 = tpu.vector_load %arg18[%parallel_loop3A_513, %parallel_loop3A_514] {strides = array<i32>} : memref<64x256xf32, #tpu.memory_space<vmem>>, vector<16xf32>,
      %parallel_loop3A_516 = arith.index_cast %parallel_loop3A_342 : i32 to index
      %parallel_loop3A_517 = arith.constant 240 : index
      %parallel_loop3A_518 = tpu.vector_load %arg19[%parallel_loop3A_516, %parallel_loop3A_517] {strides = array<i32>} : memref<64x256xf32, #tpu.memory_space<vmem>>, vector<16xf32>,
      %parallel_loop3A_519 = arith.subf %parallel_loop3A_515, %parallel_loop3A_518 : vector<16xf32>
      %parallel_loop3A_520 = arith.mulf %parallel_loop3A_519, %parallel_loop3A_347 : vector<16xf32>
      %parallel_loop3A_521 = arith.index_cast %parallel_loop3A_342 : i32 to index
      %parallel_loop3A_522 = arith.constant 240 : index
      %parallel_loop3A_523 = tpu.vector_load %arg20[%parallel_loop3A_521, %parallel_loop3A_522] {strides = array<i32>} : memref<64x256xf32, #tpu.memory_space<vmem>>, vector<16xf32>,
      tpu.vector_store %arg20[%parallel_loop3A_521, %parallel_loop3A_522], %parallel_loop3A_520 {strides = array<i32>} : memref<64x256xf32, #tpu.memory_space<vmem>>, vector<16xf32>,
    } {sc.loop_unroll_factor = 4 : i64, sc.parallel_access}
    %dma_start3A_312 = arith.constant 32 : i32
    %dma_start3A_313 = arith.constant 0 : i32
    %dma_start3A_314 = tpu.memref_slice %arg20[%dma_start3A_312, %dma_start3A_313] : memref<64x256xf32, #tpu.memory_space<vmem>> -> memref<32x256xf32, #tpu.memory_space<vmem>>
    %dma_start3A_315 = arith.constant 0 : i32
    %dma_start3A_316 = tpu.memref_slice %arg10[%mul3A_2, %dma_start3A_315] : memref<1024x256xf32, #tpu.memory_space<hbm>> -> memref<32x256xf32, #tpu.memory_space<hbm>>
    %dma_start3A_317 = arith.constant 0 : i32
    %dma_start3A_318 = tpu.memref_slice %arg10[%mul3A_2, %dma_start3A_317] : memref<1024x256xf32, #tpu.memory_space<hbm>> -> memref<32x256xf32, #tpu.memory_space<hbm>>
    %dma_start3A_319 = arith.constant 32 : i32
    %dma_start3A_320 = arith.constant 0 : i32
    %dma_start3A_321 = tpu.memref_slice %arg20[%dma_start3A_319, %dma_start3A_320] : memref<64x256xf32, #tpu.memory_space<vmem>> -> memref<32x256xf32, #tpu.memory_space<vmem>>
    tpu.enqueue_dma source(%dma_start3A_321 : memref<32x256xf32, #tpu.memory_space<vmem>>) target(%dma_start3A_318 : memref<32x256xf32, #tpu.memory_space<hbm>>) target_semaphore(%arg24 : memref<!tpu.dma_semaphore, #tpu.memory_space<semaphore_mem>>)
    %dma_wait3A_322 = arith.constant 0 : i32
    %dma_wait3A_323 = arith.constant 0 : i32
    %dma_wait3A_324 = tpu.memref_slice %arg20[%dma_wait3A_322, %dma_wait3A_323] : memref<64x256xf32, #tpu.memory_space<vmem>> -> memref<32x256xf32, #tpu.memory_space<vmem>>
    %dma_wait3A_325 = arith.constant 0 : i32
    %dma_wait3A_326 = tpu.memref_slice %arg9[%mul3A_2, %dma_wait3A_325] : memref<1024x256xf32, #tpu.memory_space<hbm>> -> memref<32x256xf32, #tpu.memory_space<hbm>>
    %dma_wait3A_327 = arith.constant 0 : i32
    %dma_wait3A_328 = tpu.memref_slice %arg9[%mul3A_2, %dma_wait3A_327] : memref<1024x256xf32, #tpu.memory_space<hbm>> -> memref<32x256xf32, #tpu.memory_space<hbm>>
    %dma_wait3A_329 = arith.constant 0 : i32
    %dma_wait3A_330 = arith.constant 0 : i32
    %dma_wait3A_331 = tpu.memref_slice %arg20[%dma_wait3A_329, %dma_wait3A_330] : memref<64x256xf32, #tpu.memory_space<vmem>> -> memref<32x256xf32, #tpu.memory_space<vmem>>
    tpu.wait_dma2 semaphore(%arg24 : memref<!tpu.dma_semaphore, #tpu.memory_space<semaphore_mem>>) src(%dma_wait3A_331 : memref<32x256xf32, #tpu.memory_space<vmem>>) dst(%dma_wait3A_328 : memref<32x256xf32, #tpu.memory_space<hbm>>)
    %dma_wait3A_332 = arith.constant 32 : i32
    %dma_wait3A_333 = arith.constant 0 : i32
    %dma_wait3A_334 = tpu.memref_slice %arg20[%dma_wait3A_332, %dma_wait3A_333] : memref<64x256xf32, #tpu.memory_space<vmem>> -> memref<32x256xf32, #tpu.memory_space<vmem>>
    %dma_wait3A_335 = arith.constant 0 : i32
    %dma_wait3A_336 = tpu.memref_slice %arg10[%mul3A_2, %dma_wait3A_335] : memref<1024x256xf32, #tpu.memory_space<hbm>> -> memref<32x256xf32, #tpu.memory_space<hbm>>
    %dma_wait3A_337 = arith.constant 0 : i32
    %dma_wait3A_338 = tpu.memref_slice %arg10[%mul3A_2, %dma_wait3A_337] : memref<1024x256xf32, #tpu.memory_space<hbm>> -> memref<32x256xf32, #tpu.memory_space<hbm>>
    %dma_wait3A_339 = arith.constant 32 : i32
    %dma_wait3A_340 = arith.constant 0 : i32
    %dma_wait3A_341 = tpu.memref_slice %arg20[%dma_wait3A_339, %dma_wait3A_340] : memref<64x256xf32, #tpu.memory_space<vmem>> -> memref<32x256xf32, #tpu.memory_space<vmem>>
    tpu.wait_dma2 semaphore(%arg24 : memref<!tpu.dma_semaphore, #tpu.memory_space<semaphore_mem>>) src(%dma_wait3A_341 : memref<32x256xf32, #tpu.memory_space<vmem>>) dst(%dma_wait3A_338 : memref<32x256xf32, #tpu.memory_space<hbm>>)
    return
  }
}

module attributes {stable_mosaic.version = 14 : i64} {
  func.func @_tc_tables(%arg0: memref<512x768xf32, #tpu.memory_space<vmem>>, %arg1: memref<256x768xf32, #tpu.memory_space<vmem>>, %arg2: memref<1x256xf32, #tpu.memory_space<vmem>>, %arg3: memref<1x256xf32, #tpu.memory_space<vmem>>, %arg4: memref<1024x256xf32, #tpu.memory_space<vmem>>, %arg5: memref<2x512xf32, #tpu.memory_space<vmem>>) attributes {dimension_semantics = [], scalar_prefetch = 0 : i64, scratch_operands = 0 : i64, tpu.core_type = #tpu.core_type<tc>} {
    %get3A = arith.constant 0 : index
    %get3A_0 = arith.constant 0 : index
    %get3A_1 = vector.load %arg0[%get3A, %get3A_0] : memref<512x768xf32, #tpu.memory_space<vmem>>, vector<512x768xf32>
    %get3A_2 = arith.constant 0 : index
    %get3A_3 = arith.constant 0 : index
    %get3A_4 = vector.load %arg1[%get3A_2, %get3A_3] : memref<256x768xf32, #tpu.memory_space<vmem>>, vector<256x768xf32>
    %dot_general3A = arith.constant dense<0.000000e+00> : vector<512x256xf32>
    %dot_general3A_5 = tpu.matmul %get3A_1, %get3A_4, %dot_general3A {dimension_numbers = #tpu.dot_dimension_numbers<[1], [1], [0], [0], [0, 0, 1, 0], [], []>, transpose_lhs_hint = false} : vector<512x768xf32>, vector<256x768xf32>, vector<512x256xf32> -> vector<512x256xf32>
    %get3A_6 = arith.constant 0 : index
    %get3A_7 = arith.constant 0 : index
    %get3A_8 = vector.load %arg2[%get3A_6, %get3A_7] : memref<1x256xf32, #tpu.memory_space<vmem>>, vector<1x256xf32>
    %add3A = vector.broadcast %get3A_8 : vector<1x256xf32> to vector<512x256xf32>
    %add3A_9 = arith.addf %dot_general3A_5, %add3A : vector<512x256xf32>
    %get3A_10 = arith.constant 0 : index
    %get3A_11 = arith.constant 0 : index
    %get3A_12 = vector.load %arg3[%get3A_10, %get3A_11] : memref<1x256xf32, #tpu.memory_space<vmem>>, vector<1x256xf32>
    %dot_general3A_13 = arith.constant dense<0.000000e+00> : vector<1x512xf32>
    %dot_general3A_14 = tpu.matmul %get3A_12, %add3A_9, %dot_general3A_13 {dimension_numbers = #tpu.dot_dimension_numbers<[1], [1], [0], [0], [0, 0, 1, 0], [], []>, transpose_lhs_hint = false} : vector<1x256xf32>, vector<512x256xf32>, vector<1x512xf32> -> vector<1x512xf32>
    %slice3A = vector.extract_strided_slice %dot_general3A_14 {offsets = [0, 0], sizes = [1, 256], strides = [1, 1]} : vector<1x512xf32> to vector<1x256xf32>
    %reduce_max3A = vector.shape_cast %slice3A : vector<1x256xf32> to vector<1x1x256xf32>
    %reduce_max3A_15 = arith.constant dense<0xFF800000> : vector<1xf32>
    %reduce_max3A_16 = vector.multi_reduction <maximumf>, %reduce_max3A, %reduce_max3A_15 [1, 2] : vector<1x1x256xf32> to vector<1xf32>
    %reduce_max3A_17 = vector.shape_cast %reduce_max3A_16 : vector<1xf32> to vector<1x1x1xf32>
    %reduce_max3A_18 = vector.extract %reduce_max3A_17[0, 0, 0] : f32 from vector<1x1x1xf32>
    %slice3A_19 = vector.extract_strided_slice %dot_general3A_14 {offsets = [0, 256], sizes = [1, 256], strides = [1, 1]} : vector<1x512xf32> to vector<1x256xf32>
    %reduce_max3A_20 = vector.shape_cast %slice3A_19 : vector<1x256xf32> to vector<1x1x256xf32>
    %reduce_max3A_21 = arith.constant dense<0xFF800000> : vector<1xf32>
    %reduce_max3A_22 = vector.multi_reduction <maximumf>, %reduce_max3A_20, %reduce_max3A_21 [1, 2] : vector<1x1x256xf32> to vector<1xf32>
    %reduce_max3A_23 = vector.shape_cast %reduce_max3A_22 : vector<1xf32> to vector<1x1x1xf32>
    %reduce_max3A_24 = vector.extract %reduce_max3A_23[0, 0, 0] : f32 from vector<1x1x1xf32>
    %iota3A = tpu.iota {dimensions = array<i32: 1>} : vector<1x512xi32>
    %lt3A = arith.constant 256 : i32
    %lt3A_25 = vector.broadcast %lt3A : i32 to vector<1x512xi32>
    %lt3A_26 = arith.cmpi slt, %iota3A, %lt3A_25 : vector<1x512xi32>
    %broadcast_in_dim3A = vector.broadcast %reduce_max3A_18 : f32 to vector<1x512xf32>
    %broadcast_in_dim3A_27 = vector.broadcast %reduce_max3A_24 : f32 to vector<1x512xf32>
    %select_n3A = arith.select %lt3A_26, %broadcast_in_dim3A, %broadcast_in_dim3A_27 : vector<1x512xi1>, vector<1x512xf32>
    %sub3A = arith.subf %dot_general3A_14, %select_n3A : vector<1x512xf32>
    %exp3A = math.exp %sub3A : vector<1x512xf32>
    %iota3A_28 = tpu.iota {dimensions = array<i32: 0>} : vector<512x512xi32>
    %iota3A_29 = tpu.iota {dimensions = array<i32: 1>} : vector<512x512xi32>
    %jit3A = arith.constant 256 : i32
    %div3A = vector.broadcast %jit3A : i32 to vector<512x512xi32>
    %div3A_30 = arith.divsi %iota3A_28, %div3A : vector<512x512xi32>
    %sign3A = arith.constant 0 : i32
    %sign3A_31 = vector.broadcast %sign3A : i32 to vector<512x512xi32>
    %sign3A_32 = arith.cmpi sgt, %iota3A_28, %sign3A_31 : vector<512x512xi32>
    %sign3A_33 = arith.extui %sign3A_32 : vector<512x512xi1> to vector<512x512xi32>
    %sign3A_34 = arith.constant 0 : i32
    %sign3A_35 = vector.broadcast %sign3A_34 : i32 to vector<512x512xi32>
    %sign3A_36 = arith.cmpi slt, %iota3A_28, %sign3A_35 : vector<512x512xi32>
    %sign3A_37 = arith.extui %sign3A_36 : vector<512x512xi1> to vector<512x512xi32>
    %sign3A_38 = arith.subi %sign3A_33, %sign3A_37 : vector<512x512xi32>
    %sign3A_39 = arith.constant 0 : i32
    %sign3A_40 = arith.cmpi sgt, %jit3A, %sign3A_39 : i32
    %sign3A_41 = arith.extui %sign3A_40 : i1 to i32
    %sign3A_42 = arith.constant 0 : i32
    %sign3A_43 = arith.cmpi slt, %jit3A, %sign3A_42 : i32
    %sign3A_44 = arith.extui %sign3A_43 : i1 to i32
    %sign3A_45 = arith.subi %sign3A_41, %sign3A_44 : i32
    %ne3A = vector.broadcast %sign3A_45 : i32 to vector<512x512xi32>
    %ne3A_46 = arith.cmpi ne, %sign3A_38, %ne3A : vector<512x512xi32>
    %rem3A = vector.broadcast %jit3A : i32 to vector<512x512xi32>
    %rem3A_47 = arith.remsi %iota3A_28, %rem3A : vector<512x512xi32>
    %ne3A_48 = arith.constant 0 : i32
    %ne3A_49 = vector.broadcast %ne3A_48 : i32 to vector<512x512xi32>
    %ne3A_50 = arith.cmpi ne, %rem3A_47, %ne3A_49 : vector<512x512xi32>
    %and3A = arith.andi %ne3A_46, %ne3A_50 : vector<512x512xi1>
    %sub3A_51 = arith.constant 1 : i32
    %sub3A_52 = vector.broadcast %sub3A_51 : i32 to vector<512x512xi32>
    %sub3A_53 = arith.subi %div3A_30, %sub3A_52 : vector<512x512xi32>
    %select_n3A_54 = arith.select %and3A, %sub3A_53, %div3A_30 : vector<512x512xi1>, vector<512x512xi32>
    %jit3A_55 = arith.constant 256 : i32
    %div3A_56 = vector.broadcast %jit3A_55 : i32 to vector<512x512xi32>
    %div3A_57 = arith.divsi %iota3A_29, %div3A_56 : vector<512x512xi32>
    %sign3A_58 = arith.constant 0 : i32
    %sign3A_59 = vector.broadcast %sign3A_58 : i32 to vector<512x512xi32>
    %sign3A_60 = arith.cmpi sgt, %iota3A_29, %sign3A_59 : vector<512x512xi32>
    %sign3A_61 = arith.extui %sign3A_60 : vector<512x512xi1> to vector<512x512xi32>
    %sign3A_62 = arith.constant 0 : i32
    %sign3A_63 = vector.broadcast %sign3A_62 : i32 to vector<512x512xi32>
    %sign3A_64 = arith.cmpi slt, %iota3A_29, %sign3A_63 : vector<512x512xi32>
    %sign3A_65 = arith.extui %sign3A_64 : vector<512x512xi1> to vector<512x512xi32>
    %sign3A_66 = arith.subi %sign3A_61, %sign3A_65 : vector<512x512xi32>
    %sign3A_67 = arith.constant 0 : i32
    %sign3A_68 = arith.cmpi sgt, %jit3A_55, %sign3A_67 : i32
    %sign3A_69 = arith.extui %sign3A_68 : i1 to i32
    %sign3A_70 = arith.constant 0 : i32
    %sign3A_71 = arith.cmpi slt, %jit3A_55, %sign3A_70 : i32
    %sign3A_72 = arith.extui %sign3A_71 : i1 to i32
    %sign3A_73 = arith.subi %sign3A_69, %sign3A_72 : i32
    %ne3A_74 = vector.broadcast %sign3A_73 : i32 to vector<512x512xi32>
    %ne3A_75 = arith.cmpi ne, %sign3A_66, %ne3A_74 : vector<512x512xi32>
    %rem3A_76 = vector.broadcast %jit3A_55 : i32 to vector<512x512xi32>
    %rem3A_77 = arith.remsi %iota3A_29, %rem3A_76 : vector<512x512xi32>
    %ne3A_78 = arith.constant 0 : i32
    %ne3A_79 = vector.broadcast %ne3A_78 : i32 to vector<512x512xi32>
    %ne3A_80 = arith.cmpi ne, %rem3A_77, %ne3A_79 : vector<512x512xi32>
    %and3A_81 = arith.andi %ne3A_75, %ne3A_80 : vector<512x512xi1>
    %sub3A_82 = arith.constant 1 : i32
    %sub3A_83 = vector.broadcast %sub3A_82 : i32 to vector<512x512xi32>
    %sub3A_84 = arith.subi %div3A_57, %sub3A_83 : vector<512x512xi32>
    %select_n3A_85 = arith.select %and3A_81, %sub3A_84, %div3A_57 : vector<512x512xi1>, vector<512x512xi32>
    %eq3A = arith.cmpi eq, %select_n3A_54, %select_n3A_85 : vector<512x512xi32>
    %le3A = arith.cmpi sle, %iota3A_29, %iota3A_28 : vector<512x512xi32>
    %and3A_86 = arith.andi %le3A, %eq3A : vector<512x512xi1>
    %jit3A_87 = arith.constant 1.000000e+00 : f32
    %jit3A_88 = arith.constant 0.000000e+00 : f32
    %broadcast_in_dim3A_89 = vector.broadcast %jit3A_87 : f32 to vector<512x512xf32>
    %broadcast_in_dim3A_90 = vector.broadcast %jit3A_88 : f32 to vector<512x512xf32>
    %select_n3A_91 = arith.select %and3A_86, %broadcast_in_dim3A_89, %broadcast_in_dim3A_90 : vector<512x512xi1>, vector<512x512xf32>
    %lt3A_92 = arith.cmpi slt, %iota3A_29, %iota3A_28 : vector<512x512xi32>
    %and3A_93 = arith.andi %lt3A_92, %eq3A : vector<512x512xi1>
    %jit3A_94 = arith.constant 1.000000e+00 : f32
    %jit3A_95 = arith.constant 0.000000e+00 : f32
    %broadcast_in_dim3A_96 = vector.broadcast %jit3A_94 : f32 to vector<512x512xf32>
    %broadcast_in_dim3A_97 = vector.broadcast %jit3A_95 : f32 to vector<512x512xf32>
    %select_n3A_98 = arith.select %and3A_93, %broadcast_in_dim3A_96, %broadcast_in_dim3A_97 : vector<512x512xi1>, vector<512x512xf32>
    %mul3A = vector.broadcast %exp3A : vector<1x512xf32> to vector<512x512xf32>
    %mul3A_99 = arith.mulf %select_n3A_91, %mul3A : vector<512x512xf32>
    %dot_general3A_100 = arith.constant dense<0.000000e+00> : vector<512x256xf32>
    %dot_general3A_101 = tpu.matmul %mul3A_99, %add3A_9, %dot_general3A_100 {dimension_numbers = #tpu.dot_dimension_numbers<[1], [0], [0], [1], [0, 0, 1, 1], [], []>, transpose_lhs_hint = false} : vector<512x512xf32>, vector<512x256xf32>, vector<512x256xf32> -> vector<512x256xf32>
    %swap3A = arith.constant 0 : index
    %swap3A_102 = arith.constant 0 : index
    %swap3A_103 = vector.load %arg4[%swap3A, %swap3A_102] : memref<1024x256xf32, #tpu.memory_space<vmem>>, vector<512x256xf32>
    tpu.vector_store %arg4[%swap3A, %swap3A_102], %dot_general3A_101 {strides = array<i32>} : memref<1024x256xf32, #tpu.memory_space<vmem>>, vector<512x256xf32>,
    %mul3A_104 = vector.broadcast %exp3A : vector<1x512xf32> to vector<512x512xf32>
    %mul3A_105 = arith.mulf %select_n3A_98, %mul3A_104 : vector<512x512xf32>
    %dot_general3A_106 = arith.constant dense<0.000000e+00> : vector<512x256xf32>
    %dot_general3A_107 = tpu.matmul %mul3A_105, %add3A_9, %dot_general3A_106 {dimension_numbers = #tpu.dot_dimension_numbers<[1], [0], [0], [1], [0, 0, 1, 1], [], []>, transpose_lhs_hint = false} : vector<512x512xf32>, vector<512x256xf32>, vector<512x256xf32> -> vector<512x256xf32>
    %swap3A_108 = arith.constant 512 : index
    %swap3A_109 = arith.constant 0 : index
    %swap3A_110 = vector.load %arg4[%swap3A_108, %swap3A_109] : memref<1024x256xf32, #tpu.memory_space<vmem>>, vector<512x256xf32>
    tpu.vector_store %arg4[%swap3A_108, %swap3A_109], %dot_general3A_107 {strides = array<i32>} : memref<1024x256xf32, #tpu.memory_space<vmem>>, vector<512x256xf32>,
    %dot_general3A_111 = arith.constant dense<0.000000e+00> : vector<1x512xf32>
    %dot_general3A_112 = tpu.matmul %exp3A, %select_n3A_91, %dot_general3A_111 {dimension_numbers = #tpu.dot_dimension_numbers<[1], [1], [0], [0], [0, 0, 1, 0], [], []>, transpose_lhs_hint = false} : vector<1x512xf32>, vector<512x512xf32>, vector<1x512xf32> -> vector<1x512xf32>
    %swap3A_113 = arith.constant 0 : index
    %swap3A_114 = arith.constant 0 : index
    %swap3A_115 = vector.load %arg5[%swap3A_113, %swap3A_114] : memref<2x512xf32, #tpu.memory_space<vmem>>, vector<1x512xf32>
    tpu.vector_store %arg5[%swap3A_113, %swap3A_114], %dot_general3A_112 {strides = array<i32>} : memref<2x512xf32, #tpu.memory_space<vmem>>, vector<1x512xf32>,
    %sub3A_116 = arith.subf %dot_general3A_112, %exp3A : vector<1x512xf32>
    %swap3A_117 = arith.constant 1 : index
    %swap3A_118 = arith.constant 0 : index
    %swap3A_119 = vector.load %arg5[%swap3A_117, %swap3A_118] : memref<2x512xf32, #tpu.memory_space<vmem>>, vector<1x512xf32>
    tpu.vector_store %arg5[%swap3A_117, %swap3A_118], %sub3A_116 {strides = array<i32>} : memref<2x512xf32, #tpu.memory_space<vmem>>, vector<1x512xf32>,
    return
  }
}

</mosaic_0001>

<sc_bundles>
// kernel: kernel.4.cloned.1.call-start
scs
__scs_entry_jumppad:
0x0: {  	(pc) =	sbr.rel $0x88, $3  }
0x1: {  	(tag) =	ssettag $0x0;
	lr =	simm.s32 $0x1  }
0x2: {  	[smem:$0x3F98] =	sst lr;
	_ =	strace $0xD0000000  }
0x3: {  	_ = 	snop  }
0x4: {  	_ = 	snop  }
0x5: {  	_ = 	snop  }
0x6: {  	_ = 	snop  }
0x7: {  	_ = 	snop  }
__scs_overlays_trampoline_lowered:
0x8: {  	[smem:$0x3FA7] =	sst s0  }
0x9: {  	[smem:$0x3FA8] =	sst s1  }
0xa: {  	[smem:$0x3FA9] =	sst s2  }
0xb: {  	[smem:$0x3FAA] =	sst s3  }
0xc: {  	[smem:$0x3FAB] =	sst s4  }
0xd: {  	[smem:$0x3FAC] =	sst s5  }
0xe: {  	[smem:$0x3FAD] =	sst s6  }
0xf: {  	[smem:$0x3FAE] =	sst s7  }
0x10: {  	[smem:$0x3FAF] =	sst s8  }
0x11: {  	[smem:$0x3FB0] =	sst s9;
	s0 =	simm.s32 @!p0 $0x0  }
0x12: {  	s1 =	sld [smem:$0x3F96];
	s0 =	simm.s32 @p0 $0x1  }
0x13: {  	[smem:$0x3FB1] =	sst s0;
	s0 =	simm.s32 @!p1 $0x0  }
0x14: {  	s2 =	sld [smem:$0x3F95];
	s0 =	simm.s32 @p1 $0x1  }
0x15: {  	[smem:$0x3FB2] =	sst s0;
	s0 =	simm.s32 @!p2 $0x0  }
0x16: {  	s3 =	sld [smem:$0x3FDB];
	s0 =	simm.s32 @p2 $0x1  }
0x17: {  	s4 =	simm.s32 $0x1BF5;
	[smem:$0x3FB4] =	sst s0  }
0x18: {  	s0 =	sld [smem:$0x3F97];
	_ =	swait.ge [sflag:s4], $0x0  }
0x19: {  	s7 =	sld [smem:$0x3F98]  }
0x1a: {  	s8 =	sadd.s32 $0xFFFFE003, lr  }
0x1b: {  	s9 =	sadd.s32 $0xFFFFFEF7, lr;
	s5 =	simm.s32 $0xFFFFFFFF;
	p2 =	slt.u32 s8, $0xFFFFF086  }
0x1c: {  	p1 =	slt.u32 s9, $0xF7A;
	s5 =	simm.s32 @!p2 $0x0  }
0x1d: {  	s5 =	simm.s32 @p1 $0x1;
	p0 =	seq.s32 s7, s2  }
0x1e: {  	s7 =	smul.u32 @!p0 $0xF7A, s2;
	p2 =	seq.s32 @!p0 s5, $0x0  }
0x1f: {  	s9 =	smul.u32 $0xF7A, s1;
	s8 =	simm.s32 @!p0 $0x1BF5;
	p2 =	por !p2, p0  }
0x20: {  	[sflag:s8] =	ssyncset.s32 @!p0 $0xFFFFF086;
	s6 =	sadd.s32 @!p0 s3, s7;
	s7 =	simm.s32 @!p0 $0x108  }
0x21: {  	s3 =	sadd.s32 s3, s9;
	s6 =	sadd.s32 @!p0 $0x88, s6;
	s7 =	simm.s32 @p2 $0x1082  }
0x22: {  	[simem:s7], [sflag:s8] =	dma.local @!p0 [hbm:s6], $0xF7A  }
0x23: {  	s9 =	sor.u32 $0xD0000000, s2;
	s6 =	simm.s32 $0x108;
	_ =	swait.ge @!p0 [sflag:s8], $0x0  }
0x24: {  	s3 =	sadd.s32 $0x88, s3;
	s6 =	simm.s32 @!p1 $0x1082;
	[sflag:s4] =	ssyncset.s32 $0xFFFFF086  }
0x25: {  	[simem:s6], [sflag:s4] =	dma.local [hbm:s3], $0xF7A  }
0x26: {  	[smem:$0x3F98] =	sst s1;
	(tag) =	ssettag s2;
	_ =	strace s9  }
0x27: {  	s1 =	sld [smem:$0x3FA8]  }
0x28: {  	s2 =	sld [smem:$0x3FA9]  }
0x29: {  	s4 =	sld [smem:$0x3FAB]  }
0x2a: {  	p0 =	seq.s32 s5, $0x0;
	s5 =	sld [smem:$0x3FAC]  }
0x2b: {  	s6 =	sld [smem:$0x3FAD]  }
0x2c: {  	s7 =	sld [smem:$0x3FAE]  }
0x2d: {  	s3 =	simm.s32 $0x108;
	s8 =	sld [smem:$0x3FAF]  }
0x2e: {  	s3 =	simm.s32 @!p0 $0x1082;
	s9 =	sld [smem:$0x3FB0]  }
0x2f: {  	lr =	sadd.s32 s0, s3;
	s0 =	sld [smem:$0x3FA7]  }
0x30: {  	s3 =	sld [smem:$0x3FAA]  }
0x31: {  	[smem:$0x3FB3] =	sst s10  }
0x32: {  	s10 =	sld [smem:$0x3FB1];
	_ =	sdelay $0x3  }
0x33: {  	p0 =	seq.s32 s10, $0x1;
	s10 =	sld [smem:$0x3FB3];
	_ =	sdelay $0x3  }
0x34: {  	[smem:$0x3FB3] =	sst s10  }
0x35: {  	s10 =	sld [smem:$0x3FB2];
	_ =	sdelay $0x3  }
0x36: {  	p1 =	seq.s32 s10, $0x1;
	s10 =	sld [smem:$0x3FB3];
	_ =	sdelay $0x3  }
0x37: {  	[smem:$0x3FB3] =	sst s10  }
0x38: {  	s10 =	sld [smem:$0x3FB4]  }
0x39: {  	_ = 	snop;
	(pc) =	sbr.ind lr, $3  }
0x3a: {  	_ = 	snop  }
0x3b: {  	_ = 	snop  }
0x3c: {  	p2 =	seq.s32 s10, $0x1;
	s10 =	sld [smem:$0x3FB3]  }
0x3d: {  	_ =	shalt  }
0x3e: {  	_ =	shalt  }
0x3f: {  	_ =	shalt  }
0x40: {  	_ =	shalt  }
0x41: {  	_ =	shalt  }
0x42: {  	_ =	shalt  }
0x43: {  	_ =	shalt  }
0x44: {  	_ =	shalt  }
0x45: {  	_ =	shalt  }
0x46: {  	_ =	shalt  }
0x47: {  	_ =	shalt  }
0x48: {  	_ =	shalt  }
0x49: {  	_ =	shalt  }
0x4a: {  	_ =	shalt  }
0x4b: {  	_ =	shalt  }
0x4c: {  	_ =	shalt  }
0x4d: {  	_ =	shalt  }
0x4e: {  	_ =	shalt  }
0x4f: {  	_ =	shalt  }
0x50: {  	_ =	shalt  }
0x51: {  	_ =	shalt  }
0x52: {  	_ =	shalt  }
0x53: {  	_ =	shalt  }
0x54: {  	_ =	shalt  }
0x55: {  	_ =	shalt  }
0x56: {  	_ =	shalt  }
0x57: {  	_ =	shalt  }
0x58: {  	_ =	shalt  }
0x59: {  	_ =	shalt  }
0x5a: {  	_ =	shalt  }
0x5b: {  	_ =	shalt  }
0x5c: {  	_ =	shalt  }
0x5d: {  	_ =	shalt  }
0x5e: {  	_ =	shalt  }
0x5f: {  	_ =	shalt  }
0x60: {  	_ =	shalt  }
0x61: {  	_ =	shalt  }
0x62: {  	_ =	shalt  }
0x63: {  	_ =	shalt  }
0x64: {  	_ =	shalt  }
0x65: {  	_ =	shalt  }
0x66: {  	_ =	shalt  }
0x67: {  	_ =	shalt  }
0x68: {  	_ =	shalt  }
0x69: {  	_ =	shalt  }
0x6a: {  	_ =	shalt  }
0x6b: {  	_ =	shalt  }
0x6c: {  	_ =	shalt  }
0x6d: {  	_ =	shalt  }
0x6e: {  	_ =	shalt  }
0x6f: {  	_ =	shalt  }
0x70: {  	_ =	shalt  }
0x71: {  	_ =	shalt  }
0x72: {  	_ =	shalt  }
0x73: {  	_ =	shalt  }
0x74: {  	_ =	shalt  }
0x75: {  	_ =	shalt  }
0x76: {  	_ =	shalt  }
0x77: {  	_ =	shalt  }
0x78: {  	_ =	shalt  }
0x79: {  	_ =	shalt  }
0x7a: {  	_ =	shalt  }
0x7b: {  	_ =	shalt  }
0x7c: {  	_ =	shalt  }
0x7d: {  	_ =	shalt  }
0x7e: {  	_ =	shalt  }
0x7f: {  	_ =	shalt  }
0x80: {  	_ =	shalt  }
0x81: {  	_ =	shalt  }
0x82: {  	_ =	shalt  }
0x83: {  	_ =	shalt  }
0x84: {  	_ =	shalt  }
0x85: {  	_ =	shalt  }
0x86: {  	_ =	shalt  }
0x87: {  	_ =	shalt  }
.Lfunc_end0:
.L_simem_size_0:
called_computation_lowered:
.L_overlay_start_0:
0x88: {  	s2 =	sld [smem:$0x3FD9]  }
0x89: {  	s3 =	sld [smem:$0x3FFE];
	_ =	sdelay $0x1  }
0x8a: {  	s1 =	srdreg.scid  }
0x8b: {  	s0 =	sand.u32 $0x1, s1  }
0x8c: {  	s14 =	sshll.u32 s0, $0xA;
	s2 =	sadd.s32 s3, s2  }
0x8d: {  	s2 =	sadd.s32 s2, s14  }
0x8e: {  	[smem:$0x3FBF] =	sst s2  }
0x8f: {  	_ = 	snop  }
0x90: {  	s2 =	sld [smem:$0x3FC8]  }
0x91: {  	s15 =	sld [smem:$0x3FC7]  }
0x92: {  	s4 =	sld [smem:$0x3FD0]  }
0x93: {  	s5 =	sld [smem:$0x3FC6]  }
0x94: {  	s6 =	sld [smem:$0x3FC5]  }
0x95: {  	s8 =	simm.s32 $0xA;
	s9 =	simm.s32 $0x10;
	s7 =	sld [smem:$0x3FC4]  }
0x96: {  	[smem:s9], [sflag:s8] =	dma.local [hbm:s4], $0x1  }
0x97: {  	_ =	swait.eq [sflag:s8], $0x1  }
0x98: {  	[sflag:s8] =	ssyncset.done $0x0  }
0x99: {  	s16 =	sld [smem:$0x10];
	[sflag:s8] =	ssyncadd.s32 $0xFFFFFFFF  }
0x9a: {  	s17 =	sld [smem:$0x11];
	(tm) =	ssettm $0x1  }
0x9b: {  	s18 =	sld [smem:$0x3FFB];
	_ =	sdelay $0x3  }
0x9c: {  	_ =	strace s18  }
0x9d: {  	s9 =	sld [smem:$0x3FFC];
	_ =	sdelay $0x3  }
0x9e: {  	_ =	strace s9  }
0x9f: {  	s9 =	sld [smem:$0x3FFD];
	_ =	sdelay $0x3  }
0xa0: {  	_ =	strace s9  }
0xa1: {  	_ =	strace $0x8FFFFFFF  }
0xa2: {  	s19 =	sld [smem:$0x3FDB];
	_ =	sdelay $0x1  }
0xa3: {  	s10 =	simm.s32 $_scs_section_size  }
0xa4: {  	s11 =	simm.s32 $_size__tile_overlayer_lowered;
	s12 =	simm.s32 $_tile_overlayer_lowered  }
0xa5: {  	s22 =	simm.s32 $0x1BFF;
	s21 =	sshll.u32 s12, $0x1;
	s9 =	sadd.s32 s10, s19  }
0xa6: {  	s13 =	simm.s32 $0x0;
	s20 =	sshll.u32 s11, $0x1;
	s11 =	sadd.s32 s21, s9  }
0xa7: {  	[timem:s13], [sflag:s22] =	dma.local [hbm:s11], s20  }
0xa8: {  	_ =	swait.ge [sflag:s22], s20  }
0xa9: {  	s10 =	ssub.s32 $0x0, s20;
	[sflag:s22] =	ssyncset.done $0x0  }
0xaa: {  	[sflag:s22] =	ssyncadd.s32 s10;
	_ =	sdelay $0x1  }
0xab: {  	s23 =	simm.s32 $0x1B8B  }
0xac: {  	_ =	swait.ge [sflag:s23], $0x1  }
0xad: {  	[sflag:s23] =	ssyncset.done $0x0  }
0xae: {  	s25 =	simm.s32 $0x1B8E;
	s24 =	sld [smem:$0x3FFE];
	[sflag:s23] =	ssyncadd.s32 $0xFFFFFFFF  }
0xaf: {  	s26 =	simm.s32 $execute0_lowered;
	[smem:$0x3FD2] =	sst s25  }
0xb0: {  	s11 =	sshll.u32 s26, $0x1;
	_ =	strace $0x80000046;
	[dreg:$0x1] =	wrdreg $0xFFFFFFFF  }
0xb1: {  	s28 =	simm.s32 $_size_execute0_lowered;
	s9 =	sadd.s32 s9, s11;
	[dreg:$0x0] =	wrdreg $0x0  }
0xb2: {  	s11 =	sshll.u32 s28, $0x1;
	[dreg:$0x2] =	wrdreg s9  }
0xb3: {  	[dreg:$0x3] =	wrdreg s11  }
0xb4: {  	[dreg:$0x4] =	wrdreg $0xC0  }
0xb5: {  	_ =	task [dreg:s13], $0x5FFFF  }
0xb6: {  	[dreg:$0x1] =	wrdreg $0xFFFFFFFF  }
0xb7: {  	[dreg:$0x0] =	wrdreg $0x60  }
0xb8: {  	[dreg:$0x2] =	wrdreg s24  }
0xb9: {  	[dreg:$0x3] =	wrdreg s5  }
0xba: {  	[dreg:$0x4] =	wrdreg s2  }
0xbb: {  	[dreg:$0x5] =	wrdreg s15  }
0xbc: {  	[dreg:$0x6] =	wrdreg s6  }
0xbd: {  	[dreg:$0x7] =	wrdreg s7  }
0xbe: {  	[dreg:$0x8] =	wrdreg s16  }
0xbf: {  	[dreg:$0x9] =	wrdreg s17  }
0xc0: {  	[dreg:$0xa] =	wrdreg $0x9  }
0xc1: {  	_ =	task.clear_ibuf [dreg:s13], $0xBFFFF;
	_ =	strace $0x90000046  }
0xc2: {  	s29 =	simm.s32 $0x9;
	_ =	strace $0x80000048  }
0xc3: {  	_ =	swait.ge [sflag:s29], $0x1  }
0xc4: {  	[sflag:s29] =	ssyncadd.s32 $0xFFFFFFFF  }
0xc5: {  	_ =	strace $0x90000048  }
0xc6: {  	_ =	sfence  }
0xc7: {  	s30 =	sld [smem:$0x0];
	_ =	sdelay $0x2  }
0xc8: {  	s31 =	sshll.u32 s1, $0xD;
	s1 =	sshrl.u32 s1, $0x2  }
0xc9: {  	s3 =	sand.u32 $0x4000, s31;
	s1 =	sadd.s32 s1, s30  }
0xca: {  	s0 =	sor.u32 s3, s0;
	s1 =	sshll.u32 s1, $0x11  }
0xcb: {  	s0 =	sor.u32 s1, s0  }
0xcc: {  	s0 =	sadd.s32 $0x8F2B, s0  }
0xcd: {  	[sflag:s0] =	ssyncadd.remote.s32 $0x1  }
0xce: {  	_ =	sfence.sel $0xFFFF  }
0xcf: {  	[dreg:$0x0] =	wrdreg $0xFFFFFFFF;
	(pc) =	sbr.abs _section_cstart, $3  }
0xd0: {  	[dreg:$0x1] =	wrdreg $0xFFFFFFFF  }
0xd1: {  	_ =	task.clear_ibuf [dreg:s13], $0x2FFFF;
	_ =	strace $0x9FFFFFFF  }
0xd2: {  	(tm) =	ssettm $0x7FFFFFFF  }
0xd3: {  	_ =	shalt  }
tec
execute0_lowered:
.L_overlay_start_1:
0x0: {  	(tag) =	ssettag $0x1  }
0x1: {  	s0 =	rddreg [dreg:$0x0]  }
0x2: {  	s1 =	rddreg [dreg:$0x1]  }
0x3: {  	s2 =	rddreg [dreg:$0x2]  }
0x4: {  	s3 =	rddreg [dreg:$0x3]  }
0x5: {  	s4 =	rddreg [dreg:$0x4]  }
0x6: {  	s5 =	rddreg [dreg:$0x5]  }
0x7: {  	s6 =	rddreg [dreg:$0x6]  }
0x8: {  	s7 =	rddreg [dreg:$0x7];
	s12 =	simm.s32 $0x0;
	s8 =	srdreg.scid  }
0x9: {  	s10 =	stileid.u32;
	[smem:$0x7FF] =	sst s12;
	s8 =	sand.u32 $0x1, s8  }
0xa: {  	s10 =	sshll.u32 s10, $0x6;
	s9 =	ssub.s32 $0x2, s8;
	s8 =	sshll.u32 s8, $0x5  }
0xb: {  	s11 =	sadd.s32 $0x1400, s0;
	s0 =	sadd.s32 $0x9400, s0;
	s8 =	sor.u32 s8, s10  }
0xc: {  	_ =	strace $0x80000047;
	[smem:$0x7F4] =	sst s11;
	s24 =	sshrl.u32 s8, $0x3  }
0xd: {  	[smem:$0x7F5] =	sst s0;
	s1 =	sadd.s32 s1, s24  }
0xe: {  	s25 =	sadd.s32 s2, s24;
	[smem:$0x7F6] =	sst s1  }
0xf: {  	s26 =	sadd.s32 s4, s24;
	[smem:$0x7F7] =	sst s25  }
0x10: {  	s22 =	sshrl.u32 s9, $0x1;
	s28 =	sadd.s32 s3, s24;
	[smem:$0x7F8] =	sst s26  }
0x11: {  	s30 =	sshll.u32 s8, $0x5;
	s29 =	sadd.s32 s5, s24;
	[smem:$0x7F9] =	sst s28  }
0x12: {  	s23 =	ssub.s32 s9, s22;
	s31 =	sadd.s32 s6, s30;
	[smem:$0x7FA] =	sst s29  }
0x13: {  	v2 =	vlaneseq.u32;
	s0 =	smax.u32 s23, $0x1;
	[smem:$0x7FB] =	sst s31  }
0x14: {  	vm0 =	vmmov $0xffff;
	v1 =	vshrl.u32 v2, $0x3;
	s1 =	sadd.s32 s7, s30;
	[smem:$0x7FD] =	sst s0  }
0x15: {  	s13 =	simm.s32 $0x680;
	v0 =	vand.u32 $0x7, v2;
	v2 =	vor.u32 $0x8, v2;
	v1 =	vmul.u32 $0x8, v1;
	s2 =	simm.s32 $0x0;
	[smem:$0x7FC] =	sst s1  }
.LBB2_1:
0x16: {  	s0 =	sld [smem:$0x7F5];
	_ =	sdelay $0x1  }
0x17: {  	s1 =	simm.s32 $0x280;
	s23 =	sld [smem:$0x7F6]  }
0x18: {  	[tilespmem:s1], [sflag:$0x3] =	stream.linear.gather [hbm4b:s0+s12], $0x400, $0x38;
	[tilespmem:$0xC700] =	vst v63  }
0x19: {  	_ = 	snop  }
0x1a: {  	[tilespmem:s12], [sflag:$0x3] =	stream.linear.gather [hbm4b:s23+s12], $0x20, $0x38;
	[tilespmem:$0xC700] =	vst v63  }
0x1b: {  	s24 =	simm.s32 $0x20;
	s25 =	sld [smem:$0x7F7]  }
0x1c: {  	[tilespmem:s24], [sflag:$0x3] =	stream.linear.gather [hbm4b:s23+s12], $0x20, $0x38;
	[tilespmem:$0xC700] =	vst v63  }
0x1d: {  	s26 =	simm.s32 $0x80;
	s3 =	sld [smem:$0x7F8]  }
0x1e: {  	[tilespmem:s26], [sflag:$0x3] =	stream.linear.gather [hbm4b:s25+s12], $0x20, $0x38;
	[tilespmem:$0xC700] =	vst v63  }
0x1f: {  	s4 =	simm.s32 $0xA0;
	s5 =	sld [smem:$0x7F9]  }
0x20: {  	[tilespmem:s4], [sflag:$0x3] =	stream.linear.gather [hbm4b:s3+s12], $0x20, $0x38;
	[tilespmem:$0xC700] =	vst v63  }
0x21: {  	s6 =	simm.s32 $0x100;
	s7 =	sld [smem:$0x7FA]  }
0x22: {  	[tilespmem:s6], [sflag:$0x3] =	stream.linear.gather [hbm4b:s5+s12], $0x20, $0x38;
	[tilespmem:$0xC700] =	vst v63  }
0x23: {  	[smem:$0x7F2] =	sst s2;
	s8 =	simm.s32 $0x120;
	s9 =	simm.s32 $0x3  }
0x24: {  	[tilespmem:s8], [sflag:$0x3] =	stream.linear.gather [hbm4b:s7+s12], $0x20, $0x38;
	[tilespmem:$0xC700] =	vst v63  }
0x25: {  	_ =	swait.ge [sflag:s9], $0x20  }
0x26: {  	[sflag:s9] =	ssyncset.done $0x0  }
0x27: {  	[sflag:s9] =	ssyncadd.s32 $0xFFFFFFE0  }
0x28: {  	_ =	swait.ge [sflag:s9], $0x20  }
0x29: {  	[sflag:s9] =	ssyncset.done $0x0  }
0x2a: {  	[sflag:s9] =	ssyncadd.s32 $0xFFFFFFE0  }
0x2b: {  	_ =	swait.ge [sflag:s9], $0x20  }
0x2c: {  	[sflag:s9] =	ssyncset.done $0x0  }
0x2d: {  	[sflag:s9] =	ssyncadd.s32 $0xFFFFFFE0  }
0x2e: {  	_ =	swait.ge [sflag:s9], $0x20  }
0x2f: {  	[sflag:s9] =	ssyncset.done $0x0  }
0x30: {  	[sflag:s9] =	ssyncadd.s32 $0xFFFFFFE0  }
0x31: {  	_ =	swait.ge [sflag:s9], $0x20  }
0x32: {  	[sflag:s9] =	ssyncset.done $0x0  }
0x33: {  	[sflag:s9] =	ssyncadd.s32 $0xFFFFFFE0  }
0x34: {  	_ =	swait.ge [sflag:s9], $0x20  }
0x35: {  	[sflag:s9] =	ssyncset.done $0x0  }
0x36: {  	[sflag:s9] =	ssyncadd.s32 $0xFFFFFFE0  }
0x37: {  	v3 =	vld [tilespmem:$0x0]  }
0x38: {  	v4 =	vld [tilespmem:$0x100];
	_ =	sdelay $0x3  }
0x39: {  	v5 =	vld [tilespmem:$0x80];
	v3 =	vshll.u32 v3, $0x8  }
0x3a: {  	v6 =	vld [tilespmem:$0x10];
	v4 =	vadd.s32 v4, v3  }
0x3b: {  	v8 =	vld [tilespmem:$0x90];
	[tilespmem:$0x180] =	vst v4  }
0x3c: {  	v7 =	vld [tilespmem:$0x180]  }
0x3d: {  	v9 =	vld [tilespmem:$0x20]  }
0x3e: {  	v10 =	vld [tilespmem:$0x120]  }
0x3f: {  	v4 =	vld [tilespmem:$0x110]  }
0x40: {  	v11 =	vld [tilespmem:$0xA0]  }
0x41: {  	v13 =	vld [tilespmem:$0x130];
	v6 =	vshll.u32 v6, $0x8;
	v3 =	vadd.s32 v5, v3;
	v12 =	vshll.u32 v7, $0x1  }
0x42: {  	v5 =	vld [tilespmem:$0x30];
	v3 =	vadd.s32 $0x200, v3;
	v7 =	vand.u32 $0x7, v7;
	v12 =	vand.u32 $0xFFFFFFF0, v12  }
0x43: {  	v14 =	vld [tilespmem:$0xB0];
	[tilespmem:$0x200] =	vst v3;
	v3 =	vadd.s32 v8, v6;
	v7 =	vor.u32 v7, v12  }
0x44: {  	v4 =	vadd.s32 v4, v6;
	v6 =	vshll.u32 v9, $0x8;
	v8 =	vperm.xlane v7, v0  }
0x45: {  	v3 =	vadd.s32 $0x200, v3;
	[tilespmem:$0x190] =	vst v4;
	v4 =	vadd.s32 v10, v6  }
0x46: {  	[tilespmem:$0x210] =	vst v3;
	v3 =	vadd.s32 v11, v6;
	v7 =	vperm.xlane v7, v2;
	v6 =	vadd.s32 v1, v8  }
0x47: {  	[tilespmem:$0x1A0] =	vst v4;
	v3 =	vadd.s32 $0x200, v3;
	v4 =	vshll.u32 v5, $0x8  }
0x48: {  	s10 =	sld [smem:$0x7F4];
	[tilespmem:$0x220] =	vst v3;
	v3 =	vadd.s32 v13, v4;
	v4 =	vadd.s32 v14, v4;
	v5 =	vadd.s32 v1, v7  }
0x49: {  	[tilespmem:$0x1B0] =	vst v3;
	v3 =	vadd.s32 $0x200, v4  }
0x4a: {  	s3 =	simm.s32 $0x700;
	[tilespmem:$0x230] =	vst v3  }
0x4b: {  	[tilespmem:s3], [sflag:$0x1] =	stream.indirect_vreg.gather [hbm4b:s10+s12], $0x80, v6, vm0, $0xb8;
	[tilespmem:$0xC700] =	vst v63  }
0x4c: {  	s11 =	simm.s32 $0xF00  }
0x4d: {  	[tilespmem:s11], [sflag:$0x1] =	stream.indirect_vreg.gather [hbm4b:s10+s12], $0x80, v5, vm0, $0xb8;
	[tilespmem:$0xC700] =	vst v63  }
0x4e: {  	v3 =	vld [tilespmem:$0x190];
	_ =	sdelay $0x4  }
0x4f: {  	v4 =	vshll.u32 v3, $0x1  }
0x50: {  	v3 =	vand.u32 $0x7, v3;
	v4 =	vand.u32 $0xFFFFFFF0, v4  }
0x51: {  	v3 =	vor.u32 v3, v4  }
0x52: {  	v4 =	vperm.xlane v3, v0;
	_ =	sdelay $0x1  }
0x53: {  	v3 =	vperm.xlane v3, v2;
	v4 =	vadd.s32 v1, v4;
	_ =	sdelay $0x1  }
0x54: {  	v3 =	vadd.s32 v1, v3;
	_ =	sdelay $0x1  }
0x55: {  	s14 =	simm.s32 $0x1700  }
0x56: {  	[tilespmem:s14], [sflag:$0x1] =	stream.indirect_vreg.gather [hbm4b:s10+s12], $0x80, v4, vm0, $0xb8;
	[tilespmem:$0xC700] =	vst v63  }
0x57: {  	s15 =	simm.s32 $0x1F00  }
0x58: {  	[tilespmem:s15], [sflag:$0x1] =	stream.indirect_vreg.gather [hbm4b:s10+s12], $0x80, v3, vm0, $0xb8;
	[tilespmem:$0xC700] =	vst v63  }
0x59: {  	v3 =	vld [tilespmem:$0x200];
	_ =	sdelay $0x4  }
0x5a: {  	v4 =	vshll.u32 v3, $0x1  }
0x5b: {  	v3 =	vand.u32 $0x7, v3;
	v4 =	vand.u32 $0xFFFFFFF0, v4  }
0x5c: {  	v3 =	vor.u32 v3, v4  }
0x5d: {  	v4 =	vperm.xlane v3, v0;
	_ =	sdelay $0x1  }
0x5e: {  	v3 =	vperm.xlane v3, v2;
	v4 =	vadd.s32 v1, v4;
	_ =	sdelay $0x1  }
0x5f: {  	v3 =	vadd.s32 v1, v3;
	_ =	sdelay $0x1  }
0x60: {  	s16 =	simm.s32 $0x4700  }
0x61: {  	[tilespmem:s16], [sflag:$0x1] =	stream.indirect_vreg.gather [hbm4b:s10+s12], $0x80, v4, vm0, $0xb8;
	[tilespmem:$0xC700] =	vst v63  }
0x62: {  	s17 =	simm.s32 $0x4F00  }
0x63: {  	[tilespmem:s17], [sflag:$0x1] =	stream.indirect_vreg.gather [hbm4b:s10+s12], $0x80, v3, vm0, $0xb8;
	[tilespmem:$0xC700] =	vst v63  }
0x64: {  	v3 =	vld [tilespmem:$0x210];
	_ =	sdelay $0x4  }
0x65: {  	v4 =	vshll.u32 v3, $0x1  }
0x66: {  	v3 =	vand.u32 $0x7, v3;
	v4 =	vand.u32 $0xFFFFFFF0, v4  }
0x67: {  	v3 =	vor.u32 v3, v4  }
0x68: {  	v4 =	vperm.xlane v3, v0;
	_ =	sdelay $0x1  }
0x69: {  	v3 =	vperm.xlane v3, v2;
	v4 =	vadd.s32 v1, v4;
	_ =	sdelay $0x1  }
0x6a: {  	v3 =	vadd.s32 v1, v3;
	_ =	sdelay $0x1  }
0x6b: {  	s18 =	simm.s32 $0x5700  }
0x6c: {  	[tilespmem:s18], [sflag:$0x1] =	stream.indirect_vreg.gather [hbm4b:s10+s12], $0x80, v4, vm0, $0xb8;
	[tilespmem:$0xC700] =	vst v63  }
0x6d: {  	s19 =	simm.s32 $0x5F00  }
0x6e: {  	[tilespmem:s19], [sflag:$0x1] =	stream.indirect_vreg.gather [hbm4b:s10+s12], $0x80, v3, vm0, $0xb8;
	[tilespmem:$0xC700] =	vst v63  }
0x6f: {  	v3 =	vld [tilespmem:$0x1A0];
	_ =	sdelay $0x4  }
0x70: {  	v4 =	vshll.u32 v3, $0x1  }
0x71: {  	v3 =	vand.u32 $0x7, v3;
	v4 =	vand.u32 $0xFFFFFFF0, v4  }
0x72: {  	v3 =	vor.u32 v3, v4  }
0x73: {  	v4 =	vperm.xlane v3, v0;
	_ =	sdelay $0x1  }
0x74: {  	v3 =	vperm.xlane v3, v2;
	v4 =	vadd.s32 v1, v4;
	_ =	sdelay $0x1  }
0x75: {  	v3 =	vadd.s32 v1, v3;
	_ =	sdelay $0x1  }
0x76: {  	s20 =	simm.s32 $0x2700  }
0x77: {  	[tilespmem:s20], [sflag:$0x2] =	stream.indirect_vreg.gather [hbm4b:s10+s12], $0x80, v4, vm0, $0xb8;
	[tilespmem:$0xC700] =	vst v63  }
0x78: {  	s21 =	simm.s32 $0x2F00  }
0x79: {  	[tilespmem:s21], [sflag:$0x2] =	stream.indirect_vreg.gather [hbm4b:s10+s12], $0x80, v3, vm0, $0xb8;
	[tilespmem:$0xC700] =	vst v63  }
0x7a: {  	v3 =	vld [tilespmem:$0x1B0];
	_ =	sdelay $0x4  }
0x7b: {  	v4 =	vshll.u32 v3, $0x1  }
0x7c: {  	v3 =	vand.u32 $0x7, v3;
	v4 =	vand.u32 $0xFFFFFFF0, v4  }
0x7d: {  	v3 =	vor.u32 v3, v4  }
0x7e: {  	v4 =	vperm.xlane v3, v0;
	_ =	sdelay $0x1  }
0x7f: {  	v3 =	vperm.xlane v3, v2;
	v4 =	vadd.s32 v1, v4;
	_ =	sdelay $0x1  }
0x80: {  	v3 =	vadd.s32 v1, v3;
	_ =	sdelay $0x1  }
0x81: {  	s22 =	simm.s32 $0x3700  }
0x82: {  	[tilespmem:s22], [sflag:$0x2] =	stream.indirect_vreg.gather [hbm4b:s10+s12], $0x80, v4, vm0, $0xb8;
	[tilespmem:$0xC700] =	vst v63  }
0x83: {  	s23 =	simm.s32 $0x3F00  }
0x84: {  	[tilespmem:s23], [sflag:$0x2] =	stream.indirect_vreg.gather [hbm4b:s10+s12], $0x80, v3, vm0, $0xb8;
	[tilespmem:$0xC700] =	vst v63  }
0x85: {  	v3 =	vld [tilespmem:$0x220];
	_ =	sdelay $0x4  }
0x86: {  	v4 =	vshll.u32 v3, $0x1  }
0x87: {  	v3 =	vand.u32 $0x7, v3;
	v4 =	vand.u32 $0xFFFFFFF0, v4  }
0x88: {  	v3 =	vor.u32 v3, v4  }
0x89: {  	v4 =	vperm.xlane v3, v0;
	_ =	sdelay $0x1  }
0x8a: {  	v3 =	vperm.xlane v3, v2;
	v4 =	vadd.s32 v1, v4;
	_ =	sdelay $0x1  }
0x8b: {  	v3 =	vadd.s32 v1, v3;
	_ =	sdelay $0x1  }
0x8c: {  	s24 =	simm.s32 $0x6700  }
0x8d: {  	[tilespmem:s24], [sflag:$0x2] =	stream.indirect_vreg.gather [hbm4b:s10+s12], $0x80, v4, vm0, $0xb8;
	[tilespmem:$0xC700] =	vst v63  }
0x8e: {  	s25 =	simm.s32 $0x6F00  }
0x8f: {  	[tilespmem:s25], [sflag:$0x2] =	stream.indirect_vreg.gather [hbm4b:s10+s12], $0x80, v3, vm0, $0xb8;
	[tilespmem:$0xC700] =	vst v63  }
0x90: {  	v3 =	vld [tilespmem:$0x230];
	_ =	sdelay $0x4  }
0x91: {  	v4 =	vshll.u32 v3, $0x1  }
0x92: {  	v3 =	vand.u32 $0x7, v3;
	v4 =	vand.u32 $0xFFFFFFF0, v4  }
0x93: {  	v3 =	vor.u32 v3, v4  }
0x94: {  	v4 =	vperm.xlane v3, v0;
	_ =	sdelay $0x1  }
0x95: {  	v3 =	vperm.xlane v3, v2;
	v4 =	vadd.s32 v1, v4;
	_ =	sdelay $0x1  }
0x96: {  	v3 =	vadd.s32 v1, v3;
	_ =	sdelay $0x1  }
0x97: {  	s26 =	simm.s32 $0x7700  }
0x98: {  	[tilespmem:s26], [sflag:$0x2] =	stream.indirect_vreg.gather [hbm4b:s10+s12], $0x80, v4, vm0, $0xb8;
	[tilespmem:$0xC700] =	vst v63  }
0x99: {  	s4 =	simm.s32 $0x7F00  }
0x9a: {  	[tilespmem:s4], [sflag:$0x2] =	stream.indirect_vreg.gather [hbm4b:s10+s12], $0x80, v3, vm0, $0xb8;
	[tilespmem:$0xC700] =	vst v63  }
0x9b: {  	_ =	swait.ge [sflag:s9], $0x400  }
0x9c: {  	[sflag:s9] =	ssyncset.done $0x0  }
0x9d: {  	[sflag:s9] =	ssyncadd.s32 $0xFFFFFC00  }
0x9e: {  	v3 =	vld [tilespmem:$0x180]  }
0x9f: {  	v4 =	vld [tilespmem:$0x200];
	_ =	sdelay $0x4  }
0xa0: {  	v5 =	vand.u32 $0x7F, v3;
	v3 =	vshll.u32 v3, $0x1;
	v6 =	vshll.u32 v4, $0x1  }
0xa1: {  	v4 =	vand.u32 $0x7F, v4;
	v3 =	vand.u32 $0xFFFFFF00, v3;
	v6 =	vand.u32 $0xFFFFFF00, v6  }
0xa2: {  	v3 =	vor.u32 v5, v3;
	v4 =	vor.u32 v4, v6  }
0xa3: {  	v4 =	vadd.s32 $0xFFFFFC80, v4;
	_ =	sdelay $0x3  }
0xa4: {  	v3 =	vld.idx.msk [tilespmem:v3+s1+$0x0], $0xffff  }
0xa5: {  	v4 =	vld.idx.msk [tilespmem:v4+s1+$0x0], $0xffff;
	_ =	sdelay $0x4  }
0xa6: {  	v3 =	vsub.f32 v3, v4  }
0xa7: {  	v4 =	vld [tilespmem:$0x190]  }
0xa8: {  	(erf) = vrcp.f32 v3;
	v3 =	vld [tilespmem:$0x210];
	_ =	sdelay $0x2  }
0xa9: {  	v5 =	vld [tilespmem:$0x80]  }
0xaa: {  	v6 =	vld [tilespmem:$0x100]  }
0xab: {  	v7 =	vand.u32 $0x7F, v4;
	v4 =	vshll.u32 v4, $0x1;
	v8 =	vshll.u32 v3, $0x1  }
0xac: {  	v4 =	vand.u32 $0xFFFFFF00, v4;
	v3 =	vand.u32 $0x7F, v3;
	v8 =	vand.u32 $0xFFFFFF00, v8  }
0xad: {  	v4 =	vor.u32 v7, v4;
	v3 =	vor.u32 v3, v8  }
0xae: {  	v3 =	vadd.s32 $0xFFFFFC80, v3  }
0xaf: {  	vm1 =	vgt.s32 v5, v6;
	v5 =	vpop (erf)  }
0xb0: {  	v5 =	vsel vm1, $0x0, v5  }
0xb1: {  	[tilespmem:$0x680] =	vst v5  }
0xb2: {  	v4 =	vld.idx.msk [tilespmem:v4+s1+$0x0], $0xffff  }
0xb3: {  	v3 =	vld.idx.msk [tilespmem:v3+s1+$0x0], $0xffff;
	_ =	sdelay $0x4  }
0xb4: {  	v3 =	vsub.f32 v4, v3  }
0xb5: {  	v4 =	vld [tilespmem:$0x1A0]  }
0xb6: {  	(erf) = vrcp.f32 v3;
	v3 =	vld [tilespmem:$0x220];
	_ =	sdelay $0x2  }
0xb7: {  	v6 =	vld [tilespmem:$0x110]  }
0xb8: {  	v5 =	vld [tilespmem:$0x90]  }
0xb9: {  	v7 =	vand.u32 $0x7F, v4;
	v4 =	vshll.u32 v4, $0x1;
	v8 =	vshll.u32 v3, $0x1  }
0xba: {  	v4 =	vand.u32 $0xFFFFFF00, v4;
	v3 =	vand.u32 $0x7F, v3;
	v8 =	vand.u32 $0xFFFFFF00, v8  }
0xbb: {  	v4 =	vor.u32 v7, v4;
	v3 =	vor.u32 v3, v8  }
0xbc: {  	v3 =	vadd.s32 $0xFFFFFC80, v3  }
0xbd: {  	vm1 =	vgt.s32 v5, v6;
	v5 =	vpop (erf)  }
0xbe: {  	v5 =	vsel vm1, $0x0, v5  }
0xbf: {  	[tilespmem:$0x690] =	vst v5  }
0xc0: {  	v4 =	vld.idx.msk [tilespmem:v4+s1+$0x0], $0xffff  }
0xc1: {  	v3 =	vld.idx.msk [tilespmem:v3+s1+$0x0], $0xffff;
	_ =	sdelay $0x4  }
0xc2: {  	v3 =	vsub.f32 v4, v3  }
0xc3: {  	v4 =	vld [tilespmem:$0x1B0]  }
0xc4: {  	(erf) = vrcp.f32 v3;
	v3 =	vld [tilespmem:$0x230];
	_ =	sdelay $0x2  }
0xc5: {  	v6 =	vld [tilespmem:$0x120]  }
0xc6: {  	v5 =	vld [tilespmem:$0xA0]  }
0xc7: {  	v7 =	vand.u32 $0x7F, v4;
	v4 =	vshll.u32 v4, $0x1;
	v8 =	vshll.u32 v3, $0x1  }
0xc8: {  	v4 =	vand.u32 $0xFFFFFF00, v4;
	v3 =	vand.u32 $0x7F, v3;
	v8 =	vand.u32 $0xFFFFFF00, v8  }
0xc9: {  	v4 =	vor.u32 v7, v4;
	v3 =	vor.u32 v3, v8  }
0xca: {  	v3 =	vadd.s32 $0xFFFFFC80, v3  }
0xcb: {  	vm1 =	vgt.s32 v5, v6;
	v5 =	vpop (erf)  }
0xcc: {  	v5 =	vsel vm1, $0x0, v5  }
0xcd: {  	[tilespmem:$0x6A0] =	vst v5  }
0xce: {  	v4 =	vld.idx.msk [tilespmem:v4+s1+$0x0], $0xffff  }
0xcf: {  	v3 =	vld.idx.msk [tilespmem:v3+s1+$0x0], $0xffff;
	_ =	sdelay $0x4  }
0xd0: {  	v3 =	vsub.f32 v4, v3;
	_ =	sdelay $0x1  }
0xd1: {  	(erf) = vrcp.f32 v3;
	_ =	sdelay $0x2  }
0xd2: {  	v4 =	vld [tilespmem:$0x130]  }
0xd3: {  	v3 =	vld [tilespmem:$0xB0];
	_ =	sdelay $0x4  }
0xd4: {  	vm1 =	vgt.s32 v3, v4;
	v3 =	vpop (erf)  }
0xd5: {  	v3 =	vsel vm1, $0x0, v3  }
0xd6: {  	s5 =	simm.s32 $0x1;
	s6 =	simm.s32 $0x1;
	[tilespmem:$0x6B0] =	vst v3;
	v3 =	vmov s12  }
0xd7: {  	s7 =	simm.s32 $0x3;
	v4 =	vmov s5;
	_ =	swait.ge [sflag:s6], $0x2000;
	v3 =	vand.u32 $0xFFFFFFFC, v3  }
0xd8: {  	[sflag:s6] =	ssyncset.done $0x0;
	v5 =	vbroadcast v3, $0x0;
	v3 =	vand.u32 $0xFFFFFFFD, v4;
	v4 =	vmov s7  }
0xd9: {  	[sflag:s6] =	ssyncadd.s32 $0xFFFFE000  }
0xda: {  	_ =	swait.ge [sflag:s6], $0x2000  }
0xdb: {  	s8 =	simm.s32 $0x100;
	[sflag:s6] =	ssyncset.done $0x0  }
0xdc: {  	s0 =	sand.u32 $0x300, s8;
	s9 =	sand.u32 $0x1800, s12;
	[sflag:s6] =	ssyncadd.s32 $0xFFFFE000  }
0xdd: {  	s10 =	sor.u32 s9, s0;
	v6 =	vbroadcast v3, $0x0;
	v3 =	vld.idx.msk [tilespmem:v4+s13+$0x0], $0xffff  }
0xde: {  	s11 =	simm.s32 $0x2;
	v7 =	vld [tilespmem:s10+$0x4700]  }
0xdf: {  	v8 =	vmov s11;
	v9 =	vld [tilespmem:s10+$0x710]  }
0xe0: {  	v8 =	vand.u32 $0xFFFFFFFE, v8;
	v11 =	vld [tilespmem:s10+$0x4710]  }
0xe1: {  	v8 =	vbroadcast v8, $0x0;
	v12 =	vld [tilespmem:s10+$0x720]  }
0xe2: {  	v13 =	vld [tilespmem:s10+$0x4720]  }
0xe3: {  	v14 =	vld [tilespmem:s10+$0x730]  }
0xe4: {  	v15 =	vld [tilespmem:s10+$0x4730]  }
0xe5: {  	v16 =	vld [tilespmem:s10+$0x740]  }
0xe6: {  	v17 =	vld [tilespmem:s10+$0x4740]  }
0xe7: {  	v10 =	vld.idx.msk [tilespmem:v8+s13+$0x0], $0xffff  }
0xe8: {  	s14 =	simm.s32 $0x0;
	v8 =	vld [tilespmem:s10+$0x750]  }
0xe9: {  	s0 =	sand.u32 $0x200, s14;
	v18 =	vld [tilespmem:s10+$0x4750]  }
0xea: {  	s15 =	sor.u32 s0, s9;
	v19 =	vld [tilespmem:s10+$0x760]  }
0xeb: {  	v20 =	vld [tilespmem:s15+$0x700]  }
0xec: {  	v21 =	vld [tilespmem:s15+$0x760]  }
0xed: {  	v22 =	vld [tilespmem:s15+$0x4760]  }
0xee: {  	v4 =	vld.idx.msk [tilespmem:v5+s13+$0x0], $0xffff  }
0xef: {  	s17 =	simm.s32 $0x80;
	v5 =	vld.idx.msk [tilespmem:v6+s13+$0x0], $0xffff  }
0xf0: {  	s2 =	sand.u32 $0x280, s17;
	v6 =	vld [tilespmem:s10+$0x700]  }
0xf1: {  	s2 =	sor.u32 s9, s2;
	v23 =	vld [tilespmem:s15+$0x4770]  }
0xf2: {  	v24 =	vld [tilespmem:s2+$0x700]  }
0xf3: {  	v25 =	vld [tilespmem:s2+$0x4700]  }
0xf4: {  	v9 =	vsub.f32 v9, v11;
	v11 =	vld [tilespmem:s10+$0x770]  }
0xf5: {  	v12 =	vsub.f32 v12, v13;
	v13 =	vld [tilespmem:s10+$0x4770];
	v6 =	vsub.f32 v6, v7  }
0xf6: {  	v14 =	vsub.f32 v14, v15;
	v7 =	vld [tilespmem:s10+$0x4760];
	v9 =	vmul.f32 v9, v10  }
0xf7: {  	v27 =	vld [tilespmem:s2+$0x710];
	v6 =	vmul.f32 v6, v10  }
0xf8: {  	v28 =	vld [tilespmem:s2+$0x4710];
	v8 =	vsub.f32 v8, v18;
	[tilespmem:s10+$0x8710] =	vst v9;
	v9 =	vmul.f32 v14, v10  }
0xf9: {  	v29 =	vld [tilespmem:s2+$0x720];
	[tilespmem:s10+$0x8700] =	vst v6;
	v6 =	vmul.f32 v12, v10;
	v12 =	vsub.f32 v16, v17  }
0xfa: {  	v30 =	vld [tilespmem:s2+$0x4720];
	v8 =	vmul.f32 v8, v10;
	[tilespmem:s10+$0x8730] =	vst v9;
	v9 =	vsub.f32 v11, v13  }
0xfb: {  	s16 =	sand.u32 $0x3, s12;
	v31 =	vld [tilespmem:s2+$0x730];
	v7 =	vsub.f32 v19, v7;
	[tilespmem:s10+$0x8720] =	vst v6;
	v6 =	vmul.f32 v12, v10  }
0xfc: {  	s0 =	sshll.u32 s16, $0x8;
	v56 =	vld [tilespmem:s2+$0x4730];
	[tilespmem:s10+$0x8750] =	vst v8;
	v8 =	vmul.f32 v9, v10  }
0xfd: {  	s0 =	sadd.s32 $0x0, s0;
	v32 =	vld [tilespmem:s2+$0x740];
	[tilespmem:s10+$0x8740] =	vst v6;
	v6 =	vmul.f32 v7, v10  }
0xfe: {  	s0 =	sadd.s32 $0x100, s0;
	v33 =	vld [tilespmem:s2+$0x4740];
	[tilespmem:s10+$0x8770] =	vst v8  }
0xff: {  	s4 =	sor.u32 $0x400, s0;
	v34 =	vld [tilespmem:s2+$0x750];
	[tilespmem:s10+$0x8760] =	vst v6  }
0x100: {  	v8 =	vld [tilespmem:s4+$0x700]  }
0x101: {  	v13 =	vld [tilespmem:s4+$0x4700]  }
0x102: {  	v36 =	vld [tilespmem:s2+$0x4750]  }
0x103: {  	v15 =	vld [tilespmem:s15+$0x4700]  }
0x104: {  	v37 =	vld [tilespmem:s2+$0x760]  }
0x105: {  	v57 =	vld [tilespmem:s2+$0x4770]  }
0x106: {  	v18 =	vld [tilespmem:s15+$0x750];
	v8 =	vsub.f32 v8, v13  }
0x107: {  	v14 =	vld [tilespmem:s15+$0x4710]  }
0x108: {  	v15 =	vsub.f32 v20, v15;
	v20 =	vld [tilespmem:s2+$0x4760];
	v8 =	vmul.f32 v8, v10  }
0x109: {  	v16 =	vld [tilespmem:s15+$0x710]  }
0x10a: {  	s18 =	sor.u32 $0x410, s0;
	v11 =	vld [tilespmem:s15+$0x4720];
	[tilespmem:s4+$0x8700] =	vst v8  }
0x10b: {  	v8 =	vld [tilespmem:s18+$0x700]  }
0x10c: {  	v26 =	vld [tilespmem:s18+$0x4700]  }
0x10d: {  	v17 =	vld [tilespmem:s15+$0x4740]  }
0x10e: {  	v19 =	vld [tilespmem:s15+$0x4750]  }
0x10f: {  	v12 =	vld [tilespmem:s15+$0x720]  }
0x110: {  	v9 =	vld [tilespmem:s15+$0x4730]  }
0x111: {  	v6 =	vld [tilespmem:s15+$0x740];
	v8 =	vsub.f32 v8, v26  }
0x112: {  	s19 =	simm.s32 $0x180;
	v7 =	vld [tilespmem:s15+$0x730]  }
0x113: {  	v14 =	vsub.f32 v16, v14;
	v16 =	vld [tilespmem:s2+$0x770];
	s4 =	sand.u32 $0x380, s19;
	v8 =	vmul.f32 v8, v10  }
0x114: {  	v11 =	vsub.f32 v12, v11;
	v13 =	vld [tilespmem:s15+$0x770];
	s4 =	sor.u32 s9, s4  }
0x115: {  	s5 =	sor.u32 $0x420, s0;
	v15 =	vmul.f32 v15, v4;
	v12 =	vld [tilespmem:s4+$0x700];
	[tilespmem:s18+$0x8700] =	vst v8  }
0x116: {  	v11 =	vmul.f32 v11, v4;
	v6 =	vsub.f32 v6, v17;
	v8 =	vld [tilespmem:s5+$0x700]  }
0x117: {  	[tilespmem:s15+$0x8700] =	vst v15;
	v14 =	vmul.f32 v14, v4;
	v7 =	vsub.f32 v7, v9;
	v35 =	vld [tilespmem:s5+$0x4700]  }
0x118: {  	[tilespmem:s15+$0x8720] =	vst v11;
	v11 =	vsub.f32 v21, v22;
	v6 =	vmul.f32 v6, v4;
	v9 =	vld [tilespmem:s4+$0x4700]  }
0x119: {  	v15 =	vsub.f32 v18, v19;
	[tilespmem:s15+$0x8710] =	vst v14;
	v7 =	vmul.f32 v7, v4;
	v14 =	vld [tilespmem:s4+$0x710]  }
0x11a: {  	[tilespmem:s15+$0x8740] =	vst v6;
	v6 =	vmul.f32 v11, v4;
	v11 =	vsub.f32 v24, v25;
	v18 =	vld [tilespmem:s4+$0x720]  }
0x11b: {  	[tilespmem:s15+$0x8730] =	vst v7;
	v7 =	vmul.f32 v15, v4;
	v13 =	vsub.f32 v13, v23;
	v19 =	vld [tilespmem:s4+$0x4720]  }
0x11c: {  	[tilespmem:s15+$0x8760] =	vst v6;
	v6 =	vmul.f32 v11, v5;
	v21 =	vld [tilespmem:s4+$0x730];
	v8 =	vsub.f32 v8, v35  }
0x11d: {  	[tilespmem:s15+$0x8750] =	vst v7;
	v11 =	vsub.f32 v29, v30;
	v22 =	vld [tilespmem:s4+$0x4730];
	v7 =	vmul.f32 v13, v4  }
0x11e: {  	v23 =	vld [tilespmem:s4+$0x740];
	v13 =	vsub.f32 v27, v28;
	[tilespmem:s2+$0x8700] =	vst v6;
	v8 =	vmul.f32 v8, v10  }
0x11f: {  	v58 =	vld [tilespmem:s4+$0x4740];
	v6 =	vmul.f32 v11, v5;
	v11 =	vsub.f32 v32, v33;
	[tilespmem:s15+$0x8770] =	vst v7  }
0x120: {  	s20 =	sor.u32 $0x430, s0;
	v7 =	vmul.f32 v13, v5;
	v13 =	vsub.f32 v31, v56;
	[tilespmem:s5+$0x8700] =	vst v8;
	v8 =	vld [tilespmem:s4+$0x4710]  }
0x121: {  	[tilespmem:s2+$0x8720] =	vst v6;
	v6 =	vmul.f32 v11, v5;
	v17 =	vld [tilespmem:s20+$0x700]  }
0x122: {  	v11 =	vsub.f32 v37, v20;
	[tilespmem:s2+$0x8710] =	vst v7;
	v7 =	vmul.f32 v13, v5;
	v13 =	vsub.f32 v34, v36;
	v15 =	vld [tilespmem:s20+$0x4700]  }
0x123: {  	v20 =	vld [tilespmem:s4+$0x750];
	[tilespmem:s2+$0x8740] =	vst v6  }
0x124: {  	s21 =	sand.u32 $0x7, s12;
	v6 =	vmul.f32 v11, v5;
	v11 =	vld [tilespmem:s4+$0x760];
	[tilespmem:s2+$0x8730] =	vst v7;
	v7 =	vmul.f32 v13, v5;
	v13 =	vsub.f32 v16, v57  }
0x125: {  	s1 =	sshll.u32 s21, $0x7;
	v9 =	vsub.f32 v12, v9;
	v12 =	vld [tilespmem:s4+$0x4760]  }
0x126: {  	s22 =	sadd.s32 $0x0, s1;
	v16 =	vld [tilespmem:s4+$0x4750];
	[tilespmem:s2+$0x8750] =	vst v7;
	v7 =	vmul.f32 v13, v5;
	v8 =	vsub.f32 v14, v8  }
0x127: {  	p0 =	por $0x0, $0x0;
	s1 =	sadd.s32 $0x80, s22;
	s6 =	simm.s32 $0x1;
	[tilespmem:s2+$0x8760] =	vst v6;
	v6 =	vmul.f32 v9, v3;
	v13 =	vld [tilespmem:s4+$0x770];
	v9 =	vsub.f32 v17, v15  }
0x128: {  	s7 =	sor.u32 $0x400, s1;
	s6 =	simm.s32 @!p0 $0x0;
	[tilespmem:s2+$0x8770] =	vst v7;
	v14 =	vld [tilespmem:s4+$0x4770];
	v7 =	vmul.f32 v8, v3;
	v8 =	vsub.f32 v18, v19  }
0x129: {  	s23 =	sshll.u32 s6, $0x9;
	[tilespmem:s4+$0x8700] =	vst v6;
	v15 =	vld [tilespmem:s7+$0x700];
	v6 =	vmul.f32 v9, v10;
	v9 =	vsub.f32 v21, v22  }
0x12a: {  	s2 =	sadd.s32 $0x0, s23;
	v17 =	vld [tilespmem:s7+$0x4700];
	[tilespmem:s4+$0x8710] =	vst v7;
	v7 =	vmul.f32 v8, v3;
	v8 =	vsub.f32 v23, v58  }
0x12b: {  	s24 =	sor.u32 $0x400, s2;
	[tilespmem:s20+$0x8700] =	vst v6;
	v6 =	vmul.f32 v9, v3;
	v9 =	vsub.f32 v20, v16  }
0x12c: {  	v11 =	vsub.f32 v11, v12;
	[tilespmem:s4+$0x8720] =	vst v7;
	v7 =	vmul.f32 v8, v3;
	v8 =	vld [tilespmem:s24+$0x700]  }
0x12d: {  	v12 =	vsub.f32 v13, v14;
	[tilespmem:s4+$0x8730] =	vst v6;
	v6 =	vmul.f32 v9, v3;
	v9 =	vld [tilespmem:s24+$0x4700]  }
0x12e: {  	[tilespmem:s4+$0x8740] =	vst v7;
	v7 =	vmul.f32 v11, v3  }
0x12f: {  	s8 =	sor.u32 $0x440, s0;
	v11 =	vmul.f32 v12, v3;
	[tilespmem:s4+$0x8750] =	vst v6;
	v6 =	vsub.f32 v15, v17  }
0x130: {  	s25 =	sadd.s32 $0x180, s22;
	v12 =	vld [tilespmem:s8+$0x700];
	[tilespmem:s4+$0x8760] =	vst v7  }
0x131: {  	s5 =	sor.u32 $0x400, s25;
	v7 =	vld [tilespmem:s8+$0x4700];
	[tilespmem:s4+$0x8770] =	vst v11;
	v6 =	vmul.f32 v6, v5  }
0x132: {  	v8 =	vsub.f32 v8, v9;
	v9 =	vld [tilespmem:s5+$0x700]  }
0x133: {  	s9 =	sor.u32 $0x410, s1;
	[tilespmem:s7+$0x8700] =	vst v6;
	v6 =	vld [tilespmem:s5+$0x4700]  }
0x134: {  	v8 =	vmul.f32 v8, v4;
	v11 =	vld [tilespmem:s9+$0x700]  }
0x135: {  	v13 =	vld [tilespmem:s9+$0x4700]  }
0x136: {  	s10 =	sor.u32 $0x410, s2;
	v7 =	vsub.f32 v12, v7;
	[tilespmem:s24+$0x8700] =	vst v8  }
0x137: {  	v8 =	vld [tilespmem:s10+$0x700]  }
0x138: {  	v7 =	vmul.f32 v7, v10;
	v12 =	vld [tilespmem:s10+$0x4700];
	v6 =	vsub.f32 v9, v6;
	_ =	sdelay $0x1  }
0x139: {  	s11 =	sor.u32 $0x450, s0;
	[tilespmem:s8+$0x8700] =	vst v7;
	v7 =	vsub.f32 v11, v13;
	v6 =	vmul.f32 v6, v3  }
0x13a: {  	v9 =	vld [tilespmem:s11+$0x700]  }
0x13b: {  	s12 =	sor.u32 $0x410, s25;
	v11 =	vld [tilespmem:s11+$0x4700];
	v7 =	vmul.f32 v7, v5;
	[tilespmem:s5+$0x8700] =	vst v6  }
0x13c: {  	v6 =	vsub.f32 v8, v12;
	v8 =	vld [tilespmem:s12+$0x700]  }
0x13d: {  	s14 =	sor.u32 $0x420, s1;
	[tilespmem:s9+$0x8700] =	vst v7;
	v7 =	vld [tilespmem:s12+$0x4700]  }
0x13e: {  	v6 =	vmul.f32 v6, v4;
	v12 =	vld [tilespmem:s14+$0x700]  }
0x13f: {  	v13 =	vld [tilespmem:s14+$0x4700]  }
0x140: {  	s15 =	sor.u32 $0x420, s2;
	[tilespmem:s10+$0x8700] =	vst v6;
	v6 =	vsub.f32 v9, v11  }
0x141: {  	v9 =	vld [tilespmem:s15+$0x700]  }
0x142: {  	v11 =	vld [tilespmem:s15+$0x4700];
	v7 =	vsub.f32 v8, v7;
	v6 =	vmul.f32 v6, v10;
	_ =	sdelay $0x1  }
0x143: {  	s16 =	sor.u32 $0x460, s0;
	v8 =	vsub.f32 v12, v13;
	v7 =	vmul.f32 v7, v3;
	[tilespmem:s11+$0x8700] =	vst v6  }
0x144: {  	v6 =	vld [tilespmem:s16+$0x700]  }
0x145: {  	s17 =	sor.u32 $0x420, s25;
	v8 =	vmul.f32 v8, v5;
	v13 =	vld [tilespmem:s16+$0x4700];
	[tilespmem:s12+$0x8700] =	vst v7  }
0x146: {  	v7 =	vsub.f32 v9, v11;
	v9 =	vld [tilespmem:s17+$0x700]  }
0x147: {  	s18 =	sor.u32 $0x430, s1;
	[tilespmem:s14+$0x8700] =	vst v8;
	v8 =	vld [tilespmem:s17+$0x4700]  }
0x148: {  	v11 =	vld [tilespmem:s18+$0x700]  }
0x149: {  	v12 =	vld [tilespmem:s18+$0x4700]  }
0x14a: {  	v7 =	vmul.f32 v7, v4;
	v6 =	vsub.f32 v6, v13;
	_ =	sdelay $0x1  }
0x14b: {  	s9 =	sor.u32 $0x430, s2;
	[tilespmem:s15+$0x8700] =	vst v7;
	v8 =	vsub.f32 v9, v8;
	v6 =	vmul.f32 v6, v10  }
0x14c: {  	v7 =	vld [tilespmem:s9+$0x700]  }
0x14d: {  	s20 =	simm.s32 $0x5;
	s7 =	sor.u32 $0x470, s0;
	v14 =	vld [tilespmem:s9+$0x4700];
	v9 =	vsub.f32 v11, v12;
	v8 =	vmul.f32 v8, v3;
	[tilespmem:s16+$0x8700] =	vst v6  }
0x14e: {  	s21 =	simm.s32 $0x7;
	v12 =	vmov s20;
	v15 =	vld [tilespmem:s7+$0x700]  }
0x14f: {  	s19 =	sor.u32 $0x430, s25;
	v6 =	vand.u32 $0xFFFFFFFD, v12;
	v12 =	vmov s21;
	v9 =	vmul.f32 v9, v5;
	v17 =	vld [tilespmem:s7+$0x4700];
	[tilespmem:s17+$0x8700] =	vst v8  }
0x150: {  	v8 =	vld [tilespmem:s19+$0x700]  }
0x151: {  	s10 =	sor.u32 $0x440, s1;
	[tilespmem:s18+$0x8700] =	vst v9;
	v9 =	vld [tilespmem:s19+$0x4700]  }
0x152: {  	s22 =	simm.s32 $0x300;
	s17 =	simm.s32 $0x400;
	v13 =	vld [tilespmem:s10+$0x700]  }
0x153: {  	s0 =	sand.u32 $0x300, s22;
	v7 =	vsub.f32 v7, v14;
	s23 =	sand.u32 $0x1800, s17;
	v14 =	vld [tilespmem:s10+$0x4700]  }
0x154: {  	v16 =	vbroadcast v6, $0x0;
	s28 =	sor.u32 s23, s0;
	v6 =	vld.idx.msk [tilespmem:v12+s13+$0x0], $0xffff  }
0x155: {  	s5 =	simm.s32 $0x4;
	v22 =	vld [tilespmem:s28+$0x700]  }
0x156: {  	v11 =	vmov s5;
	v23 =	vld [tilespmem:s28+$0x4700]  }
0x157: {  	v11 =	vand.u32 $0xFFFFFFFC, v11;
	v59 =	vld [tilespmem:s28+$0x710]  }
0x158: {  	v11 =	vbroadcast v11, $0x0;
	v7 =	vmul.f32 v7, v4;
	v60 =	vld [tilespmem:s28+$0x4710]  }
0x159: {  	v62 =	vld [tilespmem:s28+$0x720]  }
0x15a: {  	s18 =	sor.u32 $0x440, s2;
	v63 =	vld [tilespmem:s28+$0x4720];
	[tilespmem:s9+$0x8700] =	vst v7  }
0x15b: {  	s3 =	simm.s32 $0x1;
	v18 =	vld [tilespmem:s18+$0x700]  }
0x15c: {  	s26 =	sor.u32 $0x450, s1;
	s30 =	sor.u32 $0x470, s1;
	p0 =	por !p0, !p0;
	v7 =	vsub.f32 v8, v9;
	v9 =	vld [tilespmem:s18+$0x4700]  }
0x15d: {  	s3 =	simm.s32 @!p0 $0x0;
	s31 =	sor.u32 $0x450, s2;
	s6 =	sand.u32 $0x7, s5;
	v8 =	vld.idx.msk [tilespmem:v16+s13+$0x0], $0xffff;
	v12 =	vsub.f32 v13, v14  }
0x15e: {  	s29 =	sor.u32 $0x470, s2;
	s22 =	sor.u32 $0x450, s25;
	s8 =	sshll.u32 s6, $0x7;
	v13 =	vmul.f32 v7, v3;
	v7 =	vld.idx.msk [tilespmem:v11+s13+$0x0], $0xffff  }
0x15f: {  	s11 =	simm.s32 $0x280;
	s14 =	sor.u32 $0x460, s25;
	s15 =	sor.u32 $0x460, s2;
	v11 =	vmul.f32 v12, v5;
	v12 =	vld [tilespmem:s28+$0x4730]  }
0x160: {  	s16 =	sor.u32 $0x440, s25;
	s2 =	simm.s32 $0x6;
	s9 =	simm.s32 $0x200;
	[tilespmem:s19+$0x8700] =	vst v13;
	v13 =	vld [tilespmem:s28+$0x740]  }
0x161: {  	s0 =	sor.u32 $0x470, s25;
	v16 =	vld [tilespmem:s16+$0x700];
	[tilespmem:s10+$0x8700] =	vst v11;
	v11 =	vmov s2;
	s10 =	sshll.u32 s3, $0x9;
	s2 =	sand.u32 $0x200, s9  }
0x162: {  	v19 =	vld [tilespmem:s16+$0x4700];
	s3 =	simm.s32 $0x380;
	s9 =	sand.u32 $0x280, s11;
	s25 =	sor.u32 s2, s23  }
0x163: {  	v20 =	vld [tilespmem:s26+$0x700];
	s24 =	sor.u32 s23, s9;
	s12 =	sand.u32 $0x380, s3;
	s19 =	sadd.s32 $0x400, s10  }
0x164: {  	v21 =	vld [tilespmem:s26+$0x4700];
	v11 =	vand.u32 $0xFFFFFFFE, v11;
	s11 =	sor.u32 s23, s12;
	s4 =	sor.u32 $0x400, s19;
	s21 =	sor.u32 $0x430, s19  }
0x165: {  	v61 =	vbroadcast v11, $0x0;
	v11 =	vld [tilespmem:s28+$0x730];
	s2 =	sor.u32 $0x410, s19;
	s23 =	sor.u32 $0x440, s19;
	[dreg:$0x18] =	wrdreg s21  }
0x166: {  	s6 =	sor.u32 $0x420, s19;
	s9 =	sor.u32 $0x460, s19;
	v14 =	vld [tilespmem:s28+$0x4740];
	[dreg:$0xe] =	wrdreg s23  }
0x167: {  	v15 =	vsub.f32 v15, v17;
	s23 =	sor.u32 $0x450, s19;
	[dreg:$0x1d] =	wrdreg s9;
	s19 =	sor.u32 $0x470, s19  }
0x168: {  	s20 =	sor.u32 $0x460, s1;
	s1 =	sadd.s32 $0x400, s8;
	[dreg:$0x12] =	wrdreg s19  }
0x169: {  	v15 =	vmul.f32 v15, v10;
	s12 =	sadd.s32 $0x80, s1;
	v10 =	vld [tilespmem:s28+$0x750]  }
0x16a: {  	v17 =	vsub.f32 v18, v9;
	s21 =	sor.u32 $0x430, s12;
	v18 =	vsub.f32 v16, v19;
	v16 =	vld [tilespmem:s28+$0x4750]  }
0x16b: {  	s10 =	sor.u32 $0x440, s12;
	v9 =	vld.idx.msk [tilespmem:v61+s13+$0x0], $0xffff;
	[dreg:$0x1a] =	wrdreg s21  }
0x16c: {  	[dreg:$0x10] =	wrdreg s10;
	s21 =	sor.u32 $0x450, s12  }
0x16d: {  	[dreg:$0xa] =	wrdreg s21  }
0x16e: {  	s9 =	sor.u32 $0x460, s12;
	[tilespmem:s7+$0x8700] =	vst v15  }
0x16f: {  	v17 =	vmul.f32 v17, v4;
	s10 =	sor.u32 $0x470, s12;
	[smem:$0x7F3] =	sst s9  }
0x170: {  	s8 =	sadd.s32 $0x180, s1;
	s1 =	sor.u32 $0x410, s12;
	[dreg:$0x14] =	wrdreg s10  }
0x171: {  	s19 =	sor.u32 $0x420, s12;
	v19 =	vsub.f32 v20, v21;
	v20 =	vmul.f32 v18, v3;
	s13 =	sor.u32 $0x400, s12;
	s12 =	sor.u32 $0x430, s8;
	v15 =	vld [tilespmem:s28+$0x760];
	[tilespmem:s18+$0x8700] =	vst v17  }
0x172: {  	v18 =	vld [tilespmem:s28+$0x4760];
	[dreg:$0x16] =	wrdreg s12  }
0x173: {  	s21 =	sor.u32 $0x460, s8;
	[tilespmem:s16+$0x8700] =	vst v20;
	s16 =	sor.u32 $0x440, s8  }
0x174: {  	v21 =	vsub.f32 v22, v23;
	v19 =	vmul.f32 v19, v5;
	s7 =	sor.u32 $0x400, s8;
	s9 =	sor.u32 $0x420, s8;
	v17 =	vld [tilespmem:s28+$0x770];
	[dreg:$0xc] =	wrdreg s16  }
0x175: {  	s10 =	sor.u32 $0x470, s8;
	s18 =	sor.u32 $0x410, s8;
	[dreg:$0x1c] =	wrdreg s21  }
0x176: {  	v22 =	vsub.f32 v59, v60;
	s12 =	sor.u32 $0x450, s8;
	v20 =	vmul.f32 v21, v9;
	v21 =	vsub.f32 v62, v63;
	s8 =	simm.s32 $0x8;
	s16 =	simm.s32 $0x0;
	[tilespmem:s26+$0x8700] =	vst v19;
	v19 =	vld [tilespmem:s28+$0x4770]  }
.LBB2_2:
0x177: {  	_ =	sdelay $0x2  }
0x178: {  	v23 =	vld [tilespmem:s25+$0x700];
	v22 =	vmul.f32 v22, v9;
	v11 =	vsub.f32 v11, v12  }
0x179: {  	[tilespmem:s28+$0x8700] =	vst v20;
	v20 =	vmul.f32 v21, v9;
	v12 =	vld [tilespmem:s25+$0x4700];
	v13 =	vsub.f32 v13, v14  }
0x17a: {  	[tilespmem:s28+$0x8710] =	vst v22;
	v14 =	vld [tilespmem:s25+$0x710];
	v10 =	vsub.f32 v10, v16;
	v11 =	vmul.f32 v11, v9  }
0x17b: {  	s16 =	sadd.s32 $0x2, s16;
	[tilespmem:s28+$0x8720] =	vst v20;
	v16 =	vld [tilespmem:s25+$0x4710];
	v15 =	vsub.f32 v15, v18;
	v13 =	vmul.f32 v13, v9  }
0x17c: {  	s26 =	sand.u32 $0x3, s16;
	v18 =	vld [tilespmem:s25+$0x720];
	v10 =	vmul.f32 v10, v9;
	[tilespmem:s28+$0x8730] =	vst v11;
	v11 =	vsub.f32 v17, v19  }
0x17d: {  	s26 =	sshll.u32 s26, $0x8;
	v17 =	vld [tilespmem:s25+$0x4720];
	[tilespmem:s28+$0x8740] =	vst v13;
	v13 =	vmul.f32 v15, v9  }
0x17e: {  	s26 =	sadd.s32 s17, s26;
	v15 =	vld [tilespmem:s25+$0x730];
	[tilespmem:s28+$0x8750] =	vst v10;
	v12 =	vsub.f32 v23, v12;
	v10 =	vmul.f32 v11, v9  }
0x17f: {  	s26 =	sadd.s32 $0x100, s26;
	v11 =	vld [tilespmem:s25+$0x4730];
	[tilespmem:s28+$0x8760] =	vst v13  }
0x180: {  	v13 =	vsub.f32 v14, v16;
	v14 =	vld [tilespmem:s25+$0x740];
	v12 =	vmul.f32 v12, v7;
	[tilespmem:s28+$0x8770] =	vst v10;
	s28 =	sor.u32 $0x400, s26  }
0x181: {  	v10 =	vld [tilespmem:s28+$0x700]  }
0x182: {  	[tilespmem:s25+$0x8700] =	vst v12;
	v12 =	vmul.f32 v13, v7;
	v13 =	vsub.f32 v18, v17;
	v16 =	vld [tilespmem:s28+$0x4700]  }
0x183: {  	v17 =	vld [tilespmem:s25+$0x4740]  }
0x184: {  	[tilespmem:s25+$0x8710] =	vst v12;
	v12 =	vmul.f32 v13, v7;
	v11 =	vsub.f32 v15, v11;
	v13 =	vld [tilespmem:s25+$0x750]  }
0x185: {  	v15 =	vld [tilespmem:s25+$0x4750]  }
0x186: {  	v18 =	vld [tilespmem:s25+$0x4760];
	v11 =	vmul.f32 v11, v7  }
0x187: {  	[tilespmem:s25+$0x8720] =	vst v12;
	v12 =	vld [tilespmem:s25+$0x760];
	v10 =	vsub.f32 v10, v16  }
0x188: {  	v16 =	vld [tilespmem:s25+$0x4770];
	[tilespmem:s25+$0x8730] =	vst v11;
	v11 =	vsub.f32 v14, v17  }
0x189: {  	v14 =	vld [tilespmem:s25+$0x770];
	v10 =	vmul.f32 v10, v9  }
0x18a: {  	v17 =	vld [tilespmem:s24+$0x4700];
	v13 =	vsub.f32 v13, v15;
	v11 =	vmul.f32 v11, v7  }
0x18b: {  	v15 =	vld [tilespmem:s24+$0x700];
	[tilespmem:s28+$0x8700] =	vst v10;
	s28 =	sor.u32 $0x410, s26  }
0x18c: {  	v10 =	vmul.f32 v13, v7;
	[tilespmem:s25+$0x8740] =	vst v11;
	v11 =	vsub.f32 v12, v18;
	v12 =	vld [tilespmem:s28+$0x700]  }
0x18d: {  	v13 =	vld [tilespmem:s28+$0x4700]  }
0x18e: {  	[tilespmem:s25+$0x8750] =	vst v10;
	v10 =	vmul.f32 v11, v7;
	v11 =	vsub.f32 v14, v16;
	v14 =	vld [tilespmem:s24+$0x710]  }
0x18f: {  	v16 =	vld [tilespmem:s24+$0x4710]  }
0x190: {  	[tilespmem:s25+$0x8760] =	vst v10;
	v10 =	vmul.f32 v11, v7;
	v11 =	vsub.f32 v15, v17;
	v15 =	vld [tilespmem:s24+$0x720]  }
0x191: {  	v17 =	vld [tilespmem:s24+$0x4720]  }
0x192: {  	v12 =	vsub.f32 v12, v13;
	v13 =	vld [tilespmem:s24+$0x4730];
	[tilespmem:s25+$0x8770] =	vst v10;
	v10 =	vmul.f32 v11, v8  }
0x193: {  	v11 =	vld [tilespmem:s24+$0x730]  }
0x194: {  	v12 =	vmul.f32 v12, v9;
	[tilespmem:s24+$0x8700] =	vst v10;
	v10 =	vsub.f32 v14, v16;
	v14 =	vld [tilespmem:s24+$0x740]  }
0x195: {  	v16 =	vld [tilespmem:s24+$0x4740]  }
0x196: {  	[smem:$0x7F1] =	sst s10;
	s10 =	sor.u32 $0x420, s26;
	v15 =	vsub.f32 v15, v17;
	v17 =	vld [tilespmem:s24+$0x750];
	[tilespmem:s28+$0x8700] =	vst v12;
	v10 =	vmul.f32 v10, v8  }
0x197: {  	v12 =	vld [tilespmem:s10+$0x700]  }
0x198: {  	v11 =	vsub.f32 v11, v13;
	v13 =	vld [tilespmem:s10+$0x4700];
	[tilespmem:s24+$0x8710] =	vst v10;
	v10 =	vmul.f32 v15, v8  }
0x199: {  	v15 =	vld [tilespmem:s24+$0x4750]  }
0x19a: {  	[tilespmem:s24+$0x8720] =	vst v10;
	v10 =	vmul.f32 v11, v8;
	v11 =	vsub.f32 v14, v16;
	v14 =	vld [tilespmem:s24+$0x760]  }
0x19b: {  	v16 =	vld [tilespmem:s24+$0x4760]  }
0x19c: {  	v18 =	vld [tilespmem:s24+$0x4770];
	[tilespmem:s24+$0x8730] =	vst v10;
	v10 =	vmul.f32 v11, v8  }
0x19d: {  	v11 =	vld [tilespmem:s24+$0x770];
	v12 =	vsub.f32 v12, v13  }
0x19e: {  	v13 =	vld [tilespmem:s11+$0x700];
	[tilespmem:s24+$0x8740] =	vst v10;
	v10 =	vsub.f32 v17, v15  }
0x19f: {  	v12 =	vmul.f32 v12, v9;
	v15 =	vld [tilespmem:s11+$0x4700]  }
0x1a0: {  	v14 =	vsub.f32 v14, v16;
	v16 =	vld [tilespmem:s11+$0x710];
	v10 =	vmul.f32 v10, v8  }
0x1a1: {  	s21 =	sor.u32 $0x430, s26;
	[tilespmem:s10+$0x8700] =	vst v12;
	v12 =	vld [tilespmem:s11+$0x4710]  }
0x1a2: {  	v11 =	vsub.f32 v11, v18;
	v17 =	vld [tilespmem:s21+$0x4700];
	[tilespmem:s24+$0x8750] =	vst v10;
	v10 =	vmul.f32 v14, v8  }
0x1a3: {  	v14 =	vld [tilespmem:s21+$0x700]  }
0x1a4: {  	[tilespmem:s24+$0x8760] =	vst v10;
	v10 =	vmul.f32 v11, v8;
	v11 =	vsub.f32 v13, v15;
	v13 =	vld [tilespmem:s11+$0x720]  }
0x1a5: {  	v15 =	vld [tilespmem:s11+$0x4720]  }
0x1a6: {  	[tilespmem:s24+$0x8770] =	vst v10;
	v10 =	vmul.f32 v11, v6;
	v11 =	vsub.f32 v16, v12;
	v12 =	vld [tilespmem:s11+$0x730]  }
0x1a7: {  	v16 =	vld [tilespmem:s11+$0x4730]  }
0x1a8: {  	v14 =	vsub.f32 v14, v17;
	v17 =	vld [tilespmem:s11+$0x4740];
	[tilespmem:s11+$0x8700] =	vst v10;
	v10 =	vmul.f32 v11, v6  }
0x1a9: {  	v11 =	vld [tilespmem:s11+$0x740]  }
0x1aa: {  	v14 =	vmul.f32 v14, v9;
	[tilespmem:s11+$0x8710] =	vst v10;
	v10 =	vsub.f32 v13, v15;
	v13 =	vld [tilespmem:s11+$0x750]  }
0x1ab: {  	v15 =	vld [tilespmem:s11+$0x4750]  }
0x1ac: {  	s25 =	sor.u32 $0x440, s26;
	[tilespmem:s21+$0x8700] =	vst v14;
	v12 =	vsub.f32 v12, v16;
	v14 =	vld [tilespmem:s11+$0x760];
	v10 =	vmul.f32 v10, v6  }
0x1ad: {  	v16 =	vld [tilespmem:s25+$0x700]  }
0x1ae: {  	v18 =	vld [tilespmem:s25+$0x4700];
	v11 =	vsub.f32 v11, v17;
	[tilespmem:s11+$0x8720] =	vst v10;
	v10 =	vmul.f32 v12, v6  }
0x1af: {  	v12 =	vld [tilespmem:s11+$0x4760]  }
0x1b0: {  	[tilespmem:s11+$0x8730] =	vst v10;
	v10 =	vmul.f32 v11, v6;
	v11 =	vsub.f32 v13, v15;
	v13 =	vld [tilespmem:s11+$0x770]  }
0x1b1: {  	v15 =	vld [tilespmem:s11+$0x4770]  }
0x1b2: {  	[tilespmem:s11+$0x8740] =	vst v10;
	v10 =	vmul.f32 v11, v6  }
0x1b3: {  	v17 =	vld [tilespmem:s13+$0x700];
	v16 =	vsub.f32 v16, v18  }
0x1b4: {  	v11 =	vld [tilespmem:s13+$0x4700];
	[tilespmem:s11+$0x8750] =	vst v10;
	v10 =	vsub.f32 v14, v12  }
0x1b5: {  	v18 =	vld [tilespmem:s4+$0x700];
	v14 =	vmul.f32 v16, v9  }
0x1b6: {  	v12 =	vld [tilespmem:s4+$0x4700];
	v13 =	vsub.f32 v13, v15;
	v10 =	vmul.f32 v10, v6  }
0x1b7: {  	v15 =	vld [tilespmem:s31+$0x700];
	[tilespmem:s25+$0x8700] =	vst v14  }
0x1b8: {  	s10 =	sor.u32 $0x450, s26;
	v14 =	vld [tilespmem:s31+$0x4700];
	[tilespmem:s11+$0x8760] =	vst v10;
	v10 =	vmul.f32 v13, v6  }
0x1b9: {  	v11 =	vsub.f32 v17, v11;
	v16 =	vld [tilespmem:s10+$0x700]  }
0x1ba: {  	v13 =	vld [tilespmem:s10+$0x4700];
	[tilespmem:s11+$0x8770] =	vst v10  }
0x1bb: {  	v12 =	vsub.f32 v18, v12;
	v11 =	vmul.f32 v11, v8;
	v10 =	vld [tilespmem:s22+$0x700]  }
0x1bc: {  	v17 =	vld [tilespmem:s7+$0x700]  }
0x1bd: {  	v12 =	vmul.f32 v12, v7;
	[tilespmem:s13+$0x8700] =	vst v11;
	v11 =	vld [tilespmem:s7+$0x4700]  }
0x1be: {  	v14 =	vsub.f32 v15, v14;
	v15 =	vld [tilespmem:s1+$0x700]  }
0x1bf: {  	[tilespmem:s4+$0x8700] =	vst v12;
	v12 =	vld [tilespmem:s1+$0x4700];
	v13 =	vsub.f32 v16, v13  }
0x1c0: {  	v14 =	vmul.f32 v14, v4;
	v16 =	vld [tilespmem:s2+$0x700]  }
0x1c1: {  	v18 =	vld [tilespmem:s2+$0x4700];
	v13 =	vmul.f32 v13, v9  }
0x1c2: {  	[tilespmem:s31+$0x8700] =	vst v14;
	v14 =	vld [tilespmem:s22+$0x4700];
	v11 =	vsub.f32 v17, v11  }
0x1c3: {  	s25 =	sor.u32 $0x460, s26;
	[tilespmem:s10+$0x8700] =	vst v13;
	v13 =	vld [tilespmem:s20+$0x700]  }
0x1c4: {  	v12 =	vsub.f32 v15, v12;
	v15 =	vld [tilespmem:s25+$0x700];
	v11 =	vmul.f32 v11, v6  }
0x1c5: {  	v17 =	vld [tilespmem:s25+$0x4700]  }
0x1c6: {  	v12 =	vmul.f32 v12, v8;
	[tilespmem:s7+$0x8700] =	vst v11;
	v11 =	vld [tilespmem:s20+$0x4700]  }
0x1c7: {  	v16 =	vsub.f32 v16, v18;
	v18 =	vld [tilespmem:s18+$0x700]  }
0x1c8: {  	[tilespmem:s1+$0x8700] =	vst v12;
	v12 =	vld [tilespmem:s18+$0x4700]  }
0x1c9: {  	v10 =	vsub.f32 v10, v14;
	v14 =	vmul.f32 v16, v7  }
0x1ca: {  	v16 =	vld [tilespmem:s19+$0x700]  }
0x1cb: {  	v10 =	vmul.f32 v10, v3;
	[tilespmem:s2+$0x8700] =	vst v14;
	v14 =	vld [tilespmem:s19+$0x4700];
	v15 =	vsub.f32 v15, v17  }
0x1cc: {  	v17 =	vld [tilespmem:s6+$0x700];
	v11 =	vsub.f32 v13, v11  }
0x1cd: {  	[tilespmem:s22+$0x8700] =	vst v10;
	v10 =	vld [tilespmem:s6+$0x4700];
	v13 =	vmul.f32 v15, v9;
	v12 =	vsub.f32 v18, v12  }
0x1ce: {  	v15 =	vld [tilespmem:s15+$0x700];
	v11 =	vmul.f32 v11, v5  }
0x1cf: {  	s7 =	sor.u32 $0x470, s26;
	[tilespmem:s25+$0x8700] =	vst v13;
	v13 =	vld [tilespmem:s15+$0x4700];
	v12 =	vmul.f32 v12, v6  }
0x1d0: {  	v14 =	vsub.f32 v16, v14;
	v16 =	vld [tilespmem:s7+$0x700];
	[tilespmem:s20+$0x8700] =	vst v11  }
0x1d1: {  	v11 =	vld [tilespmem:s7+$0x4700];
	[tilespmem:s18+$0x8700] =	vst v12  }
0x1d2: {  	v10 =	vsub.f32 v17, v10;
	v14 =	vmul.f32 v14, v8;
	v12 =	vld [tilespmem:s14+$0x700]  }
0x1d3: {  	v17 =	vld [tilespmem:s9+$0x700]  }
0x1d4: {  	s10 =	smov.u32 s12;
	s12 =	rddreg [dreg:$0x1a];
	v10 =	vmul.f32 v10, v7;
	[tilespmem:s19+$0x8700] =	vst v14;
	v14 =	vld [tilespmem:s9+$0x4700]  }
0x1d5: {  	v13 =	vsub.f32 v15, v13;
	v15 =	vld [tilespmem:s12+$0x700]  }
0x1d6: {  	s13 =	rddreg [dreg:$0x18];
	[tilespmem:s6+$0x8700] =	vst v10;
	v10 =	vld [tilespmem:s12+$0x4700]  }
0x1d7: {  	v11 =	vsub.f32 v16, v11;
	v13 =	vmul.f32 v13, v4;
	v16 =	vld [tilespmem:s13+$0x700]  }
0x1d8: {  	v18 =	vld [tilespmem:s13+$0x4700]  }
0x1d9: {  	v9 =	vmul.f32 v11, v9;
	[tilespmem:s15+$0x8700] =	vst v13;
	v13 =	vld [tilespmem:s14+$0x4700];
	v11 =	vsub.f32 v17, v14  }
0x1da: {  	v14 =	vld [tilespmem:s30+$0x4700]  }
0x1db: {  	[tilespmem:s7+$0x8700] =	vst v9;
	v9 =	vld [tilespmem:s30+$0x700];
	v10 =	vsub.f32 v15, v10;
	v11 =	vmul.f32 v11, v6  }
0x1dc: {  	v15 =	vld [tilespmem:s29+$0x700]  }
0x1dd: {  	s19 =	rddreg [dreg:$0x16];
	v16 =	vsub.f32 v16, v18;
	v10 =	vmul.f32 v10, v8;
	[tilespmem:s9+$0x8700] =	vst v11;
	v11 =	vld [tilespmem:s29+$0x4700]  }
0x1de: {  	s24 =	rddreg [dreg:$0x10];
	s21 =	smov.u32 s23;
	v18 =	vld [tilespmem:s19+$0x700]  }
0x1df: {  	[smem:$0x7F0] =	sst s21;
	s21 =	sadd.s32 $0x1, s8;
	v17 =	vmov s8;
	v12 =	vsub.f32 v12, v13;
	v16 =	vmul.f32 v16, v7;
	[tilespmem:s12+$0x8700] =	vst v10;
	v10 =	vld [tilespmem:s19+$0x4700]  }
0x1e0: {  	s11 =	sld [smem:$0x7F3];
	v13 =	vand.u32 $0xFFFFFFFC, v17;
	v17 =	vmov s21;
	v19 =	vld [tilespmem:s24+$0x700];
	v9 =	vsub.f32 v9, v14  }
0x1e1: {  	s23 =	sadd.s32 $0x3, s8;
	s25 =	rddreg [dreg:$0xe];
	v12 =	vmul.f32 v12, v3;
	v14 =	vand.u32 $0xFFFFFFFD, v17;
	[tilespmem:s13+$0x8700] =	vst v16;
	v16 =	vld [tilespmem:s24+$0x4700]  }
0x1e2: {  	p1 =	slt.u32 s8, $0x1C;
	s5 =	sadd.s32 $0x4, s5;
	p0 =	por !p0, !p0;
	v17 =	vmov s23;
	v14 =	vbroadcast v14, $0x0;
	v20 =	vld [tilespmem:s25+$0x700];
	v9 =	vmul.f32 v9, v5  }
0x1e3: {  	s3 =	sadd.s32 $0x200, s3;
	s17 =	sadd.s32 $0x400, s17;
	s2 =	rddreg [dreg:$0x1c];
	v13 =	vbroadcast v13, $0x0;
	[tilespmem:s14+$0x8700] =	vst v12;
	v12 =	vld [tilespmem:s25+$0x4700];
	v11 =	vsub.f32 v15, v11  }
0x1e4: {  	s26 =	sadd.s32 $0xFFFFFF00, s3;
	s22 =	smov.u32 s11;
	s18 =	rddreg [dreg:$0x1d];
	[tilespmem:s30+$0x8700] =	vst v9;
	v9 =	vld [tilespmem:s0+$0x700]  }
0x1e5: {  	s20 =	smov.u32 s18;
	s15 =	smov.u32 s2;
	s2 =	simm.s32 $0x1;
	v5 =	vmov v8;
	v8 =	vsub.f32 v18, v10;
	v10 =	vmul.f32 v11, v4;
	v11 =	vld [tilespmem:s0+$0x4700]  }
0x1e6: {  	s2 =	simm.s32 @!p0 $0x0;
	s7 =	rddreg [dreg:$0x14];
	s30 =	simm.s32 $0x680;
	v16 =	vsub.f32 v19, v16  }
0x1e7: {  	s18 =	sadd.s32 $0xFFFFFF80, s3;
	s2 =	sshll.u32 s2, $0x9;
	s9 =	rddreg [dreg:$0x12];
	v15 =	vld.idx.msk [tilespmem:v17+s30+$0x0], $0xffff;
	v17 =	vmul.f32 v8, v6  }
0x1e8: {  	s21 =	rddreg [dreg:$0xa];
	s31 =	smov.u32 s9;
	s12 =	sand.u32 $0x7, s5;
	[tilespmem:s29+$0x8700] =	vst v10;
	v8 =	vld.idx.msk [tilespmem:v14+s30+$0x0], $0xffff;
	v10 =	vsub.f32 v20, v12;
	v12 =	vmul.f32 v16, v5  }
0x1e9: {  	s1 =	sshll.u32 s12, $0x7;
	s23 =	rddreg [dreg:$0xc];
	s13 =	sadd.s32 $0xFFFFFE80, s3;
	v4 =	vmov v7;
	v7 =	vld.idx.msk [tilespmem:v13+s30+$0x0], $0xffff;
	[tilespmem:s19+$0x8700] =	vst v17  }
0x1ea: {  	s9 =	sand.u32 $0x280, s26;
	s4 =	sand.u32 $0x200, s13;
	s1 =	sadd.s32 s17, s1;
	v13 =	vld [tilespmem:s23+$0x700];
	v10 =	vmul.f32 v10, v4;
	[tilespmem:s24+$0x8700] =	vst v12;
	v9 =	vsub.f32 v9, v11  }
0x1eb: {  	s14 =	smov.u32 s7;
	s7 =	sand.u32 $0x300, s18;
	s26 =	sadd.s32 $0x80, s1;
	v11 =	vld [tilespmem:s21+$0x700]  }
0x1ec: {  	s13 =	sor.u32 $0x400, s26;
	s29 =	sadd.s32 $0x180, s1;
	s19 =	sand.u32 $0x1800, s17;
	[tilespmem:s25+$0x8700] =	vst v10;
	v10 =	vld [tilespmem:s21+$0x4700];
	v9 =	vmul.f32 v9, v3  }
0x1ed: {  	s1 =	sor.u32 $0x410, s26;
	s18 =	sor.u32 $0x410, s29;
	v12 =	vld [tilespmem:s23+$0x4700];
	s28 =	sor.u32 s19, s7  }
0x1ee: {  	s24 =	sor.u32 s19, s9;
	s7 =	sand.u32 $0x380, s3;
	v17 =	vld [tilespmem:s28+$0x700];
	[tilespmem:s0+$0x8700] =	vst v9;
	s0 =	sadd.s32 s2, s17  }
0x1ef: {  	s9 =	sadd.s32 $0x2, s8;
	s8 =	sadd.s32 $0x4, s8;
	v18 =	vld [tilespmem:s28+$0x4700];
	s12 =	sor.u32 $0x430, s0  }
0x1f0: {  	s11 =	sor.u32 s19, s7;
	v19 =	vld [tilespmem:s28+$0x710];
	[dreg:$0x18] =	wrdreg s12;
	s12 =	sor.u32 $0x430, s26  }
0x1f1: {  	v20 =	vld [tilespmem:s28+$0x4710];
	s7 =	sor.u32 $0x400, s29;
	v9 =	vmov s9;
	v10 =	vsub.f32 v11, v10;
	[dreg:$0x1a] =	wrdreg s12;
	s12 =	sor.u32 $0x430, s29  }
0x1f2: {  	v21 =	vld [tilespmem:s28+$0x720];
	s25 =	sor.u32 s4, s19;
	v9 =	vand.u32 $0xFFFFFFFE, v9;
	[dreg:$0x16] =	wrdreg s12;
	s12 =	sor.u32 $0x440, s0  }
0x1f3: {  	v23 =	vld [tilespmem:s28+$0x4720];
	s19 =	sor.u32 $0x420, s26;
	v12 =	vsub.f32 v13, v12;
	v9 =	vbroadcast v9, $0x0;
	v10 =	vmul.f32 v10, v5;
	[dreg:$0xe] =	wrdreg s12;
	s12 =	sor.u32 $0x440, s26  }
0x1f4: {  	v14 =	vld [tilespmem:s28+$0x4740];
	v3 =	vmov v6;
	s4 =	sor.u32 $0x400, s0;
	[dreg:$0x10] =	wrdreg s12;
	s12 =	sor.u32 $0x440, s29  }
0x1f5: {  	v16 =	vld [tilespmem:s28+$0x4750];
	s2 =	sor.u32 $0x410, s0;
	v12 =	vmul.f32 v12, v3;
	[tilespmem:s21+$0x8700] =	vst v10;
	s21 =	sor.u32 $0x450, s26;
	[dreg:$0xc] =	wrdreg s12  }
0x1f6: {  	v6 =	vmov v15;
	v15 =	vld [tilespmem:s28+$0x760];
	s6 =	sor.u32 $0x420, s0;
	[dreg:$0xa] =	wrdreg s21;
	s21 =	sor.u32 $0x460, s0  }
0x1f7: {  	v13 =	vld [tilespmem:s28+$0x740];
	[tilespmem:s23+$0x8700] =	vst v12;
	s23 =	sor.u32 $0x450, s0;
	s0 =	sor.u32 $0x470, s0;
	[dreg:$0x1d] =	wrdreg s21  }
0x1f8: {  	s9 =	sor.u32 $0x420, s29;
	v24 =	vsub.f32 v17, v18;
	v18 =	vld [tilespmem:s28+$0x4760];
	s21 =	sor.u32 $0x460, s26;
	[dreg:$0x12] =	wrdreg s0  }
0x1f9: {  	s12 =	sor.u32 $0x450, s29;
	v9 =	vld.idx.msk [tilespmem:v9+s30+$0x0], $0xffff;
	[smem:$0x7F3] =	sst s21;
	s21 =	sor.u32 $0x460, s29  }
.Ltmp0:
0x1fa: {  	v17 =	vld [tilespmem:s28+$0x770];
	s26 =	sor.u32 $0x470, s26;
	[dreg:$0x1c] =	wrdreg s21;
	(pc) =	sbr.rel @p1 .LBB2_2-.Ltmp0, $4  }
0x1fb: {  	v22 =	vsub.f32 v19, v20;
	v19 =	vld [tilespmem:s28+$0x4770];
	s30 =	smov.u32 s14;
	s14 =	smov.u32 s15;
	s21 =	sld [smem:$0x7F1]  }
0x1fc: {  	v11 =	vld [tilespmem:s28+$0x730];
	s15 =	smov.u32 s20;
	s20 =	smov.u32 s22;
	s22 =	smov.u32 s10  }
0x1fd: {  	v12 =	vld [tilespmem:s28+$0x4730];
	[dreg:$0x14] =	wrdreg s26;
	s26 =	sor.u32 $0x470, s29;
	s29 =	smov.u32 s31  }
0x1fe: {  	v21 =	vsub.f32 v21, v23;
	v10 =	vld [tilespmem:s28+$0x750];
	s31 =	sld [smem:$0x7F0];
	s10 =	smov.u32 s26;
	s0 =	smov.u32 s21;
	v20 =	vmul.f32 v24, v9  }
0x1ff: {  	v23 =	vld [tilespmem:s25+$0x700]  }
0x200: {  	v24 =	vld [tilespmem:s25+$0x4700]  }
0x201: {  	v25 =	vld [tilespmem:s25+$0x710]  }
0x202: {  	v26 =	vld [tilespmem:s25+$0x4710]  }
0x203: {  	v13 =	vsub.f32 v13, v14;
	v14 =	vld [tilespmem:s25+$0x720]  }
0x204: {  	v15 =	vsub.f32 v15, v18;
	v18 =	vld [tilespmem:s24+$0x700]  }
0x205: {  	v41 =	vld [tilespmem:s24+$0x730]  }
0x206: {  	v42 =	vld [tilespmem:s24+$0x4730]  }
0x207: {  	v43 =	vld [tilespmem:s25+$0x4770]  }
0x208: {  	v27 =	vld [tilespmem:s24+$0x750]  }
0x209: {  	v28 =	vld [tilespmem:s24+$0x4750]  }
0x20a: {  	v29 =	vld [tilespmem:s11+$0x710]  }
0x20b: {  	v30 =	vld [tilespmem:s24+$0x760]  }
0x20c: {  	v31 =	vld [tilespmem:s11+$0x4720]  }
0x20d: {  	v44 =	vld [tilespmem:s11+$0x730]  }
0x20e: {  	v45 =	vld [tilespmem:s11+$0x4730]  }
0x20f: {  	v32 =	vld [tilespmem:s24+$0x4760]  }
0x210: {  	v46 =	vld [tilespmem:s24+$0x770]  }
0x211: {  	v22 =	vmul.f32 v22, v9;
	[tilespmem:s28+$0x8700] =	vst v20;
	v20 =	vld [tilespmem:s25+$0x4720]  }
0x212: {  	v17 =	vsub.f32 v17, v19;
	v19 =	vld [tilespmem:s24+$0x4700];
	v15 =	vmul.f32 v15, v9  }
0x213: {  	[tilespmem:s28+$0x8710] =	vst v22;
	v22 =	vld [tilespmem:s24+$0x4710];
	v11 =	vsub.f32 v11, v12;
	v12 =	vmul.f32 v21, v9;
	v21 =	vsub.f32 v23, v24  }
0x214: {  	v10 =	vsub.f32 v10, v16;
	[tilespmem:s28+$0x8760] =	vst v15;
	v15 =	vld [tilespmem:s25+$0x750]  }
0x215: {  	[tilespmem:s28+$0x8720] =	vst v12;
	v12 =	vmul.f32 v13, v9;
	v13 =	vld [tilespmem:s25+$0x730];
	v16 =	vmul.f32 v21, v7;
	v21 =	vsub.f32 v25, v26  }
0x216: {  	s3 =	sadd.s32 $0x2, s16;
	v17 =	vmul.f32 v17, v9;
	v23 =	vld [tilespmem:s24+$0x4720]  }
0x217: {  	s3 =	sand.u32 $0x3, s3;
	v11 =	vmul.f32 v11, v9;
	[tilespmem:s25+$0x8700] =	vst v16;
	v16 =	vmul.f32 v21, v7;
	v21 =	vld [tilespmem:s24+$0x710]  }
0x218: {  	s3 =	sshll.u32 s3, $0x8;
	[tilespmem:s28+$0x8770] =	vst v17;
	v18 =	vsub.f32 v18, v19;
	v19 =	vld [tilespmem:s24+$0x720]  }
0x219: {  	s3 =	sadd.s32 s17, s3;
	v10 =	vmul.f32 v10, v9;
	[tilespmem:s28+$0x8730] =	vst v11;
	v11 =	vld [tilespmem:s25+$0x4730]  }
0x21a: {  	s3 =	sadd.s32 $0x100, s3;
	[tilespmem:s28+$0x8740] =	vst v12;
	v12 =	vld [tilespmem:s25+$0x740];
	v18 =	vmul.f32 v18, v8  }
0x21b: {  	s5 =	sor.u32 $0x400, s3;
	[tilespmem:s28+$0x8750] =	vst v10;
	v10 =	vsub.f32 v14, v20;
	v14 =	vld [tilespmem:s25+$0x4740]  }
0x21c: {  	v17 =	vld [tilespmem:s5+$0x700];
	[tilespmem:s24+$0x8700] =	vst v18;
	v18 =	vsub.f32 v21, v22  }
0x21d: {  	v20 =	vld [tilespmem:s5+$0x4700]  }
0x21e: {  	[tilespmem:s25+$0x8710] =	vst v16;
	v16 =	vld [tilespmem:s25+$0x4750];
	v19 =	vsub.f32 v19, v23;
	v18 =	vmul.f32 v18, v8  }
0x21f: {  	v10 =	vmul.f32 v10, v7;
	v23 =	vld [tilespmem:s11+$0x700]  }
0x220: {  	v19 =	vmul.f32 v19, v8;
	[tilespmem:s24+$0x8710] =	vst v18;
	v18 =	vld [tilespmem:s11+$0x4700]  }
0x221: {  	[tilespmem:s25+$0x8720] =	vst v10;
	v10 =	vsub.f32 v13, v11;
	v11 =	vld [tilespmem:s25+$0x760]  }
0x222: {  	[tilespmem:s24+$0x8720] =	vst v19;
	v19 =	vld [tilespmem:s11+$0x4710]  }
0x223: {  	v13 =	vld [tilespmem:s25+$0x4760]  }
0x224: {  	v12 =	vsub.f32 v12, v14;
	v21 =	vld [tilespmem:s24+$0x740]  }
0x225: {  	v10 =	vmul.f32 v10, v7;
	v22 =	vld [tilespmem:s24+$0x4740];
	v18 =	vsub.f32 v23, v18  }
0x226: {  	v17 =	vsub.f32 v17, v20;
	v12 =	vmul.f32 v12, v7;
	v23 =	vld [tilespmem:s11+$0x720]  }
0x227: {  	v20 =	vld [tilespmem:s11+$0x4740];
	[tilespmem:s25+$0x8730] =	vst v10;
	v19 =	vsub.f32 v29, v19;
	v18 =	vmul.f32 v18, v6  }
0x228: {  	v25 =	vsub.f32 v44, v45;
	v10 =	vld [tilespmem:s25+$0x770];
	v14 =	vmul.f32 v17, v9;
	[tilespmem:s25+$0x8740] =	vst v12  }
0x229: {  	v24 =	vsub.f32 v41, v42;
	v17 =	vld [tilespmem:s11+$0x750];
	[tilespmem:s11+$0x8700] =	vst v18;
	v18 =	vmul.f32 v19, v6  }
0x22a: {  	v11 =	vsub.f32 v11, v13;
	v13 =	vld [tilespmem:s24+$0x4770];
	[tilespmem:s5+$0x8700] =	vst v14;
	v14 =	vsub.f32 v15, v16;
	v16 =	vmul.f32 v25, v6  }
0x22b: {  	v24 =	vmul.f32 v24, v8;
	v15 =	vld [tilespmem:s11+$0x760];
	[tilespmem:s11+$0x8710] =	vst v18;
	v18 =	vsub.f32 v23, v31  }
0x22c: {  	v12 =	vmul.f32 v14, v7;
	[tilespmem:s11+$0x8730] =	vst v16;
	v16 =	vld [tilespmem:s11+$0x770]  }
0x22d: {  	[tilespmem:s24+$0x8730] =	vst v24;
	v10 =	vsub.f32 v10, v43;
	v23 =	vld [tilespmem:s11+$0x4750];
	v18 =	vmul.f32 v18, v6  }
0x22e: {  	v11 =	vmul.f32 v11, v7;
	[tilespmem:s25+$0x8750] =	vst v12;
	v12 =	vsub.f32 v27, v28;
	v19 =	vld [tilespmem:s11+$0x740]  }
0x22f: {  	v10 =	vmul.f32 v10, v7;
	[tilespmem:s11+$0x8720] =	vst v18;
	v18 =	vsub.f32 v21, v22;
	v21 =	vld [tilespmem:s11+$0x4770]  }
0x230: {  	s26 =	sor.u32 $0x410, s3;
	v14 =	vld [tilespmem:s11+$0x4760];
	[tilespmem:s25+$0x8760] =	vst v11;
	v13 =	vsub.f32 v46, v13;
	v12 =	vmul.f32 v12, v8  }
0x231: {  	[tilespmem:s25+$0x8770] =	vst v10;
	v10 =	vld [tilespmem:s26+$0x700];
	v11 =	vmul.f32 v18, v8;
	v18 =	vsub.f32 v30, v32  }
0x232: {  	[tilespmem:s24+$0x8750] =	vst v12;
	v12 =	vmul.f32 v13, v8;
	v22 =	vld [tilespmem:s26+$0x4700];
	v13 =	vsub.f32 v17, v23  }
0x233: {  	[tilespmem:s24+$0x8740] =	vst v11;
	v11 =	vmul.f32 v18, v8;
	v18 =	vsub.f32 v19, v20  }
0x234: {  	[tilespmem:s24+$0x8770] =	vst v12;
	v12 =	vmul.f32 v13, v6;
	v13 =	vsub.f32 v16, v21  }
0x235: {  	v14 =	vsub.f32 v15, v14;
	[tilespmem:s24+$0x8760] =	vst v11;
	v11 =	vmul.f32 v18, v6  }
0x236: {  	[tilespmem:s11+$0x8750] =	vst v12;
	v15 =	vld [tilespmem:s13+$0x700];
	v12 =	vmul.f32 v13, v6  }
0x237: {  	v10 =	vsub.f32 v10, v22;
	[tilespmem:s11+$0x8740] =	vst v11;
	v11 =	vmul.f32 v14, v6;
	v14 =	vld [tilespmem:s13+$0x4700]  }
0x238: {  	v13 =	vld [tilespmem:s4+$0x700];
	[tilespmem:s11+$0x8770] =	vst v12  }
0x239: {  	v10 =	vmul.f32 v10, v9;
	[tilespmem:s11+$0x8760] =	vst v11;
	v11 =	vld [tilespmem:s4+$0x4700]  }
0x23a: {  	v12 =	vld [tilespmem:s7+$0x700]  }
0x23b: {  	s28 =	sor.u32 $0x420, s3;
	[tilespmem:s26+$0x8700] =	vst v10;
	v10 =	vld [tilespmem:s7+$0x4700]  }
0x23c: {  	v16 =	vld [tilespmem:s28+$0x700];
	v14 =	vsub.f32 v15, v14  }
0x23d: {  	v15 =	vld [tilespmem:s28+$0x4700]  }
0x23e: {  	v11 =	vsub.f32 v13, v11;
	v13 =	vmul.f32 v14, v8;
	_ =	sdelay $0x1  }
0x23f: {  	v10 =	vsub.f32 v12, v10;
	[tilespmem:s13+$0x8700] =	vst v13;
	v11 =	vmul.f32 v11, v7  }
0x240: {  	v12 =	vld [tilespmem:s1+$0x700]  }
0x241: {  	v13 =	vld [tilespmem:s1+$0x4700];
	v10 =	vmul.f32 v10, v6;
	[tilespmem:s4+$0x8700] =	vst v11;
	v11 =	vsub.f32 v16, v15  }
0x242: {  	v14 =	vld [tilespmem:s2+$0x700]  }
0x243: {  	[tilespmem:s7+$0x8700] =	vst v10;
	v10 =	vmul.f32 v11, v9;
	v11 =	vld [tilespmem:s2+$0x4700]  }
0x244: {  	v15 =	vld [tilespmem:s18+$0x700]  }
0x245: {  	s8 =	sor.u32 $0x430, s3;
	[tilespmem:s28+$0x8700] =	vst v10;
	v10 =	vld [tilespmem:s18+$0x4700]  }
0x246: {  	v12 =	vsub.f32 v12, v13;
	v16 =	vld [tilespmem:s8+$0x700]  }
0x247: {  	v13 =	vld [tilespmem:s8+$0x4700]  }
0x248: {  	v12 =	vmul.f32 v12, v8;
	v11 =	vsub.f32 v14, v11;
	_ =	sdelay $0x1  }
0x249: {  	[tilespmem:s1+$0x8700] =	vst v12;
	v11 =	vmul.f32 v11, v7  }
0x24a: {  	v10 =	vsub.f32 v15, v10;
	v12 =	vld [tilespmem:s19+$0x700]  }
0x24b: {  	[tilespmem:s2+$0x8700] =	vst v11;
	v11 =	vsub.f32 v16, v13;
	v13 =	vld [tilespmem:s19+$0x4700]  }
0x24c: {  	v10 =	vmul.f32 v10, v6  }
0x24d: {  	v14 =	vld [tilespmem:s6+$0x700]  }
0x24e: {  	[tilespmem:s18+$0x8700] =	vst v10;
	v10 =	vmul.f32 v11, v9;
	v11 =	vld [tilespmem:s6+$0x4700]  }
0x24f: {  	v15 =	vld [tilespmem:s9+$0x700]  }
0x250: {  	s11 =	sor.u32 $0x440, s3;
	[tilespmem:s8+$0x8700] =	vst v10;
	v10 =	vld [tilespmem:s9+$0x4700];
	v12 =	vsub.f32 v12, v13  }
0x251: {  	v16 =	vld [tilespmem:s11+$0x700]  }
0x252: {  	v13 =	vld [tilespmem:s11+$0x4700];
	v12 =	vmul.f32 v12, v8  }
0x253: {  	v11 =	vsub.f32 v14, v11  }
0x254: {  	[tilespmem:s19+$0x8700] =	vst v12  }
0x255: {  	v11 =	vmul.f32 v11, v7;
	v10 =	vsub.f32 v15, v10;
	s2 =	rddreg [dreg:$0x1a]  }
0x256: {  	v15 =	vld [tilespmem:s2+$0x700]  }
0x257: {  	[tilespmem:s6+$0x8700] =	vst v11;
	v11 =	vsub.f32 v16, v13;
	v13 =	vld [tilespmem:s2+$0x4700];
	v10 =	vmul.f32 v10, v6  }
0x258: {  	s5 =	rddreg [dreg:$0x18]  }
0x259: {  	v16 =	vld [tilespmem:s5+$0x700];
	[tilespmem:s9+$0x8700] =	vst v10  }
0x25a: {  	v11 =	vmul.f32 v11, v9;
	v17 =	vld [tilespmem:s5+$0x4700];
	s4 =	rddreg [dreg:$0x16]  }
0x25b: {  	v10 =	vld [tilespmem:s4+$0x700]  }
0x25c: {  	s13 =	sor.u32 $0x450, s3;
	[tilespmem:s11+$0x8700] =	vst v11;
	v11 =	vld [tilespmem:s4+$0x4700];
	v13 =	vsub.f32 v15, v13  }
0x25d: {  	v18 =	vld [tilespmem:s13+$0x700]  }
0x25e: {  	v15 =	vld [tilespmem:s13+$0x4700];
	v13 =	vmul.f32 v13, v8  }
0x25f: {  	v16 =	vsub.f32 v16, v17  }
0x260: {  	v14 =	vld [tilespmem:s31+$0x700];
	[tilespmem:s2+$0x8700] =	vst v13  }
0x261: {  	v12 =	vld [tilespmem:s31+$0x4700];
	v16 =	vmul.f32 v16, v7;
	v10 =	vsub.f32 v10, v11;
	s2 =	rddreg [dreg:$0x10]  }
0x262: {  	v11 =	vld [tilespmem:s2+$0x700]  }
0x263: {  	v13 =	vsub.f32 v18, v15;
	[tilespmem:s5+$0x8700] =	vst v16;
	v15 =	vld [tilespmem:s2+$0x4700];
	v10 =	vmul.f32 v10, v6  }
0x264: {  	v19 =	vld [tilespmem:s22+$0x700];
	s5 =	rddreg [dreg:$0xe]  }
0x265: {  	v16 =	vld [tilespmem:s5+$0x700];
	[tilespmem:s4+$0x8700] =	vst v10  }
0x266: {  	v13 =	vmul.f32 v13, v9;
	v18 =	vld [tilespmem:s5+$0x4700];
	s4 =	rddreg [dreg:$0xc]  }
0x267: {  	v10 =	vsub.f32 v14, v12;
	v12 =	vld [tilespmem:s4+$0x700]  }
0x268: {  	s16 =	sor.u32 $0x460, s3;
	[tilespmem:s13+$0x8700] =	vst v13;
	v13 =	vld [tilespmem:s4+$0x4700];
	v11 =	vsub.f32 v11, v15  }
0x269: {  	v10 =	vmul.f32 v10, v4;
	v14 =	vld [tilespmem:s16+$0x700]  }
0x26a: {  	v15 =	vld [tilespmem:s16+$0x4700];
	v11 =	vmul.f32 v11, v8  }
0x26b: {  	v20 =	vld [tilespmem:s20+$0x700];
	[tilespmem:s31+$0x8700] =	vst v10  }
0x26c: {  	v17 =	vld [tilespmem:s22+$0x4700];
	[tilespmem:s2+$0x8700] =	vst v11  }
0x26d: {  	v10 =	vld [tilespmem:s20+$0x4700];
	v16 =	vsub.f32 v16, v18;
	s2 =	rddreg [dreg:$0xa]  }
0x26e: {  	v11 =	vsub.f32 v12, v13;
	v12 =	vld [tilespmem:s2+$0x700]  }
0x26f: {  	v16 =	vmul.f32 v16, v7;
	v13 =	vsub.f32 v14, v15;
	v14 =	vld [tilespmem:s2+$0x4700];
	_ =	sdelay $0x1  }
0x270: {  	[tilespmem:s5+$0x8700] =	vst v16;
	v11 =	vmul.f32 v11, v6  }
0x271: {  	v16 =	vsub.f32 v19, v17;
	v15 =	vld [tilespmem:s23+$0x700]  }
0x272: {  	v10 =	vsub.f32 v20, v10;
	v13 =	vmul.f32 v13, v9;
	[tilespmem:s4+$0x8700] =	vst v11;
	v11 =	vld [tilespmem:s23+$0x4700]  }
0x273: {  	v18 =	vld [tilespmem:s15+$0x700];
	v16 =	vmul.f32 v16, v3;
	v12 =	vsub.f32 v12, v14  }
0x274: {  	v10 =	vmul.f32 v10, v5;
	v17 =	vld [tilespmem:s12+$0x700];
	[tilespmem:s16+$0x8700] =	vst v13  }
0x275: {  	v13 =	vld [tilespmem:s12+$0x4700];
	[tilespmem:s22+$0x8700] =	vst v16;
	v12 =	vmul.f32 v12, v8  }
0x276: {  	s17 =	sor.u32 $0x470, s3;
	v21 =	vld [tilespmem:s15+$0x4700];
	[tilespmem:s20+$0x8700] =	vst v10  }
0x277: {  	v19 =	vld [tilespmem:s17+$0x700];
	v11 =	vsub.f32 v15, v11;
	[tilespmem:s2+$0x8700] =	vst v12  }
0x278: {  	v14 =	vld [tilespmem:s17+$0x4700];
	s2 =	sld [smem:$0x7F3]  }
0x279: {  	v16 =	vld [tilespmem:s14+$0x700];
	v11 =	vmul.f32 v11, v7  }
0x27a: {  	v10 =	vld [tilespmem:s14+$0x4700];
	v12 =	vsub.f32 v17, v13  }
0x27b: {  	[tilespmem:s23+$0x8700] =	vst v11;
	v13 =	vld [tilespmem:s2+$0x700]  }
0x27c: {  	v12 =	vmul.f32 v12, v6;
	s18 =	rddreg [dreg:$0x1d];
	v11 =	vld [tilespmem:s2+$0x4700]  }
0x27d: {  	v17 =	vsub.f32 v18, v21;
	v18 =	vld [tilespmem:s18+$0x700]  }
0x27e: {  	[tilespmem:s12+$0x8700] =	vst v12;
	v12 =	vld [tilespmem:s18+$0x4700]  }
0x27f: {  	v15 =	vld [tilespmem:s30+$0x700];
	v10 =	vsub.f32 v16, v10;
	s4 =	rddreg [dreg:$0x1c]  }
0x280: {  	v17 =	vmul.f32 v17, v4;
	v16 =	vld [tilespmem:s4+$0x700]  }
0x281: {  	v10 =	vmul.f32 v10, v3;
	v20 =	vld [tilespmem:s4+$0x4700];
	v11 =	vsub.f32 v13, v11  }
0x282: {  	[tilespmem:s15+$0x8700] =	vst v17;
	v17 =	vld [tilespmem:s30+$0x4700]  }
0x283: {  	[tilespmem:s14+$0x8700] =	vst v10;
	v21 =	vld [tilespmem:s29+$0x4700];
	v10 =	vmul.f32 v11, v8;
	v11 =	vsub.f32 v18, v12  }
0x284: {  	v13 =	vld [tilespmem:s29+$0x700]  }
0x285: {  	v12 =	vld [tilespmem:s0+$0x700];
	[tilespmem:s2+$0x8700] =	vst v10;
	v10 =	vmul.f32 v11, v7  }
0x286: {  	v18 =	vld [tilespmem:s0+$0x4700];
	v11 =	vsub.f32 v16, v20;
	s2 =	rddreg [dreg:$0x14]  }
0x287: {  	v16 =	vld [tilespmem:s2+$0x700];
	[tilespmem:s18+$0x8700] =	vst v10  }
0x288: {  	v10 =	vld [tilespmem:s2+$0x4700];
	v11 =	vmul.f32 v11, v6;
	s23 =	rddreg [dreg:$0x12]  }
0x289: {  	v20 =	vld [tilespmem:s23+$0x700]  }
0x28a: {  	v22 =	vld [tilespmem:s23+$0x4700];
	[tilespmem:s4+$0x8700] =	vst v11  }
0x28b: {  	v11 =	vsub.f32 v19, v14;
	v14 =	vld [tilespmem:s10+$0x700]  }
0x28c: {  	v15 =	vsub.f32 v15, v17;
	v17 =	vld [tilespmem:s10+$0x4700]  }
0x28d: {  	v9 =	vmul.f32 v11, v9;
	v11 =	vsub.f32 v13, v21  }
0x28e: {  	v5 =	vmul.f32 v15, v5;
	v12 =	vsub.f32 v12, v18  }
0x28f: {  	[tilespmem:s17+$0x8700] =	vst v9;
	v4 =	vmul.f32 v11, v4;
	v9 =	vsub.f32 v16, v10  }
0x290: {  	[tilespmem:s30+$0x8700] =	vst v5;
	v3 =	vmul.f32 v12, v3;
	v5 =	vsub.f32 v20, v22  }
0x291: {  	[tilespmem:s29+$0x8700] =	vst v4;
	v4 =	vmul.f32 v9, v8;
	v8 =	vsub.f32 v14, v17  }
0x292: {  	[tilespmem:s0+$0x8700] =	vst v3;
	v3 =	vmul.f32 v5, v7  }
0x293: {  	[tilespmem:s2+$0x8700] =	vst v4;
	v4 =	vmul.f32 v8, v6  }
0x294: {  	[tilespmem:s23+$0x8700] =	vst v3  }
0x295: {  	[tilespmem:s10+$0x8700] =	vst v4  }
0x296: {  	s0 =	sld [smem:$0x7FB]  }
0x297: {  	s21 =	simm.s32 $0x21;
	s25 =	simm.s32 $0x0  }
0x298: {  	s19 =	simm.s32 $0x8700;
	s20 =	simm.s32 $0x20;
	s22 =	simm.s32 $0x2  }
0x299: {  	v3 =	vmov s20;
	[hbm4b:s0+s25] =	stream.linear.scatter [tilespmem:s19], [sflag:$0x4], $0x2000, $0x38;
	[tilespmem:$0xC700] =	vst v63  }
0x29a: {  	s23 =	simm.s32 $0x23;
	v3 =	vand.u32 $0xFFFFFFFC, v3;
	v4 =	vmov s21;
	_ =	swait.ge [sflag:s22], $0x2000  }
0x29b: {  	v5 =	vbroadcast v3, $0x0;
	v3 =	vand.u32 $0xFFFFFFFD, v4;
	v4 =	vmov s23;
	[sflag:s22] =	ssyncset.done $0x0  }
0x29c: {  	v6 =	vbroadcast v3, $0x0;
	[sflag:s22] =	ssyncadd.s32 $0xFFFFE000  }
0x29d: {  	_ =	swait.ge [sflag:s22], $0x2000  }
0x29e: {  	[sflag:s22] =	ssyncset.done $0x0  }
0x29f: {  	s16 =	simm.s32 $0x680;
	[sflag:s22] =	ssyncadd.s32 $0xFFFFE000  }
0x2a0: {  	s24 =	simm.s32 $0x2000;
	s26 =	simm.s32 $0x1100;
	v3 =	vld.idx.msk [tilespmem:v4+s16+$0x0], $0xffff  }
0x2a1: {  	s28 =	sand.u32 $0x3800, s24;
	s2 =	sand.u32 $0x300, s26;
	v4 =	vld.idx.msk [tilespmem:v5+s16+$0x0], $0xffff  }
0x2a2: {  	s4 =	sor.u32 s28, s2;
	v5 =	vld.idx.msk [tilespmem:v6+s16+$0x0], $0xffff  }
0x2a3: {  	v6 =	vld [tilespmem:s4+$0x700]  }
0x2a4: {  	s5 =	simm.s32 $0x22;
	v7 =	vld [tilespmem:s4+$0x4700]  }
0x2a5: {  	v8 =	vmov s5;
	v9 =	vld [tilespmem:s4+$0x710]  }
0x2a6: {  	v8 =	vand.u32 $0xFFFFFFFE, v8;
	v11 =	vld [tilespmem:s4+$0x4710]  }
0x2a7: {  	v8 =	vbroadcast v8, $0x0;
	v12 =	vld [tilespmem:s4+$0x720]  }
0x2a8: {  	v13 =	vld [tilespmem:s4+$0x4720]  }
0x2a9: {  	v14 =	vld [tilespmem:s4+$0x730]  }
0x2aa: {  	v15 =	vld [tilespmem:s4+$0x4730]  }
0x2ab: {  	v16 =	vld [tilespmem:s4+$0x740]  }
0x2ac: {  	v17 =	vld [tilespmem:s4+$0x4740]  }
0x2ad: {  	v10 =	vld.idx.msk [tilespmem:v8+s16+$0x0], $0xffff  }
0x2ae: {  	s6 =	simm.s32 $0x1000;
	v8 =	vld [tilespmem:s4+$0x750]  }
0x2af: {  	s0 =	sand.u32 $0x200, s6;
	v18 =	vld [tilespmem:s4+$0x4750]  }
0x2b0: {  	s7 =	sor.u32 s0, s28;
	v19 =	vld [tilespmem:s4+$0x760]  }
0x2b1: {  	v20 =	vld [tilespmem:s7+$0x700]  }
0x2b2: {  	s10 =	simm.s32 $0x1080;
	v21 =	vld [tilespmem:s7+$0x760]  }
0x2b3: {  	s2 =	sand.u32 $0x280, s10;
	v22 =	vld [tilespmem:s7+$0x4760]  }
0x2b4: {  	s2 =	sor.u32 s28, s2;
	v23 =	vld [tilespmem:s7+$0x4770]  }
0x2b5: {  	v47 =	vld [tilespmem:s2+$0x700]  }
0x2b6: {  	v48 =	vld [tilespmem:s2+$0x4700]  }
0x2b7: {  	v6 =	vsub.f32 v6, v7;
	v7 =	vld [tilespmem:s4+$0x4760]  }
0x2b8: {  	v9 =	vsub.f32 v9, v11;
	v11 =	vld [tilespmem:s4+$0x770]  }
0x2b9: {  	v12 =	vsub.f32 v12, v13;
	v13 =	vld [tilespmem:s4+$0x4770];
	v6 =	vmul.f32 v6, v10  }
0x2ba: {  	v50 =	vld [tilespmem:s2+$0x710];
	v14 =	vsub.f32 v14, v15;
	v9 =	vmul.f32 v9, v10  }
0x2bb: {  	v51 =	vld [tilespmem:s2+$0x4710];
	[tilespmem:s4+$0x8700] =	vst v6;
	v6 =	vmul.f32 v12, v10;
	v12 =	vsub.f32 v16, v17  }
0x2bc: {  	v52 =	vld [tilespmem:s2+$0x720];
	v8 =	vsub.f32 v8, v18;
	[tilespmem:s4+$0x8710] =	vst v9;
	v9 =	vmul.f32 v14, v10  }
0x2bd: {  	v53 =	vld [tilespmem:s2+$0x4720];
	v7 =	vsub.f32 v19, v7;
	[tilespmem:s4+$0x8720] =	vst v6;
	v6 =	vmul.f32 v12, v10  }
0x2be: {  	s8 =	sand.u32 $0x3, s25;
	v54 =	vld [tilespmem:s2+$0x730];
	v8 =	vmul.f32 v8, v10;
	[tilespmem:s4+$0x8730] =	vst v9;
	v9 =	vsub.f32 v11, v13  }
0x2bf: {  	s0 =	sshll.u32 s8, $0x8;
	v55 =	vld [tilespmem:s2+$0x4730];
	[tilespmem:s4+$0x8740] =	vst v6;
	v6 =	vmul.f32 v7, v10  }
0x2c0: {  	s0 =	sadd.s32 $0x2000, s0;
	v56 =	vld [tilespmem:s2+$0x740];
	[tilespmem:s4+$0x8750] =	vst v8;
	v8 =	vmul.f32 v9, v10  }
0x2c1: {  	s0 =	sadd.s32 $0x100, s0;
	v33 =	vld [tilespmem:s2+$0x4740];
	[tilespmem:s4+$0x8760] =	vst v6  }
0x2c2: {  	s9 =	sor.u32 $0x400, s0;
	v34 =	vld [tilespmem:s2+$0x750];
	[tilespmem:s4+$0x8770] =	vst v8  }
0x2c3: {  	v8 =	vld [tilespmem:s9+$0x700]  }
0x2c4: {  	v13 =	vld [tilespmem:s9+$0x4700]  }
0x2c5: {  	v36 =	vld [tilespmem:s2+$0x4750]  }
0x2c6: {  	v37 =	vld [tilespmem:s2+$0x760]  }
0x2c7: {  	v57 =	vld [tilespmem:s2+$0x4770]  }
0x2c8: {  	v15 =	vld [tilespmem:s7+$0x4700]  }
0x2c9: {  	v18 =	vld [tilespmem:s7+$0x750];
	v8 =	vsub.f32 v8, v13  }
0x2ca: {  	v16 =	vld [tilespmem:s7+$0x710]  }
0x2cb: {  	v14 =	vld [tilespmem:s7+$0x4710];
	v8 =	vmul.f32 v8, v10  }
0x2cc: {  	v17 =	vld [tilespmem:s7+$0x4740]  }
0x2cd: {  	s11 =	sor.u32 $0x410, s0;
	v19 =	vld [tilespmem:s7+$0x4750];
	[tilespmem:s9+$0x8700] =	vst v8  }
0x2ce: {  	v8 =	vld [tilespmem:s11+$0x700]  }
0x2cf: {  	v49 =	vld [tilespmem:s11+$0x4700]  }
0x2d0: {  	v15 =	vsub.f32 v20, v15;
	v20 =	vld [tilespmem:s2+$0x4760]  }
0x2d1: {  	v12 =	vld [tilespmem:s7+$0x720]  }
0x2d2: {  	v11 =	vld [tilespmem:s7+$0x4720]  }
0x2d3: {  	v7 =	vld [tilespmem:s7+$0x730]  }
0x2d4: {  	s13 =	simm.s32 $0x1180;
	v9 =	vld [tilespmem:s7+$0x4730];
	v8 =	vsub.f32 v8, v49  }
0x2d5: {  	v14 =	vsub.f32 v16, v14;
	v16 =	vld [tilespmem:s2+$0x770];
	s4 =	sand.u32 $0x380, s13  }
0x2d6: {  	v6 =	vld [tilespmem:s7+$0x740];
	s4 =	sor.u32 s28, s4;
	v8 =	vmul.f32 v8, v10  }
0x2d7: {  	v11 =	vsub.f32 v12, v11;
	v12 =	vld [tilespmem:s4+$0x700]  }
0x2d8: {  	s12 =	sor.u32 $0x420, s0;
	v13 =	vld [tilespmem:s7+$0x770];
	[tilespmem:s11+$0x8700] =	vst v8  }
0x2d9: {  	v15 =	vmul.f32 v15, v4;
	v8 =	vld [tilespmem:s12+$0x700]  }
0x2da: {  	v14 =	vmul.f32 v14, v4;
	v7 =	vsub.f32 v7, v9;
	v35 =	vld [tilespmem:s12+$0x4700]  }
0x2db: {  	[tilespmem:s7+$0x8700] =	vst v15;
	v15 =	vsub.f32 v18, v19;
	v18 =	vld [tilespmem:s4+$0x720];
	v11 =	vmul.f32 v11, v4;
	v6 =	vsub.f32 v6, v17  }
0x2dc: {  	v19 =	vld [tilespmem:s4+$0x4720];
	[tilespmem:s7+$0x8710] =	vst v14;
	v7 =	vmul.f32 v7, v4  }
0x2dd: {  	v9 =	vld [tilespmem:s4+$0x4700];
	[tilespmem:s7+$0x8720] =	vst v11;
	v11 =	vsub.f32 v21, v22;
	v6 =	vmul.f32 v6, v4  }
0x2de: {  	v58 =	vld [tilespmem:s4+$0x4740];
	[tilespmem:s7+$0x8730] =	vst v7;
	v7 =	vmul.f32 v15, v4;
	v13 =	vsub.f32 v13, v23  }
0x2df: {  	v14 =	vld [tilespmem:s4+$0x710];
	[tilespmem:s7+$0x8740] =	vst v6;
	v6 =	vmul.f32 v11, v4;
	v8 =	vsub.f32 v8, v35  }
0x2e0: {  	v21 =	vld [tilespmem:s4+$0x730];
	v11 =	vsub.f32 v47, v48;
	[tilespmem:s7+$0x8750] =	vst v7;
	v7 =	vmul.f32 v13, v4  }
0x2e1: {  	v22 =	vld [tilespmem:s4+$0x4730];
	[tilespmem:s7+$0x8760] =	vst v6;
	v13 =	vsub.f32 v50, v51;
	v8 =	vmul.f32 v8, v10  }
0x2e2: {  	v9 =	vsub.f32 v12, v9;
	v12 =	vld [tilespmem:s4+$0x4760];
	v6 =	vmul.f32 v11, v5;
	v11 =	vsub.f32 v52, v53;
	[tilespmem:s7+$0x8770] =	vst v7  }
0x2e3: {  	s14 =	sor.u32 $0x430, s0;
	v7 =	vmul.f32 v13, v5;
	v13 =	vsub.f32 v54, v55;
	[tilespmem:s12+$0x8700] =	vst v8;
	v8 =	vld [tilespmem:s4+$0x4710]  }
0x2e4: {  	[tilespmem:s2+$0x8700] =	vst v6;
	v6 =	vmul.f32 v11, v5;
	v11 =	vsub.f32 v56, v33;
	v17 =	vld [tilespmem:s14+$0x700]  }
0x2e5: {  	[tilespmem:s2+$0x8710] =	vst v7;
	v7 =	vmul.f32 v13, v5;
	v13 =	vsub.f32 v34, v36;
	v15 =	vld [tilespmem:s14+$0x4700]  }
0x2e6: {  	v23 =	vld [tilespmem:s4+$0x740];
	[tilespmem:s2+$0x8720] =	vst v6;
	v6 =	vmul.f32 v11, v5;
	v11 =	vsub.f32 v37, v20  }
0x2e7: {  	s15 =	sand.u32 $0x7, s25;
	v20 =	vld [tilespmem:s4+$0x750];
	[tilespmem:s2+$0x8730] =	vst v7;
	v7 =	vmul.f32 v13, v5;
	v13 =	vsub.f32 v16, v57  }
0x2e8: {  	s1 =	sshll.u32 s15, $0x7;
	[tilespmem:s2+$0x8740] =	vst v6;
	v6 =	vmul.f32 v11, v5;
	v11 =	vld [tilespmem:s4+$0x760]  }
0x2e9: {  	s17 =	sadd.s32 $0x2000, s1;
	v16 =	vld [tilespmem:s4+$0x4750];
	[tilespmem:s2+$0x8750] =	vst v7;
	v7 =	vmul.f32 v13, v5;
	v8 =	vsub.f32 v14, v8  }
0x2ea: {  	p0 =	por $0x0, $0x0;
	s1 =	sadd.s32 $0x80, s17;
	s6 =	simm.s32 $0x1;
	[tilespmem:s2+$0x8760] =	vst v6;
	v6 =	vmul.f32 v9, v3;
	v13 =	vld [tilespmem:s4+$0x770];
	v9 =	vsub.f32 v17, v15  }
0x2eb: {  	s18 =	sor.u32 $0x400, s1;
	s6 =	simm.s32 @!p0 $0x0;
	[tilespmem:s2+$0x8770] =	vst v7;
	v14 =	vld [tilespmem:s4+$0x4770];
	v7 =	vmul.f32 v8, v3;
	v8 =	vsub.f32 v18, v19  }
0x2ec: {  	s19 =	sshll.u32 s6, $0x9;
	[tilespmem:s4+$0x8700] =	vst v6;
	v15 =	vld [tilespmem:s18+$0x700];
	v6 =	vmul.f32 v9, v10;
	v9 =	vsub.f32 v21, v22  }
0x2ed: {  	s2 =	sadd.s32 $0x2000, s19;
	v17 =	vld [tilespmem:s18+$0x4700];
	[tilespmem:s4+$0x8710] =	vst v7;
	v7 =	vmul.f32 v8, v3;
	v8 =	vsub.f32 v23, v58  }
0x2ee: {  	s20 =	sor.u32 $0x400, s2;
	[tilespmem:s14+$0x8700] =	vst v6;
	v6 =	vmul.f32 v9, v3;
	v9 =	vsub.f32 v20, v16  }
0x2ef: {  	v11 =	vsub.f32 v11, v12;
	[tilespmem:s4+$0x8720] =	vst v7;
	v7 =	vmul.f32 v8, v3;
	v8 =	vld [tilespmem:s20+$0x700]  }
0x2f0: {  	v12 =	vsub.f32 v13, v14;
	[tilespmem:s4+$0x8730] =	vst v6;
	v6 =	vmul.f32 v9, v3;
	v9 =	vld [tilespmem:s20+$0x4700]  }
0x2f1: {  	[tilespmem:s4+$0x8740] =	vst v7;
	v7 =	vmul.f32 v11, v3  }
0x2f2: {  	s8 =	sor.u32 $0x440, s0;
	v11 =	vmul.f32 v12, v3;
	[tilespmem:s4+$0x8750] =	vst v6;
	v6 =	vsub.f32 v15, v17  }
0x2f3: {  	s3 =	sadd.s32 $0x180, s17;
	v12 =	vld [tilespmem:s8+$0x700];
	[tilespmem:s4+$0x8760] =	vst v7  }
0x2f4: {  	s5 =	sor.u32 $0x400, s3;
	v7 =	vld [tilespmem:s8+$0x4700];
	[tilespmem:s4+$0x8770] =	vst v11;
	v6 =	vmul.f32 v6, v5  }
0x2f5: {  	v8 =	vsub.f32 v8, v9;
	v9 =	vld [tilespmem:s5+$0x700]  }
0x2f6: {  	s21 =	sor.u32 $0x410, s1;
	[tilespmem:s18+$0x8700] =	vst v6;
	v6 =	vld [tilespmem:s5+$0x4700]  }
0x2f7: {  	v8 =	vmul.f32 v8, v4;
	v11 =	vld [tilespmem:s21+$0x700]  }
0x2f8: {  	v13 =	vld [tilespmem:s21+$0x4700]  }
0x2f9: {  	s22 =	sor.u32 $0x410, s2;
	v7 =	vsub.f32 v12, v7;
	[tilespmem:s20+$0x8700] =	vst v8  }
0x2fa: {  	v8 =	vld [tilespmem:s22+$0x700]  }
0x2fb: {  	v7 =	vmul.f32 v7, v10;
	v12 =	vld [tilespmem:s22+$0x4700];
	v6 =	vsub.f32 v9, v6;
	_ =	sdelay $0x1  }
0x2fc: {  	s23 =	sor.u32 $0x450, s0;
	[tilespmem:s8+$0x8700] =	vst v7;
	v7 =	vsub.f32 v11, v13;
	v6 =	vmul.f32 v6, v3  }
0x2fd: {  	v9 =	vld [tilespmem:s23+$0x700]  }
0x2fe: {  	s24 =	sor.u32 $0x410, s3;
	v11 =	vld [tilespmem:s23+$0x4700];
	v7 =	vmul.f32 v7, v5;
	[tilespmem:s5+$0x8700] =	vst v6  }
0x2ff: {  	v6 =	vsub.f32 v8, v12;
	v8 =	vld [tilespmem:s24+$0x700]  }
0x300: {  	s26 =	sor.u32 $0x420, s1;
	[tilespmem:s21+$0x8700] =	vst v7;
	v7 =	vld [tilespmem:s24+$0x4700]  }
0x301: {  	v6 =	vmul.f32 v6, v4;
	v12 =	vld [tilespmem:s26+$0x700]  }
0x302: {  	v13 =	vld [tilespmem:s26+$0x4700]  }
0x303: {  	s28 =	sor.u32 $0x420, s2;
	[tilespmem:s22+$0x8700] =	vst v6  }
0x304: {  	v6 =	vsub.f32 v9, v11;
	v9 =	vld [tilespmem:s28+$0x700]  }
0x305: {  	v11 =	vld [tilespmem:s28+$0x4700];
	v7 =	vsub.f32 v8, v7  }
0x306: {  	v6 =	vmul.f32 v6, v10  }
0x307: {  	v8 =	vsub.f32 v12, v13;
	v7 =	vmul.f32 v7, v3  }
0x308: {  	s9 =	sor.u32 $0x460, s0;
	[tilespmem:s23+$0x8700] =	vst v6  }
0x309: {  	s10 =	sor.u32 $0x420, s3;
	v6 =	vld [tilespmem:s9+$0x700];
	v8 =	vmul.f32 v8, v5;
	[tilespmem:s24+$0x8700] =	vst v7  }
0x30a: {  	v7 =	vsub.f32 v9, v11;
	v9 =	vld [tilespmem:s10+$0x700]  }
0x30b: {  	s11 =	sor.u32 $0x430, s1;
	[tilespmem:s26+$0x8700] =	vst v8;
	v8 =	vld [tilespmem:s10+$0x4700]  }
0x30c: {  	v11 =	vld [tilespmem:s11+$0x700]  }
0x30d: {  	v12 =	vld [tilespmem:s11+$0x4700]  }
0x30e: {  	v13 =	vld [tilespmem:s9+$0x4700]  }
0x30f: {  	v7 =	vmul.f32 v7, v4  }
0x310: {  	v8 =	vsub.f32 v9, v8  }
0x311: {  	s12 =	sor.u32 $0x430, s2;
	[tilespmem:s28+$0x8700] =	vst v7  }
0x312: {  	v7 =	vld [tilespmem:s12+$0x700];
	v9 =	vsub.f32 v11, v12;
	v8 =	vmul.f32 v8, v3  }
0x313: {  	v6 =	vsub.f32 v6, v13;
	v14 =	vld [tilespmem:s12+$0x4700]  }
0x314: {  	s13 =	sor.u32 $0x430, s3;
	v9 =	vmul.f32 v9, v5;
	[tilespmem:s10+$0x8700] =	vst v8  }
0x315: {  	s19 =	simm.s32 $0x25;
	v6 =	vmul.f32 v6, v10;
	v8 =	vld [tilespmem:s13+$0x700]  }
0x316: {  	s15 =	simm.s32 $0x24;
	s17 =	sor.u32 $0x440, s1;
	s20 =	simm.s32 $0x27;
	v12 =	vmov s19;
	[tilespmem:s11+$0x8700] =	vst v9;
	v9 =	vld [tilespmem:s13+$0x4700]  }
0x317: {  	v11 =	vmov s15;
	[tilespmem:s9+$0x8700] =	vst v6;
	v6 =	vand.u32 $0xFFFFFFFD, v12;
	v12 =	vmov s20;
	v13 =	vld [tilespmem:s17+$0x700]  }
0x318: {  	v11 =	vand.u32 $0xFFFFFFFC, v11;
	v7 =	vsub.f32 v7, v14;
	v14 =	vld [tilespmem:s17+$0x4700]  }
0x319: {  	s8 =	sor.u32 $0x470, s0;
	v11 =	vbroadcast v11, $0x0  }
0x31a: {  	v15 =	vld [tilespmem:s8+$0x700];
	v16 =	vbroadcast v6, $0x0;
	v7 =	vmul.f32 v7, v4  }
0x31b: {  	v17 =	vld [tilespmem:s8+$0x4700]  }
0x31c: {  	s14 =	sor.u32 $0x440, s2;
	v6 =	vld.idx.msk [tilespmem:v12+s16+$0x0], $0xffff;
	[tilespmem:s12+$0x8700] =	vst v7;
	v7 =	vsub.f32 v8, v9  }
0x31d: {  	v18 =	vld [tilespmem:s14+$0x700];
	v12 =	vsub.f32 v13, v14  }
0x31e: {  	v9 =	vld [tilespmem:s14+$0x4700];
	v13 =	vmul.f32 v7, v3  }
0x31f: {  	v7 =	vld.idx.msk [tilespmem:v11+s16+$0x0], $0xffff;
	v11 =	vmul.f32 v12, v5  }
0x320: {  	s18 =	sor.u32 $0x440, s3;
	v8 =	vld.idx.msk [tilespmem:v16+s16+$0x0], $0xffff;
	[tilespmem:s13+$0x8700] =	vst v13  }
0x321: {  	s21 =	simm.s32 $0x1300;
	s22 =	sor.u32 $0x450, s2;
	v16 =	vld [tilespmem:s18+$0x700];
	[tilespmem:s17+$0x8700] =	vst v11  }
0x322: {  	s28 =	sor.u32 $0x450, s1;
	v19 =	vld [tilespmem:s18+$0x4700];
	s17 =	simm.s32 $0x2400;
	[dreg:$0x9] =	wrdreg s22  }
0x323: {  	s10 =	sand.u32 $0x300, s21;
	s23 =	sand.u32 $0x3800, s17;
	v20 =	vld [tilespmem:s28+$0x700]  }
0x324: {  	p0 =	por !p0, !p0;
	s6 =	simm.s32 $0x1;
	s29 =	sor.u32 s23, s10;
	v21 =	vld [tilespmem:s28+$0x4700]  }
0x325: {  	s31 =	sor.u32 $0x460, s3;
	s6 =	simm.s32 @!p0 $0x0;
	v22 =	vld [tilespmem:s29+$0x700]  }
0x326: {  	s6 =	sshll.u32 s6, $0x9;
	s30 =	sor.u32 $0x470, s2;
	s12 =	simm.s32 $0x26;
	v23 =	vld [tilespmem:s29+$0x4700]  }
0x327: {  	s0 =	sor.u32 $0x470, s1;
	s15 =	sor.u32 $0x460, s2;
	s19 =	simm.s32 $0x1200;
	v11 =	vmov s12;
	v59 =	vld [tilespmem:s29+$0x710]  }
0x328: {  	s2 =	simm.s32 $0x4;
	s20 =	simm.s32 $0x1280;
	s7 =	sand.u32 $0x200, s19;
	v11 =	vand.u32 $0xFFFFFFFE, v11;
	v60 =	vld [tilespmem:s29+$0x4710]  }
0x329: {  	s9 =	sand.u32 $0x280, s20;
	s11 =	sor.u32 $0x450, s3;
	s13 =	sand.u32 $0x7, s2;
	v61 =	vbroadcast v11, $0x0;
	v62 =	vld [tilespmem:s29+$0x720]  }
0x32a: {  	s22 =	sor.u32 $0x460, s1;
	s1 =	sor.u32 $0x470, s3;
	s3 =	simm.s32 $0x1380;
	v63 =	vld [tilespmem:s29+$0x4720]  }
0x32b: {  	s5 =	sshll.u32 s13, $0x7;
	s26 =	sor.u32 s7, s23;
	s21 =	sand.u32 $0x380, s3;
	v11 =	vld [tilespmem:s29+$0x730]  }
0x32c: {  	s24 =	sor.u32 s23, s9;
	s12 =	sor.u32 s23, s21;
	s23 =	sadd.s32 $0x2400, s6;
	v12 =	vld [tilespmem:s29+$0x4730]  }
0x32d: {  	s5 =	sadd.s32 $0x2400, s5;
	v13 =	vld [tilespmem:s29+$0x740];
	s4 =	sor.u32 $0x400, s23;
	s10 =	sor.u32 $0x430, s23  }
0x32e: {  	v14 =	vld [tilespmem:s29+$0x4740];
	s21 =	sor.u32 $0x410, s23;
	s19 =	sor.u32 $0x440, s23;
	[dreg:$0x19] =	wrdreg s10  }
0x32f: {  	v15 =	vsub.f32 v15, v17;
	v17 =	vsub.f32 v18, v9;
	s6 =	sor.u32 $0x420, s23;
	s20 =	sor.u32 $0x460, s23;
	v9 =	vld.idx.msk [tilespmem:v61+s16+$0x0], $0xffff;
	[dreg:$0xf] =	wrdreg s19  }
0x330: {  	s19 =	sor.u32 $0x450, s23;
	[dreg:$0x1f] =	wrdreg s20;
	s23 =	sor.u32 $0x470, s23  }
0x331: {  	s13 =	sadd.s32 $0x80, s5;
	[dreg:$0x13] =	wrdreg s23  }
0x332: {  	v15 =	vmul.f32 v15, v10;
	s7 =	sor.u32 $0x430, s13;
	v10 =	vld [tilespmem:s29+$0x750]  }
0x333: {  	v18 =	vsub.f32 v16, v19;
	s16 =	sor.u32 $0x440, s13;
	v16 =	vld [tilespmem:s29+$0x4750];
	[dreg:$0x1b] =	wrdreg s7  }
0x334: {  	[dreg:$0x11] =	wrdreg s16  }
0x335: {  	s9 =	sadd.s32 $0x180, s5;
	s5 =	sor.u32 $0x450, s13;
	[tilespmem:s8+$0x8700] =	vst v15  }
0x336: {  	v17 =	vmul.f32 v17, v4;
	s8 =	sor.u32 $0x470, s13;
	[dreg:$0xb] =	wrdreg s5  }
0x337: {  	v19 =	vsub.f32 v20, v21;
	v20 =	vmul.f32 v18, v3;
	[dreg:$0x15] =	wrdreg s8  }
0x338: {  	s10 =	sor.u32 $0x420, s13;
	s20 =	sor.u32 $0x410, s13;
	v15 =	vld [tilespmem:s29+$0x760];
	[tilespmem:s14+$0x8700] =	vst v17  }
0x339: {  	s23 =	sor.u32 $0x400, s13;
	s16 =	sor.u32 $0x460, s13;
	s13 =	sor.u32 $0x430, s9;
	v18 =	vld [tilespmem:s29+$0x4760];
	[tilespmem:s18+$0x8700] =	vst v20  }
0x33a: {  	v19 =	vmul.f32 v19, v5;
	v17 =	vld [tilespmem:s29+$0x770];
	s18 =	sor.u32 $0x440, s9;
	[dreg:$0x17] =	wrdreg s13  }
0x33b: {  	[dreg:$0xd] =	wrdreg s18  }
0x33c: {  	v21 =	vsub.f32 v22, v23;
	s7 =	sor.u32 $0x420, s9;
	s8 =	sor.u32 $0x400, s9;
	[tilespmem:s28+$0x8700] =	vst v19;
	s28 =	sor.u32 $0x460, s9  }
0x33d: {  	s5 =	smov.u32 s16;
	s16 =	sor.u32 $0x470, s9;
	[dreg:$0x1e] =	wrdreg s28  }
0x33e: {  	v22 =	vsub.f32 v59, v60;
	s14 =	sor.u32 $0x410, s9;
	v20 =	vmul.f32 v21, v9;
	v21 =	vsub.f32 v62, v63;
	s18 =	sor.u32 $0x450, s9;
	s9 =	simm.s32 $0x28;
	v19 =	vld [tilespmem:s29+$0x4770]  }
.LBB2_4:
0x33f: {  	_ =	sdelay $0x2  }
0x340: {  	v23 =	vld [tilespmem:s26+$0x700];
	v22 =	vmul.f32 v22, v9;
	v11 =	vsub.f32 v11, v12  }
0x341: {  	[tilespmem:s29+$0x8700] =	vst v20;
	v20 =	vmul.f32 v21, v9;
	v12 =	vld [tilespmem:s26+$0x4700];
	v13 =	vsub.f32 v13, v14  }
0x342: {  	[tilespmem:s29+$0x8710] =	vst v22;
	v14 =	vld [tilespmem:s26+$0x710];
	v10 =	vsub.f32 v10, v16;
	v11 =	vmul.f32 v11, v9  }
0x343: {  	s25 =	sadd.s32 $0x2, s25;
	[tilespmem:s29+$0x8720] =	vst v20;
	v16 =	vld [tilespmem:s26+$0x4710];
	v15 =	vsub.f32 v15, v18;
	v13 =	vmul.f32 v13, v9  }
0x344: {  	s28 =	sand.u32 $0x3, s25;
	v18 =	vld [tilespmem:s26+$0x720];
	v10 =	vmul.f32 v10, v9;
	[tilespmem:s29+$0x8730] =	vst v11;
	v11 =	vsub.f32 v17, v19  }
0x345: {  	s28 =	sshll.u32 s28, $0x8;
	v17 =	vld [tilespmem:s26+$0x4720];
	[tilespmem:s29+$0x8740] =	vst v13;
	v13 =	vmul.f32 v15, v9  }
0x346: {  	s28 =	sadd.s32 s17, s28;
	v15 =	vld [tilespmem:s26+$0x730];
	[tilespmem:s29+$0x8750] =	vst v10;
	v12 =	vsub.f32 v23, v12;
	v10 =	vmul.f32 v11, v9  }
0x347: {  	s28 =	sadd.s32 $0x100, s28;
	v11 =	vld [tilespmem:s26+$0x4730];
	[tilespmem:s29+$0x8760] =	vst v13  }
0x348: {  	v13 =	vsub.f32 v14, v16;
	v14 =	vld [tilespmem:s26+$0x740];
	v12 =	vmul.f32 v12, v7;
	[tilespmem:s29+$0x8770] =	vst v10;
	s29 =	sor.u32 $0x400, s28  }
0x349: {  	v10 =	vld [tilespmem:s29+$0x700]  }
0x34a: {  	[tilespmem:s26+$0x8700] =	vst v12;
	v12 =	vmul.f32 v13, v7;
	v13 =	vsub.f32 v18, v17;
	v16 =	vld [tilespmem:s29+$0x4700]  }
0x34b: {  	v17 =	vld [tilespmem:s26+$0x4740]  }
0x34c: {  	[tilespmem:s26+$0x8710] =	vst v12;
	v12 =	vmul.f32 v13, v7;
	v11 =	vsub.f32 v15, v11;
	v13 =	vld [tilespmem:s26+$0x750]  }
0x34d: {  	v15 =	vld [tilespmem:s26+$0x4750]  }
0x34e: {  	v18 =	vld [tilespmem:s26+$0x4760];
	v11 =	vmul.f32 v11, v7  }
0x34f: {  	[tilespmem:s26+$0x8720] =	vst v12;
	v12 =	vld [tilespmem:s26+$0x760];
	v10 =	vsub.f32 v10, v16  }
0x350: {  	v16 =	vld [tilespmem:s26+$0x4770];
	[tilespmem:s26+$0x8730] =	vst v11;
	v11 =	vsub.f32 v14, v17  }
0x351: {  	v14 =	vld [tilespmem:s26+$0x770];
	v10 =	vmul.f32 v10, v9  }
0x352: {  	v17 =	vld [tilespmem:s24+$0x4700];
	v13 =	vsub.f32 v13, v15;
	v11 =	vmul.f32 v11, v7  }
0x353: {  	v15 =	vld [tilespmem:s24+$0x700];
	[tilespmem:s29+$0x8700] =	vst v10;
	s29 =	sor.u32 $0x410, s28  }
0x354: {  	v10 =	vmul.f32 v13, v7;
	[tilespmem:s26+$0x8740] =	vst v11;
	v11 =	vsub.f32 v12, v18;
	v12 =	vld [tilespmem:s29+$0x700]  }
0x355: {  	v13 =	vld [tilespmem:s29+$0x4700]  }
0x356: {  	[tilespmem:s26+$0x8750] =	vst v10;
	v10 =	vmul.f32 v11, v7;
	v11 =	vsub.f32 v14, v16;
	v14 =	vld [tilespmem:s24+$0x710]  }
0x357: {  	v16 =	vld [tilespmem:s24+$0x4710]  }
0x358: {  	[tilespmem:s26+$0x8760] =	vst v10;
	v10 =	vmul.f32 v11, v7;
	v11 =	vsub.f32 v15, v17;
	v15 =	vld [tilespmem:s24+$0x720]  }
0x359: {  	v17 =	vld [tilespmem:s24+$0x4720]  }
0x35a: {  	v12 =	vsub.f32 v12, v13;
	v13 =	vld [tilespmem:s24+$0x4730];
	[tilespmem:s26+$0x8770] =	vst v10;
	v10 =	vmul.f32 v11, v8  }
0x35b: {  	v11 =	vld [tilespmem:s24+$0x730]  }
0x35c: {  	v12 =	vmul.f32 v12, v9;
	[tilespmem:s24+$0x8700] =	vst v10;
	v10 =	vsub.f32 v14, v16;
	v14 =	vld [tilespmem:s24+$0x740]  }
0x35d: {  	v16 =	vld [tilespmem:s24+$0x4740]  }
0x35e: {  	s13 =	sor.u32 $0x420, s28;
	v15 =	vsub.f32 v15, v17;
	v17 =	vld [tilespmem:s24+$0x750];
	[tilespmem:s29+$0x8700] =	vst v12;
	v10 =	vmul.f32 v10, v8  }
0x35f: {  	v12 =	vld [tilespmem:s13+$0x700]  }
0x360: {  	v11 =	vsub.f32 v11, v13;
	v13 =	vld [tilespmem:s13+$0x4700];
	[tilespmem:s24+$0x8710] =	vst v10;
	v10 =	vmul.f32 v15, v8  }
0x361: {  	v15 =	vld [tilespmem:s24+$0x4750]  }
0x362: {  	[tilespmem:s24+$0x8720] =	vst v10;
	v10 =	vmul.f32 v11, v8;
	v11 =	vsub.f32 v14, v16;
	v14 =	vld [tilespmem:s24+$0x760]  }
0x363: {  	v16 =	vld [tilespmem:s24+$0x4760]  }
0x364: {  	v18 =	vld [tilespmem:s24+$0x4770];
	[tilespmem:s24+$0x8730] =	vst v10;
	v10 =	vmul.f32 v11, v8  }
0x365: {  	v11 =	vld [tilespmem:s24+$0x770];
	v12 =	vsub.f32 v12, v13  }
0x366: {  	v13 =	vld [tilespmem:s12+$0x700];
	[tilespmem:s24+$0x8740] =	vst v10;
	v10 =	vsub.f32 v17, v15  }
0x367: {  	v12 =	vmul.f32 v12, v9;
	v15 =	vld [tilespmem:s12+$0x4700]  }
0x368: {  	v14 =	vsub.f32 v14, v16;
	v16 =	vld [tilespmem:s12+$0x710];
	v10 =	vmul.f32 v10, v8  }
0x369: {  	[tilespmem:s13+$0x8700] =	vst v12;
	s13 =	sor.u32 $0x430, s28;
	v12 =	vld [tilespmem:s12+$0x4710]  }
0x36a: {  	v11 =	vsub.f32 v11, v18;
	v17 =	vld [tilespmem:s13+$0x4700];
	[tilespmem:s24+$0x8750] =	vst v10;
	v10 =	vmul.f32 v14, v8  }
0x36b: {  	v14 =	vld [tilespmem:s13+$0x700]  }
0x36c: {  	[tilespmem:s24+$0x8760] =	vst v10;
	v10 =	vmul.f32 v11, v8;
	v11 =	vsub.f32 v13, v15;
	v13 =	vld [tilespmem:s12+$0x720]  }
0x36d: {  	v15 =	vld [tilespmem:s12+$0x4720]  }
0x36e: {  	[tilespmem:s24+$0x8770] =	vst v10;
	v10 =	vmul.f32 v11, v6;
	v11 =	vsub.f32 v16, v12;
	v12 =	vld [tilespmem:s12+$0x730]  }
0x36f: {  	v16 =	vld [tilespmem:s12+$0x4730]  }
0x370: {  	v14 =	vsub.f32 v14, v17;
	v17 =	vld [tilespmem:s12+$0x4740];
	[tilespmem:s12+$0x8700] =	vst v10;
	v10 =	vmul.f32 v11, v6  }
0x371: {  	v11 =	vld [tilespmem:s12+$0x740]  }
0x372: {  	v14 =	vmul.f32 v14, v9;
	[tilespmem:s12+$0x8710] =	vst v10;
	v10 =	vsub.f32 v13, v15;
	v13 =	vld [tilespmem:s12+$0x750]  }
0x373: {  	v15 =	vld [tilespmem:s12+$0x4750]  }
0x374: {  	s26 =	sor.u32 $0x440, s28;
	[tilespmem:s13+$0x8700] =	vst v14;
	v12 =	vsub.f32 v12, v16;
	v14 =	vld [tilespmem:s12+$0x760];
	v10 =	vmul.f32 v10, v6  }
0x375: {  	v16 =	vld [tilespmem:s26+$0x700]  }
0x376: {  	v18 =	vld [tilespmem:s26+$0x4700];
	v11 =	vsub.f32 v11, v17;
	[tilespmem:s12+$0x8720] =	vst v10;
	v10 =	vmul.f32 v12, v6  }
0x377: {  	v12 =	vld [tilespmem:s12+$0x4760]  }
0x378: {  	[tilespmem:s12+$0x8730] =	vst v10;
	v10 =	vmul.f32 v11, v6;
	v11 =	vsub.f32 v13, v15;
	v13 =	vld [tilespmem:s12+$0x770]  }
0x379: {  	v15 =	vld [tilespmem:s12+$0x4770]  }
0x37a: {  	[tilespmem:s12+$0x8740] =	vst v10;
	v10 =	vmul.f32 v11, v6  }
0x37b: {  	v17 =	vld [tilespmem:s23+$0x700];
	v16 =	vsub.f32 v16, v18  }
0x37c: {  	v11 =	vld [tilespmem:s23+$0x4700];
	[tilespmem:s12+$0x8750] =	vst v10;
	v10 =	vsub.f32 v14, v12  }
0x37d: {  	v18 =	vld [tilespmem:s4+$0x700];
	v14 =	vmul.f32 v16, v9  }
0x37e: {  	s13 =	rddreg [dreg:$0x9];
	v12 =	vld [tilespmem:s4+$0x4700];
	v13 =	vsub.f32 v13, v15;
	v10 =	vmul.f32 v10, v6  }
0x37f: {  	v15 =	vld [tilespmem:s13+$0x700];
	[tilespmem:s26+$0x8700] =	vst v14  }
0x380: {  	s26 =	sor.u32 $0x450, s28;
	v14 =	vld [tilespmem:s13+$0x4700];
	[tilespmem:s12+$0x8760] =	vst v10;
	v10 =	vmul.f32 v13, v6  }
0x381: {  	v11 =	vsub.f32 v17, v11;
	v16 =	vld [tilespmem:s26+$0x700]  }
0x382: {  	v13 =	vld [tilespmem:s26+$0x4700];
	[tilespmem:s12+$0x8770] =	vst v10  }
0x383: {  	v12 =	vsub.f32 v18, v12;
	v11 =	vmul.f32 v11, v8;
	v10 =	vld [tilespmem:s11+$0x700]  }
0x384: {  	v17 =	vld [tilespmem:s8+$0x700]  }
0x385: {  	v12 =	vmul.f32 v12, v7;
	[tilespmem:s23+$0x8700] =	vst v11;
	v11 =	vld [tilespmem:s8+$0x4700]  }
0x386: {  	v14 =	vsub.f32 v15, v14;
	v15 =	vld [tilespmem:s20+$0x700]  }
0x387: {  	[tilespmem:s4+$0x8700] =	vst v12;
	v12 =	vld [tilespmem:s20+$0x4700];
	v13 =	vsub.f32 v16, v13  }
0x388: {  	v14 =	vmul.f32 v14, v4;
	v16 =	vld [tilespmem:s21+$0x700]  }
0x389: {  	v18 =	vld [tilespmem:s21+$0x4700];
	v13 =	vmul.f32 v13, v9  }
0x38a: {  	[tilespmem:s13+$0x8700] =	vst v14;
	v14 =	vld [tilespmem:s11+$0x4700];
	v11 =	vsub.f32 v17, v11  }
0x38b: {  	[tilespmem:s26+$0x8700] =	vst v13;
	s26 =	sor.u32 $0x460, s28;
	v13 =	vld [tilespmem:s22+$0x700]  }
0x38c: {  	v12 =	vsub.f32 v15, v12;
	v15 =	vld [tilespmem:s26+$0x700];
	v11 =	vmul.f32 v11, v6  }
0x38d: {  	v17 =	vld [tilespmem:s26+$0x4700]  }
0x38e: {  	v12 =	vmul.f32 v12, v8;
	[tilespmem:s8+$0x8700] =	vst v11;
	v11 =	vld [tilespmem:s22+$0x4700]  }
0x38f: {  	v16 =	vsub.f32 v16, v18;
	v18 =	vld [tilespmem:s14+$0x700]  }
0x390: {  	[tilespmem:s20+$0x8700] =	vst v12;
	v12 =	vld [tilespmem:s14+$0x4700]  }
0x391: {  	v10 =	vsub.f32 v10, v14;
	v14 =	vmul.f32 v16, v7  }
0x392: {  	v16 =	vld [tilespmem:s10+$0x700]  }
0x393: {  	v10 =	vmul.f32 v10, v3;
	[tilespmem:s21+$0x8700] =	vst v14;
	v14 =	vld [tilespmem:s10+$0x4700];
	v15 =	vsub.f32 v15, v17  }
0x394: {  	v17 =	vld [tilespmem:s6+$0x700];
	v11 =	vsub.f32 v13, v11  }
0x395: {  	[tilespmem:s11+$0x8700] =	vst v10;
	v10 =	vld [tilespmem:s6+$0x4700];
	v13 =	vmul.f32 v15, v9;
	v12 =	vsub.f32 v18, v12  }
0x396: {  	v15 =	vld [tilespmem:s15+$0x700];
	v11 =	vmul.f32 v11, v5  }
0x397: {  	s12 =	sor.u32 $0x470, s28;
	[tilespmem:s26+$0x8700] =	vst v13;
	v13 =	vld [tilespmem:s15+$0x4700];
	v12 =	vmul.f32 v12, v6  }
0x398: {  	v14 =	vsub.f32 v16, v14;
	v16 =	vld [tilespmem:s12+$0x700];
	[tilespmem:s22+$0x8700] =	vst v11  }
0x399: {  	v11 =	vld [tilespmem:s12+$0x4700];
	[tilespmem:s14+$0x8700] =	vst v12  }
0x39a: {  	v10 =	vsub.f32 v17, v10;
	v14 =	vmul.f32 v14, v8;
	v12 =	vld [tilespmem:s31+$0x700]  }
0x39b: {  	v17 =	vld [tilespmem:s7+$0x700]  }
0x39c: {  	s11 =	smov.u32 s18;
	s18 =	rddreg [dreg:$0x1b];
	v10 =	vmul.f32 v10, v7;
	[tilespmem:s10+$0x8700] =	vst v14;
	v14 =	vld [tilespmem:s7+$0x4700]  }
0x39d: {  	v13 =	vsub.f32 v15, v13;
	v15 =	vld [tilespmem:s18+$0x700]  }
0x39e: {  	s23 =	smov.u32 s19;
	s19 =	rddreg [dreg:$0x19];
	[tilespmem:s6+$0x8700] =	vst v10;
	v10 =	vld [tilespmem:s18+$0x4700]  }
0x39f: {  	v11 =	vsub.f32 v16, v11;
	v13 =	vmul.f32 v13, v4;
	v16 =	vld [tilespmem:s19+$0x700]  }
0x3a0: {  	v18 =	vld [tilespmem:s19+$0x4700]  }
0x3a1: {  	s2 =	sadd.s32 $0x4, s2;
	v9 =	vmul.f32 v11, v9;
	[tilespmem:s15+$0x8700] =	vst v13;
	v13 =	vld [tilespmem:s31+$0x4700];
	v11 =	vsub.f32 v17, v14  }
0x3a2: {  	s3 =	sadd.s32 $0x200, s3;
	s17 =	sadd.s32 $0x400, s17;
	s4 =	rddreg [dreg:$0x15];
	v14 =	vld [tilespmem:s0+$0x4700]  }
0x3a3: {  	s14 =	sand.u32 $0x3800, s17;
	s10 =	sand.u32 $0x7, s2;
	[tilespmem:s12+$0x8700] =	vst v9;
	v9 =	vld [tilespmem:s0+$0x700];
	s12 =	sadd.s32 $0xFFFFFF80, s3;
	v11 =	vmul.f32 v11, v6  }
0x3a4: {  	s15 =	smov.u32 s4;
	s4 =	sshll.u32 s10, $0x7;
	v10 =	vsub.f32 v15, v10;
	v15 =	vld [tilespmem:s30+$0x700];
	s10 =	sand.u32 $0x300, s12  }
0x3a5: {  	s29 =	sor.u32 s14, s10;
	[tilespmem:s7+$0x8700] =	vst v11;
	v11 =	vld [tilespmem:s30+$0x4700]  }
0x3a6: {  	v21 =	vld [tilespmem:s29+$0x720]  }
0x3a7: {  	s21 =	rddreg [dreg:$0x17];
	v16 =	vsub.f32 v16, v18;
	v10 =	vmul.f32 v10, v8;
	v23 =	vld [tilespmem:s29+$0x4720]  }
0x3a8: {  	s24 =	rddreg [dreg:$0x11];
	s22 =	sadd.s32 $0x1, s9;
	v17 =	vmov s9;
	v12 =	vsub.f32 v12, v13;
	v18 =	vld [tilespmem:s21+$0x700]  }
0x3a9: {  	[dreg:$0x9] =	wrdreg s23;
	v13 =	vand.u32 $0xFFFFFFFC, v17;
	v16 =	vmul.f32 v16, v7;
	v17 =	vmov s22;
	[tilespmem:s18+$0x8700] =	vst v10;
	v10 =	vld [tilespmem:s21+$0x4700]  }
0x3aa: {  	s23 =	sadd.s32 $0x3, s9;
	s13 =	smov.u32 s5;
	s5 =	rddreg [dreg:$0x13];
	v19 =	vld [tilespmem:s24+$0x700];
	v9 =	vsub.f32 v9, v14;
	v14 =	vand.u32 $0xFFFFFFFD, v17  }
0x3ab: {  	s26 =	rddreg [dreg:$0xf];
	v12 =	vmul.f32 v12, v3;
	v17 =	vmov s23;
	[tilespmem:s19+$0x8700] =	vst v16;
	v16 =	vld [tilespmem:s24+$0x4700];
	v14 =	vbroadcast v14, $0x0  }
0x3ac: {  	p1 =	slt.u32 s9, $0x3C;
	p0 =	por !p0, !p0;
	[smem:$0x7EE] =	sst s13;
	v13 =	vbroadcast v13, $0x0;
	v20 =	vld [tilespmem:s26+$0x700];
	v9 =	vmul.f32 v9, v5  }
0x3ad: {  	s13 =	smov.u32 s16;
	s16 =	smov.u32 s25;
	s20 =	rddreg [dreg:$0x1f];
	[tilespmem:s31+$0x8700] =	vst v12;
	v12 =	vld [tilespmem:s26+$0x4700];
	v11 =	vsub.f32 v15, v11  }
0x3ae: {  	s28 =	rddreg [dreg:$0x1e];
	s25 =	smov.u32 s20;
	s20 =	sadd.s32 $0xFFFFFF00, s3;
	v5 =	vmov v8;
	v8 =	vsub.f32 v18, v10;
	[tilespmem:s0+$0x8700] =	vst v9;
	v9 =	vld [tilespmem:s1+$0x700]  }
0x3af: {  	[smem:$0x7EF] =	sst s11;
	s11 =	sadd.s32 $0xFFFFFE80, s3;
	s31 =	simm.s32 $0x680;
	v10 =	vmul.f32 v11, v4;
	v11 =	vld [tilespmem:s1+$0x4700]  }
0x3b0: {  	s8 =	sand.u32 $0x200, s11;
	s11 =	sand.u32 $0x280, s20;
	s4 =	sadd.s32 s17, s4;
	v15 =	vld.idx.msk [tilespmem:v17+s31+$0x0], $0xffff;
	v16 =	vsub.f32 v19, v16;
	v17 =	vmul.f32 v8, v6  }
0x3b1: {  	s22 =	smov.u32 s28;
	s28 =	sadd.s32 $0x80, s4;
	s18 =	rddreg [dreg:$0xd];
	[tilespmem:s30+$0x8700] =	vst v10;
	v8 =	vld.idx.msk [tilespmem:v14+s31+$0x0], $0xffff  }
0x3b2: {  	s20 =	sor.u32 $0x410, s28;
	s10 =	sor.u32 $0x420, s28;
	s6 =	sor.u32 $0x430, s28;
	v4 =	vmov v7;
	v10 =	vsub.f32 v20, v12;
	v12 =	vmul.f32 v16, v5;
	v7 =	vld.idx.msk [tilespmem:v13+s31+$0x0], $0xffff;
	[tilespmem:s21+$0x8700] =	vst v17  }
0x3b3: {  	s19 =	rddreg [dreg:$0xb];
	s0 =	smov.u32 s5;
	s5 =	simm.s32 $0x1;
	v13 =	vld [tilespmem:s18+$0x700]  }
0x3b4: {  	s23 =	sadd.s32 $0x2, s9;
	[dreg:$0x1b] =	wrdreg s6;
	s5 =	simm.s32 @!p0 $0x0;
	v10 =	vmul.f32 v10, v4;
	[tilespmem:s24+$0x8700] =	vst v12;
	v12 =	vld [tilespmem:s18+$0x4700];
	v9 =	vsub.f32 v9, v11  }
0x3b5: {  	s9 =	sadd.s32 $0x4, s9;
	s5 =	sshll.u32 s5, $0x9;
	s30 =	sadd.s32 $0x180, s4;
	v11 =	vld [tilespmem:s19+$0x700]  }
0x3b6: {  	s21 =	sand.u32 $0x380, s3;
	s7 =	sor.u32 $0x420, s30;
	s6 =	sor.u32 $0x430, s30;
	[tilespmem:s26+$0x8700] =	vst v10;
	v10 =	vld [tilespmem:s19+$0x4700];
	v9 =	vmul.f32 v9, v3  }
0x3b7: {  	v18 =	vld [tilespmem:s29+$0x4700];
	s24 =	sor.u32 s14, s11;
	s12 =	sor.u32 s14, s21;
	[dreg:$0x17] =	wrdreg s6  }
0x3b8: {  	v19 =	vld [tilespmem:s29+$0x710];
	s26 =	sor.u32 s8, s14;
	s8 =	sor.u32 $0x400, s30;
	[tilespmem:s1+$0x8700] =	vst v9;
	s1 =	sadd.s32 s17, s5;
	v9 =	vmov s23  }
0x3b9: {  	v20 =	vld [tilespmem:s29+$0x4710];
	s14 =	sor.u32 $0x410, s30;
	s23 =	sor.u32 $0x400, s28;
	v9 =	vand.u32 $0xFFFFFFFE, v9;
	s5 =	sor.u32 $0x430, s1  }
0x3ba: {  	v17 =	vld [tilespmem:s29+$0x700];
	v12 =	vsub.f32 v13, v12;
	s4 =	sor.u32 $0x400, s1;
	s6 =	sor.u32 $0x440, s1;
	v9 =	vbroadcast v9, $0x0;
	[dreg:$0x19] =	wrdreg s5  }
0x3bb: {  	v14 =	vld [tilespmem:s29+$0x4740];
	v3 =	vmov v6;
	s21 =	sor.u32 $0x410, s1;
	v10 =	vsub.f32 v11, v10;
	[dreg:$0xf] =	wrdreg s6;
	s5 =	sor.u32 $0x440, s28  }
0x3bc: {  	v16 =	vld [tilespmem:s29+$0x4750];
	s11 =	sor.u32 $0x420, s1;
	v12 =	vmul.f32 v12, v3;
	s6 =	sor.u32 $0x440, s30;
	[dreg:$0x11] =	wrdreg s5  }
0x3bd: {  	v6 =	vmov v15;
	v15 =	vld [tilespmem:s29+$0x760];
	[dreg:$0xd] =	wrdreg s6;
	s6 =	sor.u32 $0x450, s1;
	s5 =	sor.u32 $0x450, s28;
	v10 =	vmul.f32 v10, v5  }
0x3be: {  	v22 =	vsub.f32 v19, v20;
	v19 =	vld [tilespmem:s29+$0x4770];
	[tilespmem:s18+$0x8700] =	vst v12;
	[dreg:$0xb] =	wrdreg s5;
	s5 =	sor.u32 $0x460, s28;
	s28 =	sor.u32 $0x470, s28  }
0x3bf: {  	v24 =	vsub.f32 v17, v18;
	v18 =	vld [tilespmem:s29+$0x4760];
	s18 =	sor.u32 $0x450, s30;
	[dreg:$0x15] =	wrdreg s28;
	[tilespmem:s19+$0x8700] =	vst v10;
	s19 =	sor.u32 $0x460, s1  }
0x3c0: {  	s28 =	sor.u32 $0x470, s30;
	s1 =	sor.u32 $0x470, s1;
	[dreg:$0x1f] =	wrdreg s19;
	v9 =	vld.idx.msk [tilespmem:v9+s31+$0x0], $0xffff  }
.Ltmp1:
0x3c1: {  	v17 =	vld [tilespmem:s29+$0x770];
	s19 =	sor.u32 $0x460, s30;
	[dreg:$0x13] =	wrdreg s1;
	(pc) =	sbr.rel @p1 .LBB2_4-.Ltmp1, $4  }
0x3c2: {  	v13 =	vld [tilespmem:s29+$0x740];
	s30 =	smov.u32 s0;
	s0 =	smov.u32 s15;
	s15 =	smov.u32 s25  }
0x3c3: {  	v11 =	vld [tilespmem:s29+$0x730];
	s25 =	smov.u32 s16;
	s1 =	smov.u32 s13;
	[dreg:$0x1e] =	wrdreg s19  }
0x3c4: {  	v12 =	vld [tilespmem:s29+$0x4730];
	s16 =	smov.u32 s28;
	s31 =	smov.u32 s22;
	s22 =	sld [smem:$0x7EE]  }
0x3c5: {  	v21 =	vsub.f32 v21, v23;
	v10 =	vld [tilespmem:s29+$0x750];
	s19 =	smov.u32 s6;
	s6 =	smov.u32 s11;
	s11 =	sld [smem:$0x7EF];
	v20 =	vmul.f32 v24, v9  }
0x3c6: {  	v23 =	vld [tilespmem:s26+$0x700]  }
0x3c7: {  	v24 =	vld [tilespmem:s26+$0x4700]  }
0x3c8: {  	v25 =	vld [tilespmem:s26+$0x710]  }
0x3c9: {  	v26 =	vld [tilespmem:s26+$0x4710]  }
0x3ca: {  	v51 =	vld [tilespmem:s26+$0x720]  }
0x3cb: {  	v52 =	vld [tilespmem:s26+$0x4720]  }
0x3cc: {  	v55 =	vld [tilespmem:s26+$0x730]  }
0x3cd: {  	v56 =	vld [tilespmem:s26+$0x4730]  }
0x3ce: {  	v59 =	vld [tilespmem:s26+$0x740]  }
0x3cf: {  	v62 =	vld [tilespmem:s26+$0x4740]  }
0x3d0: {  	v63 =	vld [tilespmem:s26+$0x4750]  }
0x3d1: {  	v34 =	vld [tilespmem:s24+$0x700]  }
0x3d2: {  	v35 =	vld [tilespmem:s24+$0x4700]  }
0x3d3: {  	v37 =	vld [tilespmem:s26+$0x770]  }
0x3d4: {  	v38 =	vld [tilespmem:s24+$0x710]  }
0x3d5: {  	v39 =	vld [tilespmem:s24+$0x4710]  }
0x3d6: {  	v40 =	vld [tilespmem:s24+$0x720]  }
0x3d7: {  	v41 =	vld [tilespmem:s24+$0x4720]  }
0x3d8: {  	v42 =	vld [tilespmem:s24+$0x730]  }
0x3d9: {  	v43 =	vld [tilespmem:s24+$0x4730]  }
0x3da: {  	v44 =	vld [tilespmem:s26+$0x4770]  }
0x3db: {  	v46 =	vld [tilespmem:s24+$0x740]  }
0x3dc: {  	v47 =	vld [tilespmem:s24+$0x4740]  }
0x3dd: {  	v27 =	vld [tilespmem:s24+$0x750]  }
0x3de: {  	v48 =	vld [tilespmem:s12+$0x700]  }
0x3df: {  	v49 =	vld [tilespmem:s12+$0x4700]  }
0x3e0: {  	v22 =	vmul.f32 v22, v9;
	v15 =	vsub.f32 v15, v18;
	v28 =	vld [tilespmem:s24+$0x4750]  }
0x3e1: {  	v17 =	vsub.f32 v17, v19;
	v29 =	vld [tilespmem:s12+$0x710];
	[tilespmem:s29+$0x8700] =	vst v20;
	v50 =	vmul.f32 v21, v9  }
0x3e2: {  	v30 =	vld [tilespmem:s24+$0x760];
	v13 =	vsub.f32 v13, v14;
	[tilespmem:s29+$0x8710] =	vst v22;
	v15 =	vmul.f32 v15, v9  }
0x3e3: {  	v31 =	vld [tilespmem:s12+$0x4720];
	v17 =	vmul.f32 v17, v9;
	v11 =	vsub.f32 v11, v12;
	[tilespmem:s29+$0x8720] =	vst v50  }
0x3e4: {  	v32 =	vld [tilespmem:s24+$0x4760];
	v54 =	vmul.f32 v13, v9;
	v10 =	vsub.f32 v10, v16;
	[tilespmem:s29+$0x8760] =	vst v15  }
0x3e5: {  	v13 =	vld [tilespmem:s26+$0x4760];
	[tilespmem:s29+$0x8770] =	vst v17;
	v11 =	vmul.f32 v11, v9;
	v53 =	vsub.f32 v23, v24  }
0x3e6: {  	v50 =	vld [tilespmem:s12+$0x4710];
	v58 =	vsub.f32 v25, v26;
	[tilespmem:s29+$0x8740] =	vst v54;
	v10 =	vmul.f32 v10, v9  }
0x3e7: {  	v15 =	vld [tilespmem:s26+$0x750];
	v18 =	vsub.f32 v34, v35;
	[tilespmem:s29+$0x8730] =	vst v11;
	v57 =	vmul.f32 v53, v7  }
0x3e8: {  	v61 =	vsub.f32 v51, v52;
	v19 =	vsub.f32 v40, v41;
	v51 =	vld [tilespmem:s12+$0x720];
	v60 =	vmul.f32 v58, v7;
	[tilespmem:s29+$0x8750] =	vst v10  }
0x3e9: {  	s2 =	sadd.s32 $0x2, s25;
	v24 =	vsub.f32 v42, v43;
	v52 =	vld [tilespmem:s12+$0x730];
	v18 =	vmul.f32 v18, v8;
	[tilespmem:s26+$0x8700] =	vst v57  }
0x3ea: {  	s2 =	sand.u32 $0x3, s2;
	v33 =	vsub.f32 v55, v56;
	v55 =	vld [tilespmem:s12+$0x740];
	v12 =	vsub.f32 v59, v62;
	v19 =	vmul.f32 v19, v8;
	[tilespmem:s26+$0x8710] =	vst v60  }
0x3eb: {  	s2 =	sshll.u32 s2, $0x8;
	v56 =	vld [tilespmem:s12+$0x4740];
	v24 =	vmul.f32 v24, v8;
	[tilespmem:s24+$0x8700] =	vst v18  }
0x3ec: {  	s2 =	sadd.s32 s17, s2;
	v45 =	vsub.f32 v38, v39;
	v38 =	vld [tilespmem:s12+$0x770];
	v12 =	vmul.f32 v12, v7;
	[tilespmem:s24+$0x8720] =	vst v19  }
0x3ed: {  	s2 =	sadd.s32 $0x100, s2;
	v41 =	vld [tilespmem:s12+$0x4770];
	v10 =	vmul.f32 v61, v7;
	[tilespmem:s24+$0x8730] =	vst v24  }
0x3ee: {  	s3 =	sor.u32 $0x400, s2;
	v11 =	vld [tilespmem:s26+$0x760];
	v18 =	vmul.f32 v45, v8;
	v19 =	vsub.f32 v29, v50;
	[tilespmem:s26+$0x8740] =	vst v12  }
0x3ef: {  	v17 =	vld [tilespmem:s3+$0x700];
	v63 =	vsub.f32 v15, v63;
	[tilespmem:s26+$0x8720] =	vst v10;
	v10 =	vmul.f32 v33, v7  }
0x3f0: {  	v40 =	vsub.f32 v30, v32;
	v36 =	vld [tilespmem:s3+$0x4700];
	[tilespmem:s24+$0x8710] =	vst v18;
	v54 =	vmul.f32 v19, v6  }
0x3f1: {  	v58 =	vld [tilespmem:s24+$0x770];
	v57 =	vsub.f32 v51, v31;
	v45 =	vsub.f32 v55, v56;
	v34 =	vmul.f32 v63, v7;
	[tilespmem:s26+$0x8730] =	vst v10  }
0x3f2: {  	v31 =	vld [tilespmem:s24+$0x4770];
	v18 =	vsub.f32 v48, v49;
	v10 =	vsub.f32 v37, v44;
	v44 =	vmul.f32 v40, v8;
	[tilespmem:s12+$0x8710] =	vst v54  }
0x3f3: {  	v53 =	vld [tilespmem:s12+$0x4730];
	v50 =	vsub.f32 v38, v41;
	v48 =	vmul.f32 v45, v6;
	[tilespmem:s26+$0x8750] =	vst v34  }
0x3f4: {  	v37 =	vsub.f32 v27, v28;
	v18 =	vmul.f32 v18, v6;
	[tilespmem:s24+$0x8760] =	vst v44  }
0x3f5: {  	v62 =	vld [tilespmem:s12+$0x4750];
	v54 =	vmul.f32 v50, v6;
	v17 =	vsub.f32 v17, v36;
	[tilespmem:s12+$0x8740] =	vst v48  }
0x3f6: {  	v35 =	vld [tilespmem:s12+$0x4760];
	v36 =	vsub.f32 v46, v47;
	v12 =	vmul.f32 v37, v8;
	[tilespmem:s12+$0x8700] =	vst v18  }
0x3f7: {  	v60 =	vld [tilespmem:s12+$0x750];
	v11 =	vsub.f32 v11, v13;
	v13 =	vsub.f32 v58, v31;
	[tilespmem:s12+$0x8770] =	vst v54;
	v59 =	vmul.f32 v17, v9  }
0x3f8: {  	v29 =	vld [tilespmem:s12+$0x760];
	v61 =	vsub.f32 v52, v53;
	v39 =	vmul.f32 v36, v8;
	[tilespmem:s24+$0x8750] =	vst v12  }
0x3f9: {  	s9 =	sor.u32 $0x410, s2;
	v46 =	vmul.f32 v13, v8;
	[tilespmem:s3+$0x8700] =	vst v59  }
0x3fa: {  	v33 =	vmul.f32 v61, v6;
	[tilespmem:s24+$0x8740] =	vst v39;
	v42 =	vld [tilespmem:s9+$0x700]  }
0x3fb: {  	v11 =	vmul.f32 v11, v7;
	v43 =	vld [tilespmem:s9+$0x4700];
	[tilespmem:s24+$0x8770] =	vst v46  }
0x3fc: {  	v10 =	vmul.f32 v10, v7;
	v47 =	vsub.f32 v60, v62;
	[tilespmem:s12+$0x8730] =	vst v33;
	v51 =	vld [tilespmem:s23+$0x700]  }
0x3fd: {  	v14 =	vsub.f32 v29, v35;
	v18 =	vmul.f32 v57, v6;
	[tilespmem:s26+$0x8760] =	vst v11;
	v53 =	vld [tilespmem:s23+$0x4700]  }
0x3fe: {  	[tilespmem:s26+$0x8770] =	vst v10;
	v49 =	vmul.f32 v47, v6  }
0x3ff: {  	v52 =	vmul.f32 v14, v6;
	[tilespmem:s12+$0x8720] =	vst v18;
	v55 =	vld [tilespmem:s4+$0x700]  }
0x400: {  	v56 =	vld [tilespmem:s4+$0x4700];
	[tilespmem:s12+$0x8750] =	vst v49;
	v10 =	vsub.f32 v42, v43  }
0x401: {  	[tilespmem:s12+$0x8760] =	vst v52  }
0x402: {  	v12 =	vld [tilespmem:s8+$0x700];
	v14 =	vsub.f32 v51, v53;
	v10 =	vmul.f32 v10, v9  }
0x403: {  	v57 =	vld [tilespmem:s8+$0x4700]  }
0x404: {  	s13 =	sor.u32 $0x420, s2;
	v60 =	vmul.f32 v14, v8;
	[tilespmem:s9+$0x8700] =	vst v10  }
0x405: {  	v11 =	vsub.f32 v55, v56;
	v58 =	vld [tilespmem:s13+$0x700]  }
0x406: {  	v59 =	vld [tilespmem:s13+$0x4700];
	[tilespmem:s23+$0x8700] =	vst v60  }
0x407: {  	v11 =	vmul.f32 v11, v7;
	v61 =	vld [tilespmem:s20+$0x700]  }
0x408: {  	v10 =	vsub.f32 v12, v57;
	v13 =	vld [tilespmem:s20+$0x4700]  }
0x409: {  	[tilespmem:s4+$0x8700] =	vst v11  }
0x40a: {  	v63 =	vld [tilespmem:s21+$0x700];
	v10 =	vmul.f32 v10, v6  }
0x40b: {  	v21 =	vld [tilespmem:s21+$0x4700];
	v62 =	vsub.f32 v58, v59  }
0x40c: {  	[tilespmem:s8+$0x8700] =	vst v10  }
0x40d: {  	v22 =	vld [tilespmem:s14+$0x700];
	v12 =	vsub.f32 v61, v13;
	v20 =	vmul.f32 v62, v9  }
0x40e: {  	v23 =	vld [tilespmem:s14+$0x4700]  }
0x40f: {  	s17 =	sor.u32 $0x430, s2;
	v12 =	vmul.f32 v12, v8;
	[tilespmem:s13+$0x8700] =	vst v20  }
0x410: {  	v11 =	vsub.f32 v63, v21;
	v24 =	vld [tilespmem:s17+$0x700]  }
0x411: {  	v25 =	vld [tilespmem:s17+$0x4700];
	[tilespmem:s20+$0x8700] =	vst v12  }
0x412: {  	v11 =	vmul.f32 v11, v7;
	v12 =	vld [tilespmem:s10+$0x700]  }
0x413: {  	v10 =	vsub.f32 v22, v23;
	v27 =	vld [tilespmem:s10+$0x4700]  }
0x414: {  	[tilespmem:s21+$0x8700] =	vst v11  }
0x415: {  	v28 =	vld [tilespmem:s6+$0x700];
	v10 =	vmul.f32 v10, v6  }
0x416: {  	v30 =	vld [tilespmem:s6+$0x4700]  }
0x417: {  	[tilespmem:s14+$0x8700] =	vst v10;
	v26 =	vsub.f32 v24, v25  }
0x418: {  	v31 =	vld [tilespmem:s7+$0x700];
	v12 =	vsub.f32 v12, v27  }
0x419: {  	v32 =	vld [tilespmem:s7+$0x4700];
	v29 =	vmul.f32 v26, v9  }
0x41a: {  	v12 =	vmul.f32 v12, v8  }
0x41b: {  	s21 =	sor.u32 $0x440, s2;
	v11 =	vsub.f32 v28, v30;
	[tilespmem:s17+$0x8700] =	vst v29  }
0x41c: {  	v33 =	vld [tilespmem:s21+$0x700];
	s4 =	rddreg [dreg:$0x9];
	[tilespmem:s10+$0x8700] =	vst v12  }
0x41d: {  	v11 =	vmul.f32 v11, v7;
	v34 =	vld [tilespmem:s21+$0x4700];
	s9 =	rddreg [dreg:$0x1b]  }
0x41e: {  	v10 =	vsub.f32 v31, v32;
	v37 =	vld [tilespmem:s9+$0x700]  }
0x41f: {  	[tilespmem:s6+$0x8700] =	vst v11;
	v39 =	vld [tilespmem:s9+$0x4700]  }
0x420: {  	v10 =	vmul.f32 v10, v6;
	s6 =	rddreg [dreg:$0x19]  }
0x421: {  	v40 =	vld [tilespmem:s6+$0x700]  }
0x422: {  	[tilespmem:s7+$0x8700] =	vst v10;
	v42 =	vld [tilespmem:s6+$0x4700]  }
0x423: {  	s24 =	rddreg [dreg:$0x17];
	v38 =	vsub.f32 v33, v34  }
0x424: {  	v43 =	vld [tilespmem:s24+$0x700];
	v13 =	vsub.f32 v37, v39  }
0x425: {  	v44 =	vld [tilespmem:s24+$0x4700];
	v41 =	vmul.f32 v38, v9  }
0x426: {  	v35 =	vld [tilespmem:s4+$0x700];
	v13 =	vmul.f32 v13, v8  }
0x427: {  	s25 =	sor.u32 $0x450, s2;
	v36 =	vld [tilespmem:s4+$0x4700];
	v11 =	vsub.f32 v40, v42;
	[tilespmem:s21+$0x8700] =	vst v41  }
0x428: {  	v45 =	vld [tilespmem:s25+$0x700];
	[tilespmem:s9+$0x8700] =	vst v13  }
0x429: {  	v46 =	vld [tilespmem:s25+$0x4700];
	v11 =	vmul.f32 v11, v7;
	s7 =	rddreg [dreg:$0x11]  }
0x42a: {  	v10 =	vsub.f32 v43, v44;
	v50 =	vld [tilespmem:s7+$0x700]  }
0x42b: {  	[tilespmem:s6+$0x8700] =	vst v11;
	v52 =	vld [tilespmem:s7+$0x4700]  }
0x42c: {  	v48 =	vld [tilespmem:s11+$0x4700];
	v10 =	vmul.f32 v10, v6;
	s6 =	rddreg [dreg:$0xf]  }
0x42d: {  	v53 =	vld [tilespmem:s6+$0x700]  }
0x42e: {  	v12 =	vsub.f32 v35, v36;
	[tilespmem:s24+$0x8700] =	vst v10;
	v55 =	vld [tilespmem:s6+$0x4700]  }
0x42f: {  	v47 =	vld [tilespmem:s11+$0x700];
	s23 =	smov.u32 s5;
	v51 =	vsub.f32 v45, v46;
	s5 =	rddreg [dreg:$0xd]  }
0x430: {  	v12 =	vmul.f32 v12, v4;
	v56 =	vld [tilespmem:s5+$0x700];
	v15 =	vsub.f32 v50, v52  }
0x431: {  	v57 =	vld [tilespmem:s5+$0x4700];
	v54 =	vmul.f32 v51, v9  }
0x432: {  	v49 =	vld [tilespmem:s22+$0x700];
	[tilespmem:s4+$0x8700] =	vst v12;
	v15 =	vmul.f32 v15, v8  }
0x433: {  	s26 =	sor.u32 $0x460, s2;
	v60 =	vld [tilespmem:s22+$0x4700];
	[tilespmem:s25+$0x8700] =	vst v54;
	v11 =	vsub.f32 v53, v55  }
0x434: {  	v58 =	vld [tilespmem:s26+$0x700];
	[tilespmem:s7+$0x8700] =	vst v15  }
0x435: {  	v59 =	vld [tilespmem:s26+$0x4700];
	v11 =	vmul.f32 v11, v7;
	s4 =	rddreg [dreg:$0xb]  }
0x436: {  	v10 =	vsub.f32 v56, v57;
	v63 =	vld [tilespmem:s4+$0x700]  }
0x437: {  	[tilespmem:s6+$0x8700] =	vst v11;
	v25 =	vld [tilespmem:s4+$0x4700]  }
0x438: {  	v10 =	vmul.f32 v10, v6;
	v26 =	vld [tilespmem:s19+$0x700]  }
0x439: {  	v30 =	vsub.f32 v49, v60;
	v28 =	vld [tilespmem:s19+$0x4700]  }
0x43a: {  	v61 =	vld [tilespmem:s15+$0x700];
	[tilespmem:s5+$0x8700] =	vst v10  }
0x43b: {  	v27 =	vsub.f32 v47, v48;
	v33 =	vmul.f32 v30, v5;
	v29 =	vld [tilespmem:s18+$0x700]  }
0x43c: {  	v24 =	vsub.f32 v58, v59;
	v31 =	vld [tilespmem:s18+$0x4700]  }
0x43d: {  	v62 =	vld [tilespmem:s15+$0x4700];
	[tilespmem:s22+$0x8700] =	vst v33;
	v10 =	vmul.f32 v27, v3;
	v14 =	vsub.f32 v63, v25  }
0x43e: {  	v37 =	vld [tilespmem:s0+$0x700];
	v11 =	vmul.f32 v24, v9;
	v16 =	vsub.f32 v26, v28  }
0x43f: {  	v44 =	vld [tilespmem:s0+$0x4700];
	[tilespmem:s11+$0x8700] =	vst v10;
	v14 =	vmul.f32 v14, v8  }
0x440: {  	v35 =	vld [tilespmem:s31+$0x700];
	[tilespmem:s26+$0x8700] =	vst v11;
	v16 =	vmul.f32 v16, v7  }
0x441: {  	v36 =	vld [tilespmem:s31+$0x4700];
	v12 =	vsub.f32 v29, v31;
	[tilespmem:s4+$0x8700] =	vst v14  }
0x442: {  	[tilespmem:s19+$0x8700] =	vst v16;
	v38 =	vld [tilespmem:s23+$0x700]  }
0x443: {  	v12 =	vmul.f32 v12, v6;
	v39 =	vld [tilespmem:s23+$0x4700];
	s3 =	rddreg [dreg:$0x1f]  }
0x444: {  	v40 =	vld [tilespmem:s3+$0x700]  }
0x445: {  	s2 =	sor.u32 $0x470, s2;
	v15 =	vsub.f32 v61, v62;
	[tilespmem:s18+$0x8700] =	vst v12;
	v41 =	vld [tilespmem:s3+$0x4700]  }
0x446: {  	v32 =	vld [tilespmem:s2+$0x700];
	s18 =	rddreg [dreg:$0x1e]  }
0x447: {  	v15 =	vmul.f32 v15, v4;
	v10 =	vsub.f32 v35, v36;
	v42 =	vld [tilespmem:s18+$0x700]  }
0x448: {  	v43 =	vld [tilespmem:s18+$0x4700];
	v16 =	vsub.f32 v38, v39  }
0x449: {  	v34 =	vld [tilespmem:s2+$0x4700];
	v10 =	vmul.f32 v10, v3;
	[tilespmem:s15+$0x8700] =	vst v15  }
0x44a: {  	v45 =	vld [tilespmem:s30+$0x700];
	v12 =	vsub.f32 v40, v41;
	v16 =	vmul.f32 v16, v8  }
0x44b: {  	[tilespmem:s31+$0x8700] =	vst v10;
	v46 =	vld [tilespmem:s30+$0x4700]  }
0x44c: {  	v47 =	vld [tilespmem:s1+$0x700];
	v12 =	vmul.f32 v12, v7;
	[tilespmem:s23+$0x8700] =	vst v16  }
0x44d: {  	v48 =	vld [tilespmem:s1+$0x4700];
	v17 =	vsub.f32 v42, v43;
	s19 =	rddreg [dreg:$0x15]  }
0x44e: {  	[tilespmem:s3+$0x8700] =	vst v12;
	v49 =	vld [tilespmem:s19+$0x700]  }
0x44f: {  	v17 =	vmul.f32 v17, v6;
	v50 =	vld [tilespmem:s19+$0x4700];
	s3 =	rddreg [dreg:$0x13]  }
0x450: {  	v51 =	vld [tilespmem:s3+$0x700]  }
0x451: {  	[tilespmem:s18+$0x8700] =	vst v17;
	v52 =	vld [tilespmem:s3+$0x4700]  }
0x452: {  	v11 =	vsub.f32 v32, v34;
	v53 =	vld [tilespmem:s16+$0x700]  }
0x453: {  	v14 =	vsub.f32 v37, v44;
	v54 =	vld [tilespmem:s16+$0x4700]  }
0x454: {  	v55 =	vmul.f32 v11, v9;
	v10 =	vsub.f32 v45, v46  }
0x455: {  	v56 =	vmul.f32 v14, v5;
	v57 =	vsub.f32 v47, v48  }
0x456: {  	v58 =	vmul.f32 v10, v4;
	[tilespmem:s2+$0x8700] =	vst v55;
	v59 =	vsub.f32 v49, v50  }
0x457: {  	[tilespmem:s0+$0x8700] =	vst v56;
	v3 =	vmul.f32 v57, v3;
	v60 =	vsub.f32 v51, v52  }
0x458: {  	[tilespmem:s30+$0x8700] =	vst v58;
	v61 =	vmul.f32 v59, v8;
	v62 =	vsub.f32 v53, v54  }
0x459: {  	[tilespmem:s1+$0x8700] =	vst v3;
	v3 =	vmul.f32 v60, v7  }
0x45a: {  	[tilespmem:s19+$0x8700] =	vst v61;
	v63 =	vmul.f32 v62, v6  }
0x45b: {  	[tilespmem:s3+$0x8700] =	vst v3  }
0x45c: {  	[tilespmem:s16+$0x8700] =	vst v63  }
0x45d: {  	s0 =	sld [smem:$0x7FC];
	_ =	sdelay $0x1  }
0x45e: {  	s28 =	simm.s32 $0xA700;
	s29 =	simm.s32 $0x4;
	s12 =	simm.s32 $0x0  }
0x45f: {  	[hbm4b:s0+s12] =	stream.linear.scatter [tilespmem:s28], [sflag:$0x4], $0x2000, $0x38;
	[tilespmem:$0xC700] =	vst v63  }
0x460: {  	_ =	swait.ge [sflag:s29], $0x2000  }
0x461: {  	[sflag:s29] =	ssyncset.done $0x0  }
0x462: {  	[sflag:s29] =	ssyncadd.s32 $0xFFFFE000  }
0x463: {  	_ =	swait.ge [sflag:s29], $0x2000  }
0x464: {  	s30 =	sld [smem:$0x7F2]  }
0x465: {  	s31 =	sld [smem:$0x7FD];
	_ =	sdelay $0x1  }
0x466: {  	s2 =	sadd.s32 $0x1, s30  }
0x467: {  	p0 =	sne.s32 s2, s31  }
.Ltmp2:
0x468: {  	_ = 	snop;
	(pc) =	sbr.rel @p0 .LBB2_1-.Ltmp2, $3  }
0x469: {  	_ =	sdelay $0x1  }
0x46a: {  	[sflag:s29] =	ssyncset.done $0x0  }
0x46b: {  	s13 =	simm.s32 $0x680;
	[sflag:s29] =	ssyncadd.s32 $0xFFFFE000  }
0x46c: {  	_ =	sfence.sel $0x180000  }
0x46d: {  	[bflag:$0x0] =	sbarrier.arrive $0xFFFF  }
0x46e: {  	_ =	strace $0x90000047  }
0x46f: {  	s0 =	stileid.u32;
	[bflag:$0x2] =	sbarrier.arrive $0xFFFF  }
0x470: {  	p0 =	sne.s32 s0, $0x0;
	s0 =	rddreg [dreg:$0x8]  }
0x471: {  	s0 =	sadd.s32 @!p0 $0x100000, s0  }
0x472: {  	[sflag:s0] =	ssyncadd.tile.s32 @!p0 $0x1;
	_ =	shalt  }
.Lfunc_end2:
_tile_overlayer_lowered:
.L_overlay_start_2:
0x473: {  	(tag) =	ssettag $0x2  }
0x474: {  	s0 =	rddreg [dreg:$0x0];
	s2 =	stileid.u32  }
0x475: {  	s1 =	rddreg [dreg:$0x1];
	p0 =	sne.s32 s2, $0x0  }
0x476: {  	s3 =	rddreg [dreg:$0x2];
	[bflag:$0x3] =	sbarrier.arrive $0xFFFF;
	s2 =	simm.s32 @!p0 $0x1C05  }
0x477: {  	[timem:s3], [sflag:s2] =	dma.local @!p0 [hbm:s0], s1  }
0x478: {  	s0 =	simm.s32 @!p0 $0x5  }
0x479: {  	_ =	swait.ge @!p0 [sflag:s0], s1  }
0x47a: {  	s1 =	ssub.s32 @!p0 $0x0, s1;
	[sflag:s0] =	ssyncset.done @!p0 $0x0  }
0x47b: {  	[sflag:s0] =	ssyncadd.s32 @!p0 s1  }
0x47c: {  	[bflag:$0x3] =	sbarrier.arrive $0xFFFF  }
0x47d: {  	_ =	shalt  }

</sc_bundles>
